<compile_context>
chip_gen: v7x
topology: tpu7x:2x2x1
jax: 0.10.2.dev20260603
libtpu: 0.0.44.dev20260713+nightly
codegen_flags: <defaults>
</compile_context>

<pallas_src>
import functools

import jax
import jax.numpy as jnp
from jax import lax
from jax.experimental import pallas as pl
from jax.experimental.pallas import tpu as pltpu
from jax.experimental.pallas import tpu_sc as plsc

VOCAB = 6
NAUX = 5
HID = 512
NC = 2
NS = 16
NW = NC * NS
CH = 32


def _body(ids_hbm, aux_hbm, zeros_hbm, out_hbm,
          idsall, auxall, buf0, buf1, semo0, semo1):
    n = out_hbm.shape[0]
    rows_per_w = n // NW
    nchunk = rows_per_w // CH
    npair = nchunk // 2
    seq = ids_hbm.shape[1]
    wid = lax.axis_index("s") * NC + lax.axis_index("c")
    base0 = wid * rows_per_w
    ib = base0 // seq
    sbase = base0 - ib * seq

    iota = lax.iota(jnp.int32, 16)
    ones = jnp.ones((16,), jnp.float32)
    zero16 = jnp.zeros((16,), jnp.float32)
    colidx = jnp.clip(iota - VOCAB, 0, NAUX - 1)
    auxmask = (iota >= VOCAB) & (iota < VOCAB + NAUX)

    def fill(buf, c):
        off = c * CH
        for row in range(CH):
            avidx = jnp.full((16,), (off + row) * NAUX, jnp.int32) + colidx
            av = plsc.load_gather(auxall, [avidx])
            buf[row, 0:16] = jnp.where(auxmask, av, zero16)
        for g in range(CH // 16):
            rows16 = off + g * 16 + iota
            idsv = plsc.load_gather(idsall, [rows16])
            plsc.store_scatter(buf, [g * 16 + iota, idsv], ones)

    def out_start(buf, c, semo):
        pltpu.async_copy(buf, out_hbm.at[pl.ds(base0 + c * CH, CH)], semo)

    def out_wait(buf, semo):
        pltpu.make_async_copy(buf, out_hbm.at[pl.ds(base0, CH)], semo).wait()

    pltpu.sync_copy(ids_hbm.at[ib, pl.ds(sbase, rows_per_w)], idsall)
    pltpu.sync_copy(aux_hbm.at[ib, pl.ds(sbase * NAUX, rows_per_w * NAUX)], auxall)
    pltpu.sync_copy(zeros_hbm, buf0)
    pltpu.sync_copy(zeros_hbm, buf1)

    fill(buf0, 0)
    out_start(buf0, 0, semo0)
    fill(buf1, 1)
    out_start(buf1, 1, semo1)

    def pair(p, carry):
        c0 = 2 * p
        out_wait(buf0, semo0)
        fill(buf0, c0)
        out_start(buf0, c0, semo0)
        out_wait(buf1, semo1)
        fill(buf1, c0 + 1)
        out_start(buf1, c0 + 1, semo1)
        return carry

    lax.fori_loop(1, npair, pair, 0)
    out_wait(buf0, semo0)
    out_wait(buf1, semo1)


def kernel(input_ids, aux_features):
    B, S = input_ids.shape
    N = B * S
    rows_per_w = N // NW
    aux2d = aux_features.reshape(B, S * NAUX)
    zeros = jnp.zeros((CH, HID), jnp.float32)

    k = functools.partial(
        pl.kernel,
        out_type=jax.ShapeDtypeStruct((N, HID), jnp.float32),
        mesh=plsc.VectorSubcoreMesh(core_axis_name="c", subcore_axis_name="s"),
        compiler_params=pltpu.CompilerParams(
            needs_layout_passes=False, use_tc_tiling_on_sc=True),
        scratch_types=[
            pltpu.VMEM((rows_per_w,), jnp.int32),
            pltpu.VMEM((rows_per_w * NAUX,), jnp.float32),
            pltpu.VMEM((CH, HID), jnp.float32),
            pltpu.VMEM((CH, HID), jnp.float32),
            pltpu.SemaphoreType.DMA,
            pltpu.SemaphoreType.DMA,
        ],
    )(_body)
    out = k(input_ids.astype(jnp.int32), aux2d, zeros)
    return out.reshape(B, S, HID)

# --- scband reference (transcript-rebuilt; emitter-appended) ---
"""Pipeline reference for scband-gpnembedding-80719615361333 (READ-ONLY COPY).

The authoritative reference and input builder live on the scoring server;
editing this copy changes nothing except your own understanding.
"""

import jax, jax.numpy as jnp
import numpy as np

VOCAB_SIZE = 6
N_AUX = 5
HIDDEN = 512

def setup_inputs(seed: int = 0) -> dict:
    key = jax.random.key(seed)
    k1, k2 = jax.random.split(key)
    input_ids = jax.random.randint(k1, (16, 4096), 0, VOCAB_SIZE, dtype=jnp.int64 if jax.config.jax_enable_x64 else jnp.int32)
    aux_features = jax.random.normal(k2, (16, 4096, N_AUX), dtype=jnp.float32)
    return {"input_ids": input_ids, "aux_features": aux_features}

def reference(input_ids, aux_features):
    # res = F.one_hot(input_ids, num_classes=hidden_size).float()
    res = jax.nn.one_hot(input_ids, HIDDEN, dtype=jnp.float32)
    # res[:, :, vocab_size:vocab_size+n_aux] = aux_features
    res = res.at[:, :, VOCAB_SIZE:VOCAB_SIZE + N_AUX].set(aux_features)
    return res

if __name__ == "__main__":
    import jax
    _d = setup_inputs()
    print(jax.jit(kernel)(*tuple(_d.values())))

</pallas_src>

<mosaic_0001>
#map = affine_map<(d0, d1) -> (0, 0)>
module attributes {stable_mosaic.version = 14 : i64} {
  func.func @_body(%arg0: i32, %arg1: i32, %arg2: memref<16x4096xi32, #tpu.memory_space<hbm>>, %arg3: memref<16x20480xf32, #tpu.memory_space<hbm>>, %arg4: memref<32x512xf32, #tpu.memory_space<hbm>>, %arg5: memref<65536x512xf32, #tpu.memory_space<hbm>>, %arg6: memref<2048xi32, #tpu.memory_space<vmem>>, %arg7: memref<10240xf32, #tpu.memory_space<vmem>>, %arg8: memref<32x512xf32, #tpu.memory_space<vmem>>, %arg9: memref<32x512xf32, #tpu.memory_space<vmem>>, %arg10: memref<!tpu.dma_semaphore, #tpu.memory_space<semaphore_mem>>, %arg11: memref<!tpu.dma_semaphore, #tpu.memory_space<semaphore_mem>>) attributes {dimension_semantics = [#tpu.dimension_semantics<core_parallel>, #tpu.dimension_semantics<subcore_parallel>], iteration_bounds = array<i64: 2, 16>, scalar_prefetch = 0 : i64, scratch_operands = 6 : i64, tpu.core_type = #tpu.core_type<sc_vector_subcore>, window_params = [{transform_indices = #map}, {transform_indices = #map}, {transform_indices = #map}, {transform_indices = #map}]} {
    %mul3A = arith.constant 2 : i32
    %mul3A_0 = arith.muli %arg1, %mul3A : i32
    %add3A = arith.addi %mul3A_0, %arg0 : i32
    %mul3A_1 = arith.constant 2048 : i32
    %mul3A_2 = arith.muli %add3A, %mul3A_1 : i32
    %jit3A = arith.constant 4096 : i32
    %div3A = arith.divsi %mul3A_2, %jit3A : i32
    %sign3A = arith.constant 0 : i32
    %sign3A_3 = arith.cmpi sgt, %mul3A_2, %sign3A : i32
    %sign3A_4 = arith.extui %sign3A_3 : i1 to i32
    %sign3A_5 = arith.constant 0 : i32
    %sign3A_6 = arith.cmpi slt, %mul3A_2, %sign3A_5 : i32
    %sign3A_7 = arith.extui %sign3A_6 : i1 to i32
    %sign3A_8 = arith.subi %sign3A_4, %sign3A_7 : i32
    %sign3A_9 = arith.constant 0 : i32
    %sign3A_10 = arith.cmpi sgt, %jit3A, %sign3A_9 : i32
    %sign3A_11 = arith.extui %sign3A_10 : i1 to i32
    %sign3A_12 = arith.constant 0 : i32
    %sign3A_13 = arith.cmpi slt, %jit3A, %sign3A_12 : i32
    %sign3A_14 = arith.extui %sign3A_13 : i1 to i32
    %sign3A_15 = arith.subi %sign3A_11, %sign3A_14 : i32
    %ne3A = arith.cmpi ne, %sign3A_8, %sign3A_15 : i32
    %rem3A = arith.remsi %mul3A_2, %jit3A : i32
    %ne3A_16 = arith.constant 0 : i32
    %ne3A_17 = arith.cmpi ne, %rem3A, %ne3A_16 : i32
    %and3A = arith.andi %ne3A, %ne3A_17 : i1
    %sub3A = arith.constant 1 : i32
    %sub3A_18 = arith.subi %div3A, %sub3A : i32
    %select_n3A = arith.select %and3A, %sub3A_18, %div3A : i32
    %mul3A_19 = arith.constant 4096 : i32
    %mul3A_20 = arith.muli %select_n3A, %mul3A_19 : i32
    %sub3A_21 = arith.subi %mul3A_2, %mul3A_20 : i32
    %iota3A = tpu.iota {dimensions = array<i32: 0>} : vector<16xi32>
    %broadcast_in_dim3A = arith.constant 1.000000e+00 : f32
    %broadcast_in_dim3A_22 = vector.broadcast %broadcast_in_dim3A : f32 to vector<16xf32>
    %broadcast_in_dim3A_23 = arith.constant 0.000000e+00 : f32
    %broadcast_in_dim3A_24 = vector.broadcast %broadcast_in_dim3A_23 : f32 to vector<16xf32>
    %sub3A_25 = arith.constant 6 : i32
    %sub3A_26 = vector.broadcast %sub3A_25 : i32 to vector<16xi32>
    %sub3A_27 = arith.subi %iota3A, %sub3A_26 : vector<16xi32>
    %jit3A_28 = arith.constant 0 : i32
    %jit3A_29 = arith.constant 4 : i32
    %max3A = vector.broadcast %jit3A_28 : i32 to vector<16xi32>
    %max3A_30 = arith.maxsi %max3A, %sub3A_27 : vector<16xi32>
    %min3A = vector.broadcast %jit3A_29 : i32 to vector<16xi32>
    %min3A_31 = arith.minsi %min3A, %max3A_30 : vector<16xi32>
    %ge3A = arith.constant 6 : i32
    %ge3A_32 = vector.broadcast %ge3A : i32 to vector<16xi32>
    %ge3A_33 = arith.cmpi sge, %iota3A, %ge3A_32 : vector<16xi32>
    %lt3A = arith.constant 11 : i32
    %lt3A_34 = vector.broadcast %lt3A : i32 to vector<16xi32>
    %lt3A_35 = arith.cmpi slt, %iota3A, %lt3A_34 : vector<16xi32>
    %and3A_36 = arith.andi %ge3A_33, %lt3A_35 : vector<16xi1>
    "tpu.region"() ({
      %run_scoped3A = tpu.sem_alloc : memref<!tpu.dma_semaphore, #tpu.memory_space<semaphore_mem>>
      %dma_start3A_664 = tpu.memref_slice %arg2[%select_n3A, %sub3A_21] : memref<16x4096xi32, #tpu.memory_space<hbm>> -> memref<1x2048xi32, #tpu.memory_space<hbm>>
      %dma_start3A_665 = tpu.memref_squeeze %dma_start3A_664 : memref<1x2048xi32, #tpu.memory_space<hbm>> -> memref<2048xi32, #tpu.memory_space<hbm>>
      %dma_start3A_666 = tpu.memref_slice %arg2[%select_n3A, %sub3A_21] : memref<16x4096xi32, #tpu.memory_space<hbm>> -> memref<1x2048xi32, #tpu.memory_space<hbm>>
      %dma_start3A_667 = tpu.memref_squeeze %dma_start3A_666 : memref<1x2048xi32, #tpu.memory_space<hbm>> -> memref<2048xi32, #tpu.memory_space<hbm>>
      tpu.enqueue_dma source(%dma_start3A_667 : memref<2048xi32, #tpu.memory_space<hbm>>) target(%arg6 : memref<2048xi32, #tpu.memory_space<vmem>>) target_semaphore(%run_scoped3A : memref<!tpu.dma_semaphore, #tpu.memory_space<semaphore_mem>>)
      %dma_wait3A_668 = tpu.memref_slice %arg2[%select_n3A, %sub3A_21] : memref<16x4096xi32, #tpu.memory_space<hbm>> -> memref<1x2048xi32, #tpu.memory_space<hbm>>
      %dma_wait3A_669 = tpu.memref_squeeze %dma_wait3A_668 : memref<1x2048xi32, #tpu.memory_space<hbm>> -> memref<2048xi32, #tpu.memory_space<hbm>>
      %dma_wait3A_670 = tpu.memref_slice %arg2[%select_n3A, %sub3A_21] : memref<16x4096xi32, #tpu.memory_space<hbm>> -> memref<1x2048xi32, #tpu.memory_space<hbm>>
      %dma_wait3A_671 = tpu.memref_squeeze %dma_wait3A_670 : memref<1x2048xi32, #tpu.memory_space<hbm>> -> memref<2048xi32, #tpu.memory_space<hbm>>
      tpu.wait_dma2 semaphore(%run_scoped3A : memref<!tpu.dma_semaphore, #tpu.memory_space<semaphore_mem>>) src(%dma_wait3A_671 : memref<2048xi32, #tpu.memory_space<hbm>>) dst(%arg6 : memref<2048xi32, #tpu.memory_space<vmem>>)
      tpu.yield
    }) : () -> ()
    %mul3A_37 = arith.constant 5 : i32
    %mul3A_38 = arith.muli %sub3A_21, %mul3A_37 : i32
    "tpu.region"() ({
      %run_scoped3A = tpu.sem_alloc : memref<!tpu.dma_semaphore, #tpu.memory_space<semaphore_mem>>
      %dma_start3A_664 = tpu.memref_slice %arg3[%select_n3A, %mul3A_38] : memref<16x20480xf32, #tpu.memory_space<hbm>> -> memref<1x10240xf32, #tpu.memory_space<hbm>>
      %dma_start3A_665 = tpu.memref_squeeze %dma_start3A_664 : memref<1x10240xf32, #tpu.memory_space<hbm>> -> memref<10240xf32, #tpu.memory_space<hbm>>
      %dma_start3A_666 = tpu.memref_slice %arg3[%select_n3A, %mul3A_38] : memref<16x20480xf32, #tpu.memory_space<hbm>> -> memref<1x10240xf32, #tpu.memory_space<hbm>>
      %dma_start3A_667 = tpu.memref_squeeze %dma_start3A_666 : memref<1x10240xf32, #tpu.memory_space<hbm>> -> memref<10240xf32, #tpu.memory_space<hbm>>
      tpu.enqueue_dma source(%dma_start3A_667 : memref<10240xf32, #tpu.memory_space<hbm>>) target(%arg7 : memref<10240xf32, #tpu.memory_space<vmem>>) target_semaphore(%run_scoped3A : memref<!tpu.dma_semaphore, #tpu.memory_space<semaphore_mem>>)
      %dma_wait3A_668 = tpu.memref_slice %arg3[%select_n3A, %mul3A_38] : memref<16x20480xf32, #tpu.memory_space<hbm>> -> memref<1x10240xf32, #tpu.memory_space<hbm>>
      %dma_wait3A_669 = tpu.memref_squeeze %dma_wait3A_668 : memref<1x10240xf32, #tpu.memory_space<hbm>> -> memref<10240xf32, #tpu.memory_space<hbm>>
      %dma_wait3A_670 = tpu.memref_slice %arg3[%select_n3A, %mul3A_38] : memref<16x20480xf32, #tpu.memory_space<hbm>> -> memref<1x10240xf32, #tpu.memory_space<hbm>>
      %dma_wait3A_671 = tpu.memref_squeeze %dma_wait3A_670 : memref<1x10240xf32, #tpu.memory_space<hbm>> -> memref<10240xf32, #tpu.memory_space<hbm>>
      tpu.wait_dma2 semaphore(%run_scoped3A : memref<!tpu.dma_semaphore, #tpu.memory_space<semaphore_mem>>) src(%dma_wait3A_671 : memref<10240xf32, #tpu.memory_space<hbm>>) dst(%arg7 : memref<10240xf32, #tpu.memory_space<vmem>>)
      tpu.yield
    }) : () -> ()
    "tpu.region"() ({
      %run_scoped3A = tpu.sem_alloc : memref<!tpu.dma_semaphore, #tpu.memory_space<semaphore_mem>>
      tpu.enqueue_dma source(%arg4 : memref<32x512xf32, #tpu.memory_space<hbm>>) target(%arg8 : memref<32x512xf32, #tpu.memory_space<vmem>>) target_semaphore(%run_scoped3A : memref<!tpu.dma_semaphore, #tpu.memory_space<semaphore_mem>>)
      tpu.wait_dma2 semaphore(%run_scoped3A : memref<!tpu.dma_semaphore, #tpu.memory_space<semaphore_mem>>) src(%arg4 : memref<32x512xf32, #tpu.memory_space<hbm>>) dst(%arg8 : memref<32x512xf32, #tpu.memory_space<vmem>>)
      tpu.yield
    }) : () -> ()
    "tpu.region"() ({
      %run_scoped3A = tpu.sem_alloc : memref<!tpu.dma_semaphore, #tpu.memory_space<semaphore_mem>>
      tpu.enqueue_dma source(%arg4 : memref<32x512xf32, #tpu.memory_space<hbm>>) target(%arg9 : memref<32x512xf32, #tpu.memory_space<vmem>>) target_semaphore(%run_scoped3A : memref<!tpu.dma_semaphore, #tpu.memory_space<semaphore_mem>>)
      tpu.wait_dma2 semaphore(%run_scoped3A : memref<!tpu.dma_semaphore, #tpu.memory_space<semaphore_mem>>) src(%arg4 : memref<32x512xf32, #tpu.memory_space<hbm>>) dst(%arg9 : memref<32x512xf32, #tpu.memory_space<vmem>>)
      tpu.yield
    }) : () -> ()
    %broadcast_in_dim3A_39 = arith.constant 0 : i32
    %broadcast_in_dim3A_40 = vector.broadcast %broadcast_in_dim3A_39 : i32 to vector<16xi32>
    %add3A_41 = arith.addi %broadcast_in_dim3A_40, %min3A_31 : vector<16xi32>
    %gather3A = tpu.vector_load_idx %arg7[%add3A_41] : memref<10240xf32, #tpu.memory_space<vmem>>[vector<16xi32>], vector<16xf32>,
    %select_n3A_42 = arith.select %and3A_36, %gather3A, %broadcast_in_dim3A_24 : vector<16xi1>, vector<16xf32>
    %swap3A = arith.constant 0 : i32
    %swap3A_43 = arith.index_cast %swap3A : i32 to index
    %swap3A_44 = arith.constant 0 : index
    %swap3A_45 = tpu.vector_load %arg8[%swap3A_43, %swap3A_44] {strides = array<i32>} : memref<32x512xf32, #tpu.memory_space<vmem>>, vector<16xf32>,
    tpu.vector_store %arg8[%swap3A_43, %swap3A_44], %select_n3A_42 {strides = array<i32>} : memref<32x512xf32, #tpu.memory_space<vmem>>, vector<16xf32>,
    %broadcast_in_dim3A_46 = arith.constant 5 : i32
    %broadcast_in_dim3A_47 = vector.broadcast %broadcast_in_dim3A_46 : i32 to vector<16xi32>
    %add3A_48 = arith.addi %broadcast_in_dim3A_47, %min3A_31 : vector<16xi32>
    %gather3A_49 = tpu.vector_load_idx %arg7[%add3A_48] : memref<10240xf32, #tpu.memory_space<vmem>>[vector<16xi32>], vector<16xf32>,
    %select_n3A_50 = arith.select %and3A_36, %gather3A_49, %broadcast_in_dim3A_24 : vector<16xi1>, vector<16xf32>
    %swap3A_51 = arith.constant 1 : i32
    %swap3A_52 = arith.index_cast %swap3A_51 : i32 to index
    %swap3A_53 = arith.constant 0 : index
    %swap3A_54 = tpu.vector_load %arg8[%swap3A_52, %swap3A_53] {strides = array<i32>} : memref<32x512xf32, #tpu.memory_space<vmem>>, vector<16xf32>,
    tpu.vector_store %arg8[%swap3A_52, %swap3A_53], %select_n3A_50 {strides = array<i32>} : memref<32x512xf32, #tpu.memory_space<vmem>>, vector<16xf32>,
    %broadcast_in_dim3A_55 = arith.constant 10 : i32
    %broadcast_in_dim3A_56 = vector.broadcast %broadcast_in_dim3A_55 : i32 to vector<16xi32>
    %add3A_57 = arith.addi %broadcast_in_dim3A_56, %min3A_31 : vector<16xi32>
    %gather3A_58 = tpu.vector_load_idx %arg7[%add3A_57] : memref<10240xf32, #tpu.memory_space<vmem>>[vector<16xi32>], vector<16xf32>,
    %select_n3A_59 = arith.select %and3A_36, %gather3A_58, %broadcast_in_dim3A_24 : vector<16xi1>, vector<16xf32>
    %swap3A_60 = arith.constant 2 : i32
    %swap3A_61 = arith.index_cast %swap3A_60 : i32 to index
    %swap3A_62 = arith.constant 0 : index
    %swap3A_63 = tpu.vector_load %arg8[%swap3A_61, %swap3A_62] {strides = array<i32>} : memref<32x512xf32, #tpu.memory_space<vmem>>, vector<16xf32>,
    tpu.vector_store %arg8[%swap3A_61, %swap3A_62], %select_n3A_59 {strides = array<i32>} : memref<32x512xf32, #tpu.memory_space<vmem>>, vector<16xf32>,
    %broadcast_in_dim3A_64 = arith.constant 15 : i32
    %broadcast_in_dim3A_65 = vector.broadcast %broadcast_in_dim3A_64 : i32 to vector<16xi32>
    %add3A_66 = arith.addi %broadcast_in_dim3A_65, %min3A_31 : vector<16xi32>
    %gather3A_67 = tpu.vector_load_idx %arg7[%add3A_66] : memref<10240xf32, #tpu.memory_space<vmem>>[vector<16xi32>], vector<16xf32>,
    %select_n3A_68 = arith.select %and3A_36, %gather3A_67, %broadcast_in_dim3A_24 : vector<16xi1>, vector<16xf32>
    %swap3A_69 = arith.constant 3 : i32
    %swap3A_70 = arith.index_cast %swap3A_69 : i32 to index
    %swap3A_71 = arith.constant 0 : index
    %swap3A_72 = tpu.vector_load %arg8[%swap3A_70, %swap3A_71] {strides = array<i32>} : memref<32x512xf32, #tpu.memory_space<vmem>>, vector<16xf32>,
    tpu.vector_store %arg8[%swap3A_70, %swap3A_71], %select_n3A_68 {strides = array<i32>} : memref<32x512xf32, #tpu.memory_space<vmem>>, vector<16xf32>,
    %broadcast_in_dim3A_73 = arith.constant 20 : i32
    %broadcast_in_dim3A_74 = vector.broadcast %broadcast_in_dim3A_73 : i32 to vector<16xi32>
    %add3A_75 = arith.addi %broadcast_in_dim3A_74, %min3A_31 : vector<16xi32>
    %gather3A_76 = tpu.vector_load_idx %arg7[%add3A_75] : memref<10240xf32, #tpu.memory_space<vmem>>[vector<16xi32>], vector<16xf32>,
    %select_n3A_77 = arith.select %and3A_36, %gather3A_76, %broadcast_in_dim3A_24 : vector<16xi1>, vector<16xf32>
    %swap3A_78 = arith.constant 4 : i32
    %swap3A_79 = arith.index_cast %swap3A_78 : i32 to index
    %swap3A_80 = arith.constant 0 : index
    %swap3A_81 = tpu.vector_load %arg8[%swap3A_79, %swap3A_80] {strides = array<i32>} : memref<32x512xf32, #tpu.memory_space<vmem>>, vector<16xf32>,
    tpu.vector_store %arg8[%swap3A_79, %swap3A_80], %select_n3A_77 {strides = array<i32>} : memref<32x512xf32, #tpu.memory_space<vmem>>, vector<16xf32>,
    %broadcast_in_dim3A_82 = arith.constant 25 : i32
    %broadcast_in_dim3A_83 = vector.broadcast %broadcast_in_dim3A_82 : i32 to vector<16xi32>
    %add3A_84 = arith.addi %broadcast_in_dim3A_83, %min3A_31 : vector<16xi32>
    %gather3A_85 = tpu.vector_load_idx %arg7[%add3A_84] : memref<10240xf32, #tpu.memory_space<vmem>>[vector<16xi32>], vector<16xf32>,
    %select_n3A_86 = arith.select %and3A_36, %gather3A_85, %broadcast_in_dim3A_24 : vector<16xi1>, vector<16xf32>
    %swap3A_87 = arith.constant 5 : i32
    %swap3A_88 = arith.index_cast %swap3A_87 : i32 to index
    %swap3A_89 = arith.constant 0 : index
    %swap3A_90 = tpu.vector_load %arg8[%swap3A_88, %swap3A_89] {strides = array<i32>} : memref<32x512xf32, #tpu.memory_space<vmem>>, vector<16xf32>,
    tpu.vector_store %arg8[%swap3A_88, %swap3A_89], %select_n3A_86 {strides = array<i32>} : memref<32x512xf32, #tpu.memory_space<vmem>>, vector<16xf32>,
    %broadcast_in_dim3A_91 = arith.constant 30 : i32
    %broadcast_in_dim3A_92 = vector.broadcast %broadcast_in_dim3A_91 : i32 to vector<16xi32>
    %add3A_93 = arith.addi %broadcast_in_dim3A_92, %min3A_31 : vector<16xi32>
    %gather3A_94 = tpu.vector_load_idx %arg7[%add3A_93] : memref<10240xf32, #tpu.memory_space<vmem>>[vector<16xi32>], vector<16xf32>,
    %select_n3A_95 = arith.select %and3A_36, %gather3A_94, %broadcast_in_dim3A_24 : vector<16xi1>, vector<16xf32>
    %swap3A_96 = arith.constant 6 : i32
    %swap3A_97 = arith.index_cast %swap3A_96 : i32 to index
    %swap3A_98 = arith.constant 0 : index
    %swap3A_99 = tpu.vector_load %arg8[%swap3A_97, %swap3A_98] {strides = array<i32>} : memref<32x512xf32, #tpu.memory_space<vmem>>, vector<16xf32>,
    tpu.vector_store %arg8[%swap3A_97, %swap3A_98], %select_n3A_95 {strides = array<i32>} : memref<32x512xf32, #tpu.memory_space<vmem>>, vector<16xf32>,
    %broadcast_in_dim3A_100 = arith.constant 35 : i32
    %broadcast_in_dim3A_101 = vector.broadcast %broadcast_in_dim3A_100 : i32 to vector<16xi32>
    %add3A_102 = arith.addi %broadcast_in_dim3A_101, %min3A_31 : vector<16xi32>
    %gather3A_103 = tpu.vector_load_idx %arg7[%add3A_102] : memref<10240xf32, #tpu.memory_space<vmem>>[vector<16xi32>], vector<16xf32>,
    %select_n3A_104 = arith.select %and3A_36, %gather3A_103, %broadcast_in_dim3A_24 : vector<16xi1>, vector<16xf32>
    %swap3A_105 = arith.constant 7 : i32
    %swap3A_106 = arith.index_cast %swap3A_105 : i32 to index
    %swap3A_107 = arith.constant 0 : index
    %swap3A_108 = tpu.vector_load %arg8[%swap3A_106, %swap3A_107] {strides = array<i32>} : memref<32x512xf32, #tpu.memory_space<vmem>>, vector<16xf32>,
    tpu.vector_store %arg8[%swap3A_106, %swap3A_107], %select_n3A_104 {strides = array<i32>} : memref<32x512xf32, #tpu.memory_space<vmem>>, vector<16xf32>,
    %broadcast_in_dim3A_109 = arith.constant 40 : i32
    %broadcast_in_dim3A_110 = vector.broadcast %broadcast_in_dim3A_109 : i32 to vector<16xi32>
    %add3A_111 = arith.addi %broadcast_in_dim3A_110, %min3A_31 : vector<16xi32>
    %gather3A_112 = tpu.vector_load_idx %arg7[%add3A_111] : memref<10240xf32, #tpu.memory_space<vmem>>[vector<16xi32>], vector<16xf32>,
    %select_n3A_113 = arith.select %and3A_36, %gather3A_112, %broadcast_in_dim3A_24 : vector<16xi1>, vector<16xf32>
    %swap3A_114 = arith.constant 8 : i32
    %swap3A_115 = arith.index_cast %swap3A_114 : i32 to index
    %swap3A_116 = arith.constant 0 : index
    %swap3A_117 = tpu.vector_load %arg8[%swap3A_115, %swap3A_116] {strides = array<i32>} : memref<32x512xf32, #tpu.memory_space<vmem>>, vector<16xf32>,
    tpu.vector_store %arg8[%swap3A_115, %swap3A_116], %select_n3A_113 {strides = array<i32>} : memref<32x512xf32, #tpu.memory_space<vmem>>, vector<16xf32>,
    %broadcast_in_dim3A_118 = arith.constant 45 : i32
    %broadcast_in_dim3A_119 = vector.broadcast %broadcast_in_dim3A_118 : i32 to vector<16xi32>
    %add3A_120 = arith.addi %broadcast_in_dim3A_119, %min3A_31 : vector<16xi32>
    %gather3A_121 = tpu.vector_load_idx %arg7[%add3A_120] : memref<10240xf32, #tpu.memory_space<vmem>>[vector<16xi32>], vector<16xf32>,
    %select_n3A_122 = arith.select %and3A_36, %gather3A_121, %broadcast_in_dim3A_24 : vector<16xi1>, vector<16xf32>
    %swap3A_123 = arith.constant 9 : i32
    %swap3A_124 = arith.index_cast %swap3A_123 : i32 to index
    %swap3A_125 = arith.constant 0 : index
    %swap3A_126 = tpu.vector_load %arg8[%swap3A_124, %swap3A_125] {strides = array<i32>} : memref<32x512xf32, #tpu.memory_space<vmem>>, vector<16xf32>,
    tpu.vector_store %arg8[%swap3A_124, %swap3A_125], %select_n3A_122 {strides = array<i32>} : memref<32x512xf32, #tpu.memory_space<vmem>>, vector<16xf32>,
    %broadcast_in_dim3A_127 = arith.constant 50 : i32
    %broadcast_in_dim3A_128 = vector.broadcast %broadcast_in_dim3A_127 : i32 to vector<16xi32>
    %add3A_129 = arith.addi %broadcast_in_dim3A_128, %min3A_31 : vector<16xi32>
    %gather3A_130 = tpu.vector_load_idx %arg7[%add3A_129] : memref<10240xf32, #tpu.memory_space<vmem>>[vector<16xi32>], vector<16xf32>,
    %select_n3A_131 = arith.select %and3A_36, %gather3A_130, %broadcast_in_dim3A_24 : vector<16xi1>, vector<16xf32>
    %swap3A_132 = arith.constant 10 : i32
    %swap3A_133 = arith.index_cast %swap3A_132 : i32 to index
    %swap3A_134 = arith.constant 0 : index
    %swap3A_135 = tpu.vector_load %arg8[%swap3A_133, %swap3A_134] {strides = array<i32>} : memref<32x512xf32, #tpu.memory_space<vmem>>, vector<16xf32>,
    tpu.vector_store %arg8[%swap3A_133, %swap3A_134], %select_n3A_131 {strides = array<i32>} : memref<32x512xf32, #tpu.memory_space<vmem>>, vector<16xf32>,
    %broadcast_in_dim3A_136 = arith.constant 55 : i32
    %broadcast_in_dim3A_137 = vector.broadcast %broadcast_in_dim3A_136 : i32 to vector<16xi32>
    %add3A_138 = arith.addi %broadcast_in_dim3A_137, %min3A_31 : vector<16xi32>
    %gather3A_139 = tpu.vector_load_idx %arg7[%add3A_138] : memref<10240xf32, #tpu.memory_space<vmem>>[vector<16xi32>], vector<16xf32>,
    %select_n3A_140 = arith.select %and3A_36, %gather3A_139, %broadcast_in_dim3A_24 : vector<16xi1>, vector<16xf32>
    %swap3A_141 = arith.constant 11 : i32
    %swap3A_142 = arith.index_cast %swap3A_141 : i32 to index
    %swap3A_143 = arith.constant 0 : index
    %swap3A_144 = tpu.vector_load %arg8[%swap3A_142, %swap3A_143] {strides = array<i32>} : memref<32x512xf32, #tpu.memory_space<vmem>>, vector<16xf32>,
    tpu.vector_store %arg8[%swap3A_142, %swap3A_143], %select_n3A_140 {strides = array<i32>} : memref<32x512xf32, #tpu.memory_space<vmem>>, vector<16xf32>,
    %broadcast_in_dim3A_145 = arith.constant 60 : i32
    %broadcast_in_dim3A_146 = vector.broadcast %broadcast_in_dim3A_145 : i32 to vector<16xi32>
    %add3A_147 = arith.addi %broadcast_in_dim3A_146, %min3A_31 : vector<16xi32>
    %gather3A_148 = tpu.vector_load_idx %arg7[%add3A_147] : memref<10240xf32, #tpu.memory_space<vmem>>[vector<16xi32>], vector<16xf32>,
    %select_n3A_149 = arith.select %and3A_36, %gather3A_148, %broadcast_in_dim3A_24 : vector<16xi1>, vector<16xf32>
    %swap3A_150 = arith.constant 12 : i32
    %swap3A_151 = arith.index_cast %swap3A_150 : i32 to index
    %swap3A_152 = arith.constant 0 : index
    %swap3A_153 = tpu.vector_load %arg8[%swap3A_151, %swap3A_152] {strides = array<i32>} : memref<32x512xf32, #tpu.memory_space<vmem>>, vector<16xf32>,
    tpu.vector_store %arg8[%swap3A_151, %swap3A_152], %select_n3A_149 {strides = array<i32>} : memref<32x512xf32, #tpu.memory_space<vmem>>, vector<16xf32>,
    %broadcast_in_dim3A_154 = arith.constant 65 : i32
    %broadcast_in_dim3A_155 = vector.broadcast %broadcast_in_dim3A_154 : i32 to vector<16xi32>
    %add3A_156 = arith.addi %broadcast_in_dim3A_155, %min3A_31 : vector<16xi32>
    %gather3A_157 = tpu.vector_load_idx %arg7[%add3A_156] : memref<10240xf32, #tpu.memory_space<vmem>>[vector<16xi32>], vector<16xf32>,
    %select_n3A_158 = arith.select %and3A_36, %gather3A_157, %broadcast_in_dim3A_24 : vector<16xi1>, vector<16xf32>
    %swap3A_159 = arith.constant 13 : i32
    %swap3A_160 = arith.index_cast %swap3A_159 : i32 to index
    %swap3A_161 = arith.constant 0 : index
    %swap3A_162 = tpu.vector_load %arg8[%swap3A_160, %swap3A_161] {strides = array<i32>} : memref<32x512xf32, #tpu.memory_space<vmem>>, vector<16xf32>,
    tpu.vector_store %arg8[%swap3A_160, %swap3A_161], %select_n3A_158 {strides = array<i32>} : memref<32x512xf32, #tpu.memory_space<vmem>>, vector<16xf32>,
    %broadcast_in_dim3A_163 = arith.constant 70 : i32
    %broadcast_in_dim3A_164 = vector.broadcast %broadcast_in_dim3A_163 : i32 to vector<16xi32>
    %add3A_165 = arith.addi %broadcast_in_dim3A_164, %min3A_31 : vector<16xi32>
    %gather3A_166 = tpu.vector_load_idx %arg7[%add3A_165] : memref<10240xf32, #tpu.memory_space<vmem>>[vector<16xi32>], vector<16xf32>,
    %select_n3A_167 = arith.select %and3A_36, %gather3A_166, %broadcast_in_dim3A_24 : vector<16xi1>, vector<16xf32>
    %swap3A_168 = arith.constant 14 : i32
    %swap3A_169 = arith.index_cast %swap3A_168 : i32 to index
    %swap3A_170 = arith.constant 0 : index
    %swap3A_171 = tpu.vector_load %arg8[%swap3A_169, %swap3A_170] {strides = array<i32>} : memref<32x512xf32, #tpu.memory_space<vmem>>, vector<16xf32>,
    tpu.vector_store %arg8[%swap3A_169, %swap3A_170], %select_n3A_167 {strides = array<i32>} : memref<32x512xf32, #tpu.memory_space<vmem>>, vector<16xf32>,
    %broadcast_in_dim3A_172 = arith.constant 75 : i32
    %broadcast_in_dim3A_173 = vector.broadcast %broadcast_in_dim3A_172 : i32 to vector<16xi32>
    %add3A_174 = arith.addi %broadcast_in_dim3A_173, %min3A_31 : vector<16xi32>
    %gather3A_175 = tpu.vector_load_idx %arg7[%add3A_174] : memref<10240xf32, #tpu.memory_space<vmem>>[vector<16xi32>], vector<16xf32>,
    %select_n3A_176 = arith.select %and3A_36, %gather3A_175, %broadcast_in_dim3A_24 : vector<16xi1>, vector<16xf32>
    %swap3A_177 = arith.constant 15 : i32
    %swap3A_178 = arith.index_cast %swap3A_177 : i32 to index
    %swap3A_179 = arith.constant 0 : index
    %swap3A_180 = tpu.vector_load %arg8[%swap3A_178, %swap3A_179] {strides = array<i32>} : memref<32x512xf32, #tpu.memory_space<vmem>>, vector<16xf32>,
    tpu.vector_store %arg8[%swap3A_178, %swap3A_179], %select_n3A_176 {strides = array<i32>} : memref<32x512xf32, #tpu.memory_space<vmem>>, vector<16xf32>,
    %broadcast_in_dim3A_181 = arith.constant 80 : i32
    %broadcast_in_dim3A_182 = vector.broadcast %broadcast_in_dim3A_181 : i32 to vector<16xi32>
    %add3A_183 = arith.addi %broadcast_in_dim3A_182, %min3A_31 : vector<16xi32>
    %gather3A_184 = tpu.vector_load_idx %arg7[%add3A_183] : memref<10240xf32, #tpu.memory_space<vmem>>[vector<16xi32>], vector<16xf32>,
    %select_n3A_185 = arith.select %and3A_36, %gather3A_184, %broadcast_in_dim3A_24 : vector<16xi1>, vector<16xf32>
    %swap3A_186 = arith.constant 16 : i32
    %swap3A_187 = arith.index_cast %swap3A_186 : i32 to index
    %swap3A_188 = arith.constant 0 : index
    %swap3A_189 = tpu.vector_load %arg8[%swap3A_187, %swap3A_188] {strides = array<i32>} : memref<32x512xf32, #tpu.memory_space<vmem>>, vector<16xf32>,
    tpu.vector_store %arg8[%swap3A_187, %swap3A_188], %select_n3A_185 {strides = array<i32>} : memref<32x512xf32, #tpu.memory_space<vmem>>, vector<16xf32>,
    %broadcast_in_dim3A_190 = arith.constant 85 : i32
    %broadcast_in_dim3A_191 = vector.broadcast %broadcast_in_dim3A_190 : i32 to vector<16xi32>
    %add3A_192 = arith.addi %broadcast_in_dim3A_191, %min3A_31 : vector<16xi32>
    %gather3A_193 = tpu.vector_load_idx %arg7[%add3A_192] : memref<10240xf32, #tpu.memory_space<vmem>>[vector<16xi32>], vector<16xf32>,
    %select_n3A_194 = arith.select %and3A_36, %gather3A_193, %broadcast_in_dim3A_24 : vector<16xi1>, vector<16xf32>
    %swap3A_195 = arith.constant 17 : i32
    %swap3A_196 = arith.index_cast %swap3A_195 : i32 to index
    %swap3A_197 = arith.constant 0 : index
    %swap3A_198 = tpu.vector_load %arg8[%swap3A_196, %swap3A_197] {strides = array<i32>} : memref<32x512xf32, #tpu.memory_space<vmem>>, vector<16xf32>,
    tpu.vector_store %arg8[%swap3A_196, %swap3A_197], %select_n3A_194 {strides = array<i32>} : memref<32x512xf32, #tpu.memory_space<vmem>>, vector<16xf32>,
    %broadcast_in_dim3A_199 = arith.constant 90 : i32
    %broadcast_in_dim3A_200 = vector.broadcast %broadcast_in_dim3A_199 : i32 to vector<16xi32>
    %add3A_201 = arith.addi %broadcast_in_dim3A_200, %min3A_31 : vector<16xi32>
    %gather3A_202 = tpu.vector_load_idx %arg7[%add3A_201] : memref<10240xf32, #tpu.memory_space<vmem>>[vector<16xi32>], vector<16xf32>,
    %select_n3A_203 = arith.select %and3A_36, %gather3A_202, %broadcast_in_dim3A_24 : vector<16xi1>, vector<16xf32>
    %swap3A_204 = arith.constant 18 : i32
    %swap3A_205 = arith.index_cast %swap3A_204 : i32 to index
    %swap3A_206 = arith.constant 0 : index
    %swap3A_207 = tpu.vector_load %arg8[%swap3A_205, %swap3A_206] {strides = array<i32>} : memref<32x512xf32, #tpu.memory_space<vmem>>, vector<16xf32>,
    tpu.vector_store %arg8[%swap3A_205, %swap3A_206], %select_n3A_203 {strides = array<i32>} : memref<32x512xf32, #tpu.memory_space<vmem>>, vector<16xf32>,
    %broadcast_in_dim3A_208 = arith.constant 95 : i32
    %broadcast_in_dim3A_209 = vector.broadcast %broadcast_in_dim3A_208 : i32 to vector<16xi32>
    %add3A_210 = arith.addi %broadcast_in_dim3A_209, %min3A_31 : vector<16xi32>
    %gather3A_211 = tpu.vector_load_idx %arg7[%add3A_210] : memref<10240xf32, #tpu.memory_space<vmem>>[vector<16xi32>], vector<16xf32>,
    %select_n3A_212 = arith.select %and3A_36, %gather3A_211, %broadcast_in_dim3A_24 : vector<16xi1>, vector<16xf32>
    %swap3A_213 = arith.constant 19 : i32
    %swap3A_214 = arith.index_cast %swap3A_213 : i32 to index
    %swap3A_215 = arith.constant 0 : index
    %swap3A_216 = tpu.vector_load %arg8[%swap3A_214, %swap3A_215] {strides = array<i32>} : memref<32x512xf32, #tpu.memory_space<vmem>>, vector<16xf32>,
    tpu.vector_store %arg8[%swap3A_214, %swap3A_215], %select_n3A_212 {strides = array<i32>} : memref<32x512xf32, #tpu.memory_space<vmem>>, vector<16xf32>,
    %broadcast_in_dim3A_217 = arith.constant 100 : i32
    %broadcast_in_dim3A_218 = vector.broadcast %broadcast_in_dim3A_217 : i32 to vector<16xi32>
    %add3A_219 = arith.addi %broadcast_in_dim3A_218, %min3A_31 : vector<16xi32>
    %gather3A_220 = tpu.vector_load_idx %arg7[%add3A_219] : memref<10240xf32, #tpu.memory_space<vmem>>[vector<16xi32>], vector<16xf32>,
    %select_n3A_221 = arith.select %and3A_36, %gather3A_220, %broadcast_in_dim3A_24 : vector<16xi1>, vector<16xf32>
    %swap3A_222 = arith.constant 20 : i32
    %swap3A_223 = arith.index_cast %swap3A_222 : i32 to index
    %swap3A_224 = arith.constant 0 : index
    %swap3A_225 = tpu.vector_load %arg8[%swap3A_223, %swap3A_224] {strides = array<i32>} : memref<32x512xf32, #tpu.memory_space<vmem>>, vector<16xf32>,
    tpu.vector_store %arg8[%swap3A_223, %swap3A_224], %select_n3A_221 {strides = array<i32>} : memref<32x512xf32, #tpu.memory_space<vmem>>, vector<16xf32>,
    %broadcast_in_dim3A_226 = arith.constant 105 : i32
    %broadcast_in_dim3A_227 = vector.broadcast %broadcast_in_dim3A_226 : i32 to vector<16xi32>
    %add3A_228 = arith.addi %broadcast_in_dim3A_227, %min3A_31 : vector<16xi32>
    %gather3A_229 = tpu.vector_load_idx %arg7[%add3A_228] : memref<10240xf32, #tpu.memory_space<vmem>>[vector<16xi32>], vector<16xf32>,
    %select_n3A_230 = arith.select %and3A_36, %gather3A_229, %broadcast_in_dim3A_24 : vector<16xi1>, vector<16xf32>
    %swap3A_231 = arith.constant 21 : i32
    %swap3A_232 = arith.index_cast %swap3A_231 : i32 to index
    %swap3A_233 = arith.constant 0 : index
    %swap3A_234 = tpu.vector_load %arg8[%swap3A_232, %swap3A_233] {strides = array<i32>} : memref<32x512xf32, #tpu.memory_space<vmem>>, vector<16xf32>,
    tpu.vector_store %arg8[%swap3A_232, %swap3A_233], %select_n3A_230 {strides = array<i32>} : memref<32x512xf32, #tpu.memory_space<vmem>>, vector<16xf32>,
    %broadcast_in_dim3A_235 = arith.constant 110 : i32
    %broadcast_in_dim3A_236 = vector.broadcast %broadcast_in_dim3A_235 : i32 to vector<16xi32>
    %add3A_237 = arith.addi %broadcast_in_dim3A_236, %min3A_31 : vector<16xi32>
    %gather3A_238 = tpu.vector_load_idx %arg7[%add3A_237] : memref<10240xf32, #tpu.memory_space<vmem>>[vector<16xi32>], vector<16xf32>,
    %select_n3A_239 = arith.select %and3A_36, %gather3A_238, %broadcast_in_dim3A_24 : vector<16xi1>, vector<16xf32>
    %swap3A_240 = arith.constant 22 : i32
    %swap3A_241 = arith.index_cast %swap3A_240 : i32 to index
    %swap3A_242 = arith.constant 0 : index
    %swap3A_243 = tpu.vector_load %arg8[%swap3A_241, %swap3A_242] {strides = array<i32>} : memref<32x512xf32, #tpu.memory_space<vmem>>, vector<16xf32>,
    tpu.vector_store %arg8[%swap3A_241, %swap3A_242], %select_n3A_239 {strides = array<i32>} : memref<32x512xf32, #tpu.memory_space<vmem>>, vector<16xf32>,
    %broadcast_in_dim3A_244 = arith.constant 115 : i32
    %broadcast_in_dim3A_245 = vector.broadcast %broadcast_in_dim3A_244 : i32 to vector<16xi32>
    %add3A_246 = arith.addi %broadcast_in_dim3A_245, %min3A_31 : vector<16xi32>
    %gather3A_247 = tpu.vector_load_idx %arg7[%add3A_246] : memref<10240xf32, #tpu.memory_space<vmem>>[vector<16xi32>], vector<16xf32>,
    %select_n3A_248 = arith.select %and3A_36, %gather3A_247, %broadcast_in_dim3A_24 : vector<16xi1>, vector<16xf32>
    %swap3A_249 = arith.constant 23 : i32
    %swap3A_250 = arith.index_cast %swap3A_249 : i32 to index
    %swap3A_251 = arith.constant 0 : index
    %swap3A_252 = tpu.vector_load %arg8[%swap3A_250, %swap3A_251] {strides = array<i32>} : memref<32x512xf32, #tpu.memory_space<vmem>>, vector<16xf32>,
    tpu.vector_store %arg8[%swap3A_250, %swap3A_251], %select_n3A_248 {strides = array<i32>} : memref<32x512xf32, #tpu.memory_space<vmem>>, vector<16xf32>,
    %broadcast_in_dim3A_253 = arith.constant 120 : i32
    %broadcast_in_dim3A_254 = vector.broadcast %broadcast_in_dim3A_253 : i32 to vector<16xi32>
    %add3A_255 = arith.addi %broadcast_in_dim3A_254, %min3A_31 : vector<16xi32>
    %gather3A_256 = tpu.vector_load_idx %arg7[%add3A_255] : memref<10240xf32, #tpu.memory_space<vmem>>[vector<16xi32>], vector<16xf32>,
    %select_n3A_257 = arith.select %and3A_36, %gather3A_256, %broadcast_in_dim3A_24 : vector<16xi1>, vector<16xf32>
    %swap3A_258 = arith.constant 24 : i32
    %swap3A_259 = arith.index_cast %swap3A_258 : i32 to index
    %swap3A_260 = arith.constant 0 : index
    %swap3A_261 = tpu.vector_load %arg8[%swap3A_259, %swap3A_260] {strides = array<i32>} : memref<32x512xf32, #tpu.memory_space<vmem>>, vector<16xf32>,
    tpu.vector_store %arg8[%swap3A_259, %swap3A_260], %select_n3A_257 {strides = array<i32>} : memref<32x512xf32, #tpu.memory_space<vmem>>, vector<16xf32>,
    %broadcast_in_dim3A_262 = arith.constant 125 : i32
    %broadcast_in_dim3A_263 = vector.broadcast %broadcast_in_dim3A_262 : i32 to vector<16xi32>
    %add3A_264 = arith.addi %broadcast_in_dim3A_263, %min3A_31 : vector<16xi32>
    %gather3A_265 = tpu.vector_load_idx %arg7[%add3A_264] : memref<10240xf32, #tpu.memory_space<vmem>>[vector<16xi32>], vector<16xf32>,
    %select_n3A_266 = arith.select %and3A_36, %gather3A_265, %broadcast_in_dim3A_24 : vector<16xi1>, vector<16xf32>
    %swap3A_267 = arith.constant 25 : i32
    %swap3A_268 = arith.index_cast %swap3A_267 : i32 to index
    %swap3A_269 = arith.constant 0 : index
    %swap3A_270 = tpu.vector_load %arg8[%swap3A_268, %swap3A_269] {strides = array<i32>} : memref<32x512xf32, #tpu.memory_space<vmem>>, vector<16xf32>,
    tpu.vector_store %arg8[%swap3A_268, %swap3A_269], %select_n3A_266 {strides = array<i32>} : memref<32x512xf32, #tpu.memory_space<vmem>>, vector<16xf32>,
    %broadcast_in_dim3A_271 = arith.constant 130 : i32
    %broadcast_in_dim3A_272 = vector.broadcast %broadcast_in_dim3A_271 : i32 to vector<16xi32>
    %add3A_273 = arith.addi %broadcast_in_dim3A_272, %min3A_31 : vector<16xi32>
    %gather3A_274 = tpu.vector_load_idx %arg7[%add3A_273] : memref<10240xf32, #tpu.memory_space<vmem>>[vector<16xi32>], vector<16xf32>,
    %select_n3A_275 = arith.select %and3A_36, %gather3A_274, %broadcast_in_dim3A_24 : vector<16xi1>, vector<16xf32>
    %swap3A_276 = arith.constant 26 : i32
    %swap3A_277 = arith.index_cast %swap3A_276 : i32 to index
    %swap3A_278 = arith.constant 0 : index
    %swap3A_279 = tpu.vector_load %arg8[%swap3A_277, %swap3A_278] {strides = array<i32>} : memref<32x512xf32, #tpu.memory_space<vmem>>, vector<16xf32>,
    tpu.vector_store %arg8[%swap3A_277, %swap3A_278], %select_n3A_275 {strides = array<i32>} : memref<32x512xf32, #tpu.memory_space<vmem>>, vector<16xf32>,
    %broadcast_in_dim3A_280 = arith.constant 135 : i32
    %broadcast_in_dim3A_281 = vector.broadcast %broadcast_in_dim3A_280 : i32 to vector<16xi32>
    %add3A_282 = arith.addi %broadcast_in_dim3A_281, %min3A_31 : vector<16xi32>
    %gather3A_283 = tpu.vector_load_idx %arg7[%add3A_282] : memref<10240xf32, #tpu.memory_space<vmem>>[vector<16xi32>], vector<16xf32>,
    %select_n3A_284 = arith.select %and3A_36, %gather3A_283, %broadcast_in_dim3A_24 : vector<16xi1>, vector<16xf32>
    %swap3A_285 = arith.constant 27 : i32
    %swap3A_286 = arith.index_cast %swap3A_285 : i32 to index
    %swap3A_287 = arith.constant 0 : index
    %swap3A_288 = tpu.vector_load %arg8[%swap3A_286, %swap3A_287] {strides = array<i32>} : memref<32x512xf32, #tpu.memory_space<vmem>>, vector<16xf32>,
    tpu.vector_store %arg8[%swap3A_286, %swap3A_287], %select_n3A_284 {strides = array<i32>} : memref<32x512xf32, #tpu.memory_space<vmem>>, vector<16xf32>,
    %broadcast_in_dim3A_289 = arith.constant 140 : i32
    %broadcast_in_dim3A_290 = vector.broadcast %broadcast_in_dim3A_289 : i32 to vector<16xi32>
    %add3A_291 = arith.addi %broadcast_in_dim3A_290, %min3A_31 : vector<16xi32>
    %gather3A_292 = tpu.vector_load_idx %arg7[%add3A_291] : memref<10240xf32, #tpu.memory_space<vmem>>[vector<16xi32>], vector<16xf32>,
    %select_n3A_293 = arith.select %and3A_36, %gather3A_292, %broadcast_in_dim3A_24 : vector<16xi1>, vector<16xf32>
    %swap3A_294 = arith.constant 28 : i32
    %swap3A_295 = arith.index_cast %swap3A_294 : i32 to index
    %swap3A_296 = arith.constant 0 : index
    %swap3A_297 = tpu.vector_load %arg8[%swap3A_295, %swap3A_296] {strides = array<i32>} : memref<32x512xf32, #tpu.memory_space<vmem>>, vector<16xf32>,
    tpu.vector_store %arg8[%swap3A_295, %swap3A_296], %select_n3A_293 {strides = array<i32>} : memref<32x512xf32, #tpu.memory_space<vmem>>, vector<16xf32>,
    %broadcast_in_dim3A_298 = arith.constant 145 : i32
    %broadcast_in_dim3A_299 = vector.broadcast %broadcast_in_dim3A_298 : i32 to vector<16xi32>
    %add3A_300 = arith.addi %broadcast_in_dim3A_299, %min3A_31 : vector<16xi32>
    %gather3A_301 = tpu.vector_load_idx %arg7[%add3A_300] : memref<10240xf32, #tpu.memory_space<vmem>>[vector<16xi32>], vector<16xf32>,
    %select_n3A_302 = arith.select %and3A_36, %gather3A_301, %broadcast_in_dim3A_24 : vector<16xi1>, vector<16xf32>
    %swap3A_303 = arith.constant 29 : i32
    %swap3A_304 = arith.index_cast %swap3A_303 : i32 to index
    %swap3A_305 = arith.constant 0 : index
    %swap3A_306 = tpu.vector_load %arg8[%swap3A_304, %swap3A_305] {strides = array<i32>} : memref<32x512xf32, #tpu.memory_space<vmem>>, vector<16xf32>,
    tpu.vector_store %arg8[%swap3A_304, %swap3A_305], %select_n3A_302 {strides = array<i32>} : memref<32x512xf32, #tpu.memory_space<vmem>>, vector<16xf32>,
    %broadcast_in_dim3A_307 = arith.constant 150 : i32
    %broadcast_in_dim3A_308 = vector.broadcast %broadcast_in_dim3A_307 : i32 to vector<16xi32>
    %add3A_309 = arith.addi %broadcast_in_dim3A_308, %min3A_31 : vector<16xi32>
    %gather3A_310 = tpu.vector_load_idx %arg7[%add3A_309] : memref<10240xf32, #tpu.memory_space<vmem>>[vector<16xi32>], vector<16xf32>,
    %select_n3A_311 = arith.select %and3A_36, %gather3A_310, %broadcast_in_dim3A_24 : vector<16xi1>, vector<16xf32>
    %swap3A_312 = arith.constant 30 : i32
    %swap3A_313 = arith.index_cast %swap3A_312 : i32 to index
    %swap3A_314 = arith.constant 0 : index
    %swap3A_315 = tpu.vector_load %arg8[%swap3A_313, %swap3A_314] {strides = array<i32>} : memref<32x512xf32, #tpu.memory_space<vmem>>, vector<16xf32>,
    tpu.vector_store %arg8[%swap3A_313, %swap3A_314], %select_n3A_311 {strides = array<i32>} : memref<32x512xf32, #tpu.memory_space<vmem>>, vector<16xf32>,
    %broadcast_in_dim3A_316 = arith.constant 155 : i32
    %broadcast_in_dim3A_317 = vector.broadcast %broadcast_in_dim3A_316 : i32 to vector<16xi32>
    %add3A_318 = arith.addi %broadcast_in_dim3A_317, %min3A_31 : vector<16xi32>
    %gather3A_319 = tpu.vector_load_idx %arg7[%add3A_318] : memref<10240xf32, #tpu.memory_space<vmem>>[vector<16xi32>], vector<16xf32>,
    %select_n3A_320 = arith.select %and3A_36, %gather3A_319, %broadcast_in_dim3A_24 : vector<16xi1>, vector<16xf32>
    %swap3A_321 = arith.constant 31 : i32
    %swap3A_322 = arith.index_cast %swap3A_321 : i32 to index
    %swap3A_323 = arith.constant 0 : index
    %swap3A_324 = tpu.vector_load %arg8[%swap3A_322, %swap3A_323] {strides = array<i32>} : memref<32x512xf32, #tpu.memory_space<vmem>>, vector<16xf32>,
    tpu.vector_store %arg8[%swap3A_322, %swap3A_323], %select_n3A_320 {strides = array<i32>} : memref<32x512xf32, #tpu.memory_space<vmem>>, vector<16xf32>,
    %add3A_325 = arith.constant 0 : i32
    %add3A_326 = vector.broadcast %add3A_325 : i32 to vector<16xi32>
    %add3A_327 = arith.addi %add3A_326, %iota3A : vector<16xi32>
    %gather3A_328 = tpu.vector_load_idx %arg6[%add3A_327] : memref<2048xi32, #tpu.memory_space<vmem>>[vector<16xi32>], vector<16xi32>,
    %add3A_329 = arith.constant 0 : i32
    %add3A_330 = vector.broadcast %add3A_329 : i32 to vector<16xi32>
    %add3A_331 = arith.addi %add3A_330, %iota3A : vector<16xi32>
    tpu.vector_store_idx %arg8[%add3A_331, %gather3A_328], %broadcast_in_dim3A_22 : memref<32x512xf32, #tpu.memory_space<vmem>>[vector<16xi32>, vector<16xi32>], vector<16xf32>,
    %add3A_332 = arith.constant 16 : i32
    %add3A_333 = vector.broadcast %add3A_332 : i32 to vector<16xi32>
    %add3A_334 = arith.addi %add3A_333, %iota3A : vector<16xi32>
    %gather3A_335 = tpu.vector_load_idx %arg6[%add3A_334] : memref<2048xi32, #tpu.memory_space<vmem>>[vector<16xi32>], vector<16xi32>,
    %add3A_336 = arith.constant 16 : i32
    %add3A_337 = vector.broadcast %add3A_336 : i32 to vector<16xi32>
    %add3A_338 = arith.addi %add3A_337, %iota3A : vector<16xi32>
    tpu.vector_store_idx %arg8[%add3A_338, %gather3A_335], %broadcast_in_dim3A_22 : memref<32x512xf32, #tpu.memory_space<vmem>>[vector<16xi32>, vector<16xi32>], vector<16xf32>,
    %add3A_339 = arith.constant 0 : i32
    %add3A_340 = arith.addi %mul3A_2, %add3A_339 : i32
    %dma_start3A = arith.constant 0 : i32
    %dma_start3A_341 = tpu.memref_slice %arg5[%add3A_340, %dma_start3A] : memref<65536x512xf32, #tpu.memory_space<hbm>> -> memref<32x512xf32, #tpu.memory_space<hbm>>
    %dma_start3A_342 = arith.constant 0 : i32
    %dma_start3A_343 = tpu.memref_slice %arg5[%add3A_340, %dma_start3A_342] : memref<65536x512xf32, #tpu.memory_space<hbm>> -> memref<32x512xf32, #tpu.memory_space<hbm>>
    tpu.enqueue_dma source(%arg8 : memref<32x512xf32, #tpu.memory_space<vmem>>) target(%dma_start3A_343 : memref<32x512xf32, #tpu.memory_space<hbm>>) target_semaphore(%arg10 : memref<!tpu.dma_semaphore, #tpu.memory_space<semaphore_mem>>)
    %broadcast_in_dim3A_344 = arith.constant 160 : i32
    %broadcast_in_dim3A_345 = vector.broadcast %broadcast_in_dim3A_344 : i32 to vector<16xi32>
    %add3A_346 = arith.addi %broadcast_in_dim3A_345, %min3A_31 : vector<16xi32>
    %gather3A_347 = tpu.vector_load_idx %arg7[%add3A_346] : memref<10240xf32, #tpu.memory_space<vmem>>[vector<16xi32>], vector<16xf32>,
    %select_n3A_348 = arith.select %and3A_36, %gather3A_347, %broadcast_in_dim3A_24 : vector<16xi1>, vector<16xf32>
    %swap3A_349 = arith.constant 0 : i32
    %swap3A_350 = arith.index_cast %swap3A_349 : i32 to index
    %swap3A_351 = arith.constant 0 : index
    %swap3A_352 = tpu.vector_load %arg9[%swap3A_350, %swap3A_351] {strides = array<i32>} : memref<32x512xf32, #tpu.memory_space<vmem>>, vector<16xf32>,
    tpu.vector_store %arg9[%swap3A_350, %swap3A_351], %select_n3A_348 {strides = array<i32>} : memref<32x512xf32, #tpu.memory_space<vmem>>, vector<16xf32>,
    %broadcast_in_dim3A_353 = arith.constant 165 : i32
    %broadcast_in_dim3A_354 = vector.broadcast %broadcast_in_dim3A_353 : i32 to vector<16xi32>
    %add3A_355 = arith.addi %broadcast_in_dim3A_354, %min3A_31 : vector<16xi32>
    %gather3A_356 = tpu.vector_load_idx %arg7[%add3A_355] : memref<10240xf32, #tpu.memory_space<vmem>>[vector<16xi32>], vector<16xf32>,
    %select_n3A_357 = arith.select %and3A_36, %gather3A_356, %broadcast_in_dim3A_24 : vector<16xi1>, vector<16xf32>
    %swap3A_358 = arith.constant 1 : i32
    %swap3A_359 = arith.index_cast %swap3A_358 : i32 to index
    %swap3A_360 = arith.constant 0 : index
    %swap3A_361 = tpu.vector_load %arg9[%swap3A_359, %swap3A_360] {strides = array<i32>} : memref<32x512xf32, #tpu.memory_space<vmem>>, vector<16xf32>,
    tpu.vector_store %arg9[%swap3A_359, %swap3A_360], %select_n3A_357 {strides = array<i32>} : memref<32x512xf32, #tpu.memory_space<vmem>>, vector<16xf32>,
    %broadcast_in_dim3A_362 = arith.constant 170 : i32
    %broadcast_in_dim3A_363 = vector.broadcast %broadcast_in_dim3A_362 : i32 to vector<16xi32>
    %add3A_364 = arith.addi %broadcast_in_dim3A_363, %min3A_31 : vector<16xi32>
    %gather3A_365 = tpu.vector_load_idx %arg7[%add3A_364] : memref<10240xf32, #tpu.memory_space<vmem>>[vector<16xi32>], vector<16xf32>,
    %select_n3A_366 = arith.select %and3A_36, %gather3A_365, %broadcast_in_dim3A_24 : vector<16xi1>, vector<16xf32>
    %swap3A_367 = arith.constant 2 : i32
    %swap3A_368 = arith.index_cast %swap3A_367 : i32 to index
    %swap3A_369 = arith.constant 0 : index
    %swap3A_370 = tpu.vector_load %arg9[%swap3A_368, %swap3A_369] {strides = array<i32>} : memref<32x512xf32, #tpu.memory_space<vmem>>, vector<16xf32>,
    tpu.vector_store %arg9[%swap3A_368, %swap3A_369], %select_n3A_366 {strides = array<i32>} : memref<32x512xf32, #tpu.memory_space<vmem>>, vector<16xf32>,
    %broadcast_in_dim3A_371 = arith.constant 175 : i32
    %broadcast_in_dim3A_372 = vector.broadcast %broadcast_in_dim3A_371 : i32 to vector<16xi32>
    %add3A_373 = arith.addi %broadcast_in_dim3A_372, %min3A_31 : vector<16xi32>
    %gather3A_374 = tpu.vector_load_idx %arg7[%add3A_373] : memref<10240xf32, #tpu.memory_space<vmem>>[vector<16xi32>], vector<16xf32>,
    %select_n3A_375 = arith.select %and3A_36, %gather3A_374, %broadcast_in_dim3A_24 : vector<16xi1>, vector<16xf32>
    %swap3A_376 = arith.constant 3 : i32
    %swap3A_377 = arith.index_cast %swap3A_376 : i32 to index
    %swap3A_378 = arith.constant 0 : index
    %swap3A_379 = tpu.vector_load %arg9[%swap3A_377, %swap3A_378] {strides = array<i32>} : memref<32x512xf32, #tpu.memory_space<vmem>>, vector<16xf32>,
    tpu.vector_store %arg9[%swap3A_377, %swap3A_378], %select_n3A_375 {strides = array<i32>} : memref<32x512xf32, #tpu.memory_space<vmem>>, vector<16xf32>,
    %broadcast_in_dim3A_380 = arith.constant 180 : i32
    %broadcast_in_dim3A_381 = vector.broadcast %broadcast_in_dim3A_380 : i32 to vector<16xi32>
    %add3A_382 = arith.addi %broadcast_in_dim3A_381, %min3A_31 : vector<16xi32>
    %gather3A_383 = tpu.vector_load_idx %arg7[%add3A_382] : memref<10240xf32, #tpu.memory_space<vmem>>[vector<16xi32>], vector<16xf32>,
    %select_n3A_384 = arith.select %and3A_36, %gather3A_383, %broadcast_in_dim3A_24 : vector<16xi1>, vector<16xf32>
    %swap3A_385 = arith.constant 4 : i32
    %swap3A_386 = arith.index_cast %swap3A_385 : i32 to index
    %swap3A_387 = arith.constant 0 : index
    %swap3A_388 = tpu.vector_load %arg9[%swap3A_386, %swap3A_387] {strides = array<i32>} : memref<32x512xf32, #tpu.memory_space<vmem>>, vector<16xf32>,
    tpu.vector_store %arg9[%swap3A_386, %swap3A_387], %select_n3A_384 {strides = array<i32>} : memref<32x512xf32, #tpu.memory_space<vmem>>, vector<16xf32>,
    %broadcast_in_dim3A_389 = arith.constant 185 : i32
    %broadcast_in_dim3A_390 = vector.broadcast %broadcast_in_dim3A_389 : i32 to vector<16xi32>
    %add3A_391 = arith.addi %broadcast_in_dim3A_390, %min3A_31 : vector<16xi32>
    %gather3A_392 = tpu.vector_load_idx %arg7[%add3A_391] : memref<10240xf32, #tpu.memory_space<vmem>>[vector<16xi32>], vector<16xf32>,
    %select_n3A_393 = arith.select %and3A_36, %gather3A_392, %broadcast_in_dim3A_24 : vector<16xi1>, vector<16xf32>
    %swap3A_394 = arith.constant 5 : i32
    %swap3A_395 = arith.index_cast %swap3A_394 : i32 to index
    %swap3A_396 = arith.constant 0 : index
    %swap3A_397 = tpu.vector_load %arg9[%swap3A_395, %swap3A_396] {strides = array<i32>} : memref<32x512xf32, #tpu.memory_space<vmem>>, vector<16xf32>,
    tpu.vector_store %arg9[%swap3A_395, %swap3A_396], %select_n3A_393 {strides = array<i32>} : memref<32x512xf32, #tpu.memory_space<vmem>>, vector<16xf32>,
    %broadcast_in_dim3A_398 = arith.constant 190 : i32
    %broadcast_in_dim3A_399 = vector.broadcast %broadcast_in_dim3A_398 : i32 to vector<16xi32>
    %add3A_400 = arith.addi %broadcast_in_dim3A_399, %min3A_31 : vector<16xi32>
    %gather3A_401 = tpu.vector_load_idx %arg7[%add3A_400] : memref<10240xf32, #tpu.memory_space<vmem>>[vector<16xi32>], vector<16xf32>,
    %select_n3A_402 = arith.select %and3A_36, %gather3A_401, %broadcast_in_dim3A_24 : vector<16xi1>, vector<16xf32>
    %swap3A_403 = arith.constant 6 : i32
    %swap3A_404 = arith.index_cast %swap3A_403 : i32 to index
    %swap3A_405 = arith.constant 0 : index
    %swap3A_406 = tpu.vector_load %arg9[%swap3A_404, %swap3A_405] {strides = array<i32>} : memref<32x512xf32, #tpu.memory_space<vmem>>, vector<16xf32>,
    tpu.vector_store %arg9[%swap3A_404, %swap3A_405], %select_n3A_402 {strides = array<i32>} : memref<32x512xf32, #tpu.memory_space<vmem>>, vector<16xf32>,
    %broadcast_in_dim3A_407 = arith.constant 195 : i32
    %broadcast_in_dim3A_408 = vector.broadcast %broadcast_in_dim3A_407 : i32 to vector<16xi32>
    %add3A_409 = arith.addi %broadcast_in_dim3A_408, %min3A_31 : vector<16xi32>
    %gather3A_410 = tpu.vector_load_idx %arg7[%add3A_409] : memref<10240xf32, #tpu.memory_space<vmem>>[vector<16xi32>], vector<16xf32>,
    %select_n3A_411 = arith.select %and3A_36, %gather3A_410, %broadcast_in_dim3A_24 : vector<16xi1>, vector<16xf32>
    %swap3A_412 = arith.constant 7 : i32
    %swap3A_413 = arith.index_cast %swap3A_412 : i32 to index
    %swap3A_414 = arith.constant 0 : index
    %swap3A_415 = tpu.vector_load %arg9[%swap3A_413, %swap3A_414] {strides = array<i32>} : memref<32x512xf32, #tpu.memory_space<vmem>>, vector<16xf32>,
    tpu.vector_store %arg9[%swap3A_413, %swap3A_414], %select_n3A_411 {strides = array<i32>} : memref<32x512xf32, #tpu.memory_space<vmem>>, vector<16xf32>,
    %broadcast_in_dim3A_416 = arith.constant 200 : i32
    %broadcast_in_dim3A_417 = vector.broadcast %broadcast_in_dim3A_416 : i32 to vector<16xi32>
    %add3A_418 = arith.addi %broadcast_in_dim3A_417, %min3A_31 : vector<16xi32>
    %gather3A_419 = tpu.vector_load_idx %arg7[%add3A_418] : memref<10240xf32, #tpu.memory_space<vmem>>[vector<16xi32>], vector<16xf32>,
    %select_n3A_420 = arith.select %and3A_36, %gather3A_419, %broadcast_in_dim3A_24 : vector<16xi1>, vector<16xf32>
    %swap3A_421 = arith.constant 8 : i32
    %swap3A_422 = arith.index_cast %swap3A_421 : i32 to index
    %swap3A_423 = arith.constant 0 : index
    %swap3A_424 = tpu.vector_load %arg9[%swap3A_422, %swap3A_423] {strides = array<i32>} : memref<32x512xf32, #tpu.memory_space<vmem>>, vector<16xf32>,
    tpu.vector_store %arg9[%swap3A_422, %swap3A_423], %select_n3A_420 {strides = array<i32>} : memref<32x512xf32, #tpu.memory_space<vmem>>, vector<16xf32>,
    %broadcast_in_dim3A_425 = arith.constant 205 : i32
    %broadcast_in_dim3A_426 = vector.broadcast %broadcast_in_dim3A_425 : i32 to vector<16xi32>
    %add3A_427 = arith.addi %broadcast_in_dim3A_426, %min3A_31 : vector<16xi32>
    %gather3A_428 = tpu.vector_load_idx %arg7[%add3A_427] : memref<10240xf32, #tpu.memory_space<vmem>>[vector<16xi32>], vector<16xf32>,
    %select_n3A_429 = arith.select %and3A_36, %gather3A_428, %broadcast_in_dim3A_24 : vector<16xi1>, vector<16xf32>
    %swap3A_430 = arith.constant 9 : i32
    %swap3A_431 = arith.index_cast %swap3A_430 : i32 to index
    %swap3A_432 = arith.constant 0 : index
    %swap3A_433 = tpu.vector_load %arg9[%swap3A_431, %swap3A_432] {strides = array<i32>} : memref<32x512xf32, #tpu.memory_space<vmem>>, vector<16xf32>,
    tpu.vector_store %arg9[%swap3A_431, %swap3A_432], %select_n3A_429 {strides = array<i32>} : memref<32x512xf32, #tpu.memory_space<vmem>>, vector<16xf32>,
    %broadcast_in_dim3A_434 = arith.constant 210 : i32
    %broadcast_in_dim3A_435 = vector.broadcast %broadcast_in_dim3A_434 : i32 to vector<16xi32>
    %add3A_436 = arith.addi %broadcast_in_dim3A_435, %min3A_31 : vector<16xi32>
    %gather3A_437 = tpu.vector_load_idx %arg7[%add3A_436] : memref<10240xf32, #tpu.memory_space<vmem>>[vector<16xi32>], vector<16xf32>,
    %select_n3A_438 = arith.select %and3A_36, %gather3A_437, %broadcast_in_dim3A_24 : vector<16xi1>, vector<16xf32>
    %swap3A_439 = arith.constant 10 : i32
    %swap3A_440 = arith.index_cast %swap3A_439 : i32 to index
    %swap3A_441 = arith.constant 0 : index
    %swap3A_442 = tpu.vector_load %arg9[%swap3A_440, %swap3A_441] {strides = array<i32>} : memref<32x512xf32, #tpu.memory_space<vmem>>, vector<16xf32>,
    tpu.vector_store %arg9[%swap3A_440, %swap3A_441], %select_n3A_438 {strides = array<i32>} : memref<32x512xf32, #tpu.memory_space<vmem>>, vector<16xf32>,
    %broadcast_in_dim3A_443 = arith.constant 215 : i32
    %broadcast_in_dim3A_444 = vector.broadcast %broadcast_in_dim3A_443 : i32 to vector<16xi32>
    %add3A_445 = arith.addi %broadcast_in_dim3A_444, %min3A_31 : vector<16xi32>
    %gather3A_446 = tpu.vector_load_idx %arg7[%add3A_445] : memref<10240xf32, #tpu.memory_space<vmem>>[vector<16xi32>], vector<16xf32>,
    %select_n3A_447 = arith.select %and3A_36, %gather3A_446, %broadcast_in_dim3A_24 : vector<16xi1>, vector<16xf32>
    %swap3A_448 = arith.constant 11 : i32
    %swap3A_449 = arith.index_cast %swap3A_448 : i32 to index
    %swap3A_450 = arith.constant 0 : index
    %swap3A_451 = tpu.vector_load %arg9[%swap3A_449, %swap3A_450] {strides = array<i32>} : memref<32x512xf32, #tpu.memory_space<vmem>>, vector<16xf32>,
    tpu.vector_store %arg9[%swap3A_449, %swap3A_450], %select_n3A_447 {strides = array<i32>} : memref<32x512xf32, #tpu.memory_space<vmem>>, vector<16xf32>,
    %broadcast_in_dim3A_452 = arith.constant 220 : i32
    %broadcast_in_dim3A_453 = vector.broadcast %broadcast_in_dim3A_452 : i32 to vector<16xi32>
    %add3A_454 = arith.addi %broadcast_in_dim3A_453, %min3A_31 : vector<16xi32>
    %gather3A_455 = tpu.vector_load_idx %arg7[%add3A_454] : memref<10240xf32, #tpu.memory_space<vmem>>[vector<16xi32>], vector<16xf32>,
    %select_n3A_456 = arith.select %and3A_36, %gather3A_455, %broadcast_in_dim3A_24 : vector<16xi1>, vector<16xf32>
    %swap3A_457 = arith.constant 12 : i32
    %swap3A_458 = arith.index_cast %swap3A_457 : i32 to index
    %swap3A_459 = arith.constant 0 : index
    %swap3A_460 = tpu.vector_load %arg9[%swap3A_458, %swap3A_459] {strides = array<i32>} : memref<32x512xf32, #tpu.memory_space<vmem>>, vector<16xf32>,
    tpu.vector_store %arg9[%swap3A_458, %swap3A_459], %select_n3A_456 {strides = array<i32>} : memref<32x512xf32, #tpu.memory_space<vmem>>, vector<16xf32>,
    %broadcast_in_dim3A_461 = arith.constant 225 : i32
    %broadcast_in_dim3A_462 = vector.broadcast %broadcast_in_dim3A_461 : i32 to vector<16xi32>
    %add3A_463 = arith.addi %broadcast_in_dim3A_462, %min3A_31 : vector<16xi32>
    %gather3A_464 = tpu.vector_load_idx %arg7[%add3A_463] : memref<10240xf32, #tpu.memory_space<vmem>>[vector<16xi32>], vector<16xf32>,
    %select_n3A_465 = arith.select %and3A_36, %gather3A_464, %broadcast_in_dim3A_24 : vector<16xi1>, vector<16xf32>
    %swap3A_466 = arith.constant 13 : i32
    %swap3A_467 = arith.index_cast %swap3A_466 : i32 to index
    %swap3A_468 = arith.constant 0 : index
    %swap3A_469 = tpu.vector_load %arg9[%swap3A_467, %swap3A_468] {strides = array<i32>} : memref<32x512xf32, #tpu.memory_space<vmem>>, vector<16xf32>,
    tpu.vector_store %arg9[%swap3A_467, %swap3A_468], %select_n3A_465 {strides = array<i32>} : memref<32x512xf32, #tpu.memory_space<vmem>>, vector<16xf32>,
    %broadcast_in_dim3A_470 = arith.constant 230 : i32
    %broadcast_in_dim3A_471 = vector.broadcast %broadcast_in_dim3A_470 : i32 to vector<16xi32>
    %add3A_472 = arith.addi %broadcast_in_dim3A_471, %min3A_31 : vector<16xi32>
    %gather3A_473 = tpu.vector_load_idx %arg7[%add3A_472] : memref<10240xf32, #tpu.memory_space<vmem>>[vector<16xi32>], vector<16xf32>,
    %select_n3A_474 = arith.select %and3A_36, %gather3A_473, %broadcast_in_dim3A_24 : vector<16xi1>, vector<16xf32>
    %swap3A_475 = arith.constant 14 : i32
    %swap3A_476 = arith.index_cast %swap3A_475 : i32 to index
    %swap3A_477 = arith.constant 0 : index
    %swap3A_478 = tpu.vector_load %arg9[%swap3A_476, %swap3A_477] {strides = array<i32>} : memref<32x512xf32, #tpu.memory_space<vmem>>, vector<16xf32>,
    tpu.vector_store %arg9[%swap3A_476, %swap3A_477], %select_n3A_474 {strides = array<i32>} : memref<32x512xf32, #tpu.memory_space<vmem>>, vector<16xf32>,
    %broadcast_in_dim3A_479 = arith.constant 235 : i32
    %broadcast_in_dim3A_480 = vector.broadcast %broadcast_in_dim3A_479 : i32 to vector<16xi32>
    %add3A_481 = arith.addi %broadcast_in_dim3A_480, %min3A_31 : vector<16xi32>
    %gather3A_482 = tpu.vector_load_idx %arg7[%add3A_481] : memref<10240xf32, #tpu.memory_space<vmem>>[vector<16xi32>], vector<16xf32>,
    %select_n3A_483 = arith.select %and3A_36, %gather3A_482, %broadcast_in_dim3A_24 : vector<16xi1>, vector<16xf32>
    %swap3A_484 = arith.constant 15 : i32
    %swap3A_485 = arith.index_cast %swap3A_484 : i32 to index
    %swap3A_486 = arith.constant 0 : index
    %swap3A_487 = tpu.vector_load %arg9[%swap3A_485, %swap3A_486] {strides = array<i32>} : memref<32x512xf32, #tpu.memory_space<vmem>>, vector<16xf32>,
    tpu.vector_store %arg9[%swap3A_485, %swap3A_486], %select_n3A_483 {strides = array<i32>} : memref<32x512xf32, #tpu.memory_space<vmem>>, vector<16xf32>,
    %broadcast_in_dim3A_488 = arith.constant 240 : i32
    %broadcast_in_dim3A_489 = vector.broadcast %broadcast_in_dim3A_488 : i32 to vector<16xi32>
    %add3A_490 = arith.addi %broadcast_in_dim3A_489, %min3A_31 : vector<16xi32>
    %gather3A_491 = tpu.vector_load_idx %arg7[%add3A_490] : memref<10240xf32, #tpu.memory_space<vmem>>[vector<16xi32>], vector<16xf32>,
    %select_n3A_492 = arith.select %and3A_36, %gather3A_491, %broadcast_in_dim3A_24 : vector<16xi1>, vector<16xf32>
    %swap3A_493 = arith.constant 16 : i32
    %swap3A_494 = arith.index_cast %swap3A_493 : i32 to index
    %swap3A_495 = arith.constant 0 : index
    %swap3A_496 = tpu.vector_load %arg9[%swap3A_494, %swap3A_495] {strides = array<i32>} : memref<32x512xf32, #tpu.memory_space<vmem>>, vector<16xf32>,
    tpu.vector_store %arg9[%swap3A_494, %swap3A_495], %select_n3A_492 {strides = array<i32>} : memref<32x512xf32, #tpu.memory_space<vmem>>, vector<16xf32>,
    %broadcast_in_dim3A_497 = arith.constant 245 : i32
    %broadcast_in_dim3A_498 = vector.broadcast %broadcast_in_dim3A_497 : i32 to vector<16xi32>
    %add3A_499 = arith.addi %broadcast_in_dim3A_498, %min3A_31 : vector<16xi32>
    %gather3A_500 = tpu.vector_load_idx %arg7[%add3A_499] : memref<10240xf32, #tpu.memory_space<vmem>>[vector<16xi32>], vector<16xf32>,
    %select_n3A_501 = arith.select %and3A_36, %gather3A_500, %broadcast_in_dim3A_24 : vector<16xi1>, vector<16xf32>
    %swap3A_502 = arith.constant 17 : i32
    %swap3A_503 = arith.index_cast %swap3A_502 : i32 to index
    %swap3A_504 = arith.constant 0 : index
    %swap3A_505 = tpu.vector_load %arg9[%swap3A_503, %swap3A_504] {strides = array<i32>} : memref<32x512xf32, #tpu.memory_space<vmem>>, vector<16xf32>,
    tpu.vector_store %arg9[%swap3A_503, %swap3A_504], %select_n3A_501 {strides = array<i32>} : memref<32x512xf32, #tpu.memory_space<vmem>>, vector<16xf32>,
    %broadcast_in_dim3A_506 = arith.constant 250 : i32
    %broadcast_in_dim3A_507 = vector.broadcast %broadcast_in_dim3A_506 : i32 to vector<16xi32>
    %add3A_508 = arith.addi %broadcast_in_dim3A_507, %min3A_31 : vector<16xi32>
    %gather3A_509 = tpu.vector_load_idx %arg7[%add3A_508] : memref<10240xf32, #tpu.memory_space<vmem>>[vector<16xi32>], vector<16xf32>,
    %select_n3A_510 = arith.select %and3A_36, %gather3A_509, %broadcast_in_dim3A_24 : vector<16xi1>, vector<16xf32>
    %swap3A_511 = arith.constant 18 : i32
    %swap3A_512 = arith.index_cast %swap3A_511 : i32 to index
    %swap3A_513 = arith.constant 0 : index
    %swap3A_514 = tpu.vector_load %arg9[%swap3A_512, %swap3A_513] {strides = array<i32>} : memref<32x512xf32, #tpu.memory_space<vmem>>, vector<16xf32>,
    tpu.vector_store %arg9[%swap3A_512, %swap3A_513], %select_n3A_510 {strides = array<i32>} : memref<32x512xf32, #tpu.memory_space<vmem>>, vector<16xf32>,
    %broadcast_in_dim3A_515 = arith.constant 255 : i32
    %broadcast_in_dim3A_516 = vector.broadcast %broadcast_in_dim3A_515 : i32 to vector<16xi32>
    %add3A_517 = arith.addi %broadcast_in_dim3A_516, %min3A_31 : vector<16xi32>
    %gather3A_518 = tpu.vector_load_idx %arg7[%add3A_517] : memref<10240xf32, #tpu.memory_space<vmem>>[vector<16xi32>], vector<16xf32>,
    %select_n3A_519 = arith.select %and3A_36, %gather3A_518, %broadcast_in_dim3A_24 : vector<16xi1>, vector<16xf32>
    %swap3A_520 = arith.constant 19 : i32
    %swap3A_521 = arith.index_cast %swap3A_520 : i32 to index
    %swap3A_522 = arith.constant 0 : index
    %swap3A_523 = tpu.vector_load %arg9[%swap3A_521, %swap3A_522] {strides = array<i32>} : memref<32x512xf32, #tpu.memory_space<vmem>>, vector<16xf32>,
    tpu.vector_store %arg9[%swap3A_521, %swap3A_522], %select_n3A_519 {strides = array<i32>} : memref<32x512xf32, #tpu.memory_space<vmem>>, vector<16xf32>,
    %broadcast_in_dim3A_524 = arith.constant 260 : i32
    %broadcast_in_dim3A_525 = vector.broadcast %broadcast_in_dim3A_524 : i32 to vector<16xi32>
    %add3A_526 = arith.addi %broadcast_in_dim3A_525, %min3A_31 : vector<16xi32>
    %gather3A_527 = tpu.vector_load_idx %arg7[%add3A_526] : memref<10240xf32, #tpu.memory_space<vmem>>[vector<16xi32>], vector<16xf32>,
    %select_n3A_528 = arith.select %and3A_36, %gather3A_527, %broadcast_in_dim3A_24 : vector<16xi1>, vector<16xf32>
    %swap3A_529 = arith.constant 20 : i32
    %swap3A_530 = arith.index_cast %swap3A_529 : i32 to index
    %swap3A_531 = arith.constant 0 : index
    %swap3A_532 = tpu.vector_load %arg9[%swap3A_530, %swap3A_531] {strides = array<i32>} : memref<32x512xf32, #tpu.memory_space<vmem>>, vector<16xf32>,
    tpu.vector_store %arg9[%swap3A_530, %swap3A_531], %select_n3A_528 {strides = array<i32>} : memref<32x512xf32, #tpu.memory_space<vmem>>, vector<16xf32>,
    %broadcast_in_dim3A_533 = arith.constant 265 : i32
    %broadcast_in_dim3A_534 = vector.broadcast %broadcast_in_dim3A_533 : i32 to vector<16xi32>
    %add3A_535 = arith.addi %broadcast_in_dim3A_534, %min3A_31 : vector<16xi32>
    %gather3A_536 = tpu.vector_load_idx %arg7[%add3A_535] : memref<10240xf32, #tpu.memory_space<vmem>>[vector<16xi32>], vector<16xf32>,
    %select_n3A_537 = arith.select %and3A_36, %gather3A_536, %broadcast_in_dim3A_24 : vector<16xi1>, vector<16xf32>
    %swap3A_538 = arith.constant 21 : i32
    %swap3A_539 = arith.index_cast %swap3A_538 : i32 to index
    %swap3A_540 = arith.constant 0 : index
    %swap3A_541 = tpu.vector_load %arg9[%swap3A_539, %swap3A_540] {strides = array<i32>} : memref<32x512xf32, #tpu.memory_space<vmem>>, vector<16xf32>,
    tpu.vector_store %arg9[%swap3A_539, %swap3A_540], %select_n3A_537 {strides = array<i32>} : memref<32x512xf32, #tpu.memory_space<vmem>>, vector<16xf32>,
    %broadcast_in_dim3A_542 = arith.constant 270 : i32
    %broadcast_in_dim3A_543 = vector.broadcast %broadcast_in_dim3A_542 : i32 to vector<16xi32>
    %add3A_544 = arith.addi %broadcast_in_dim3A_543, %min3A_31 : vector<16xi32>
    %gather3A_545 = tpu.vector_load_idx %arg7[%add3A_544] : memref<10240xf32, #tpu.memory_space<vmem>>[vector<16xi32>], vector<16xf32>,
    %select_n3A_546 = arith.select %and3A_36, %gather3A_545, %broadcast_in_dim3A_24 : vector<16xi1>, vector<16xf32>
    %swap3A_547 = arith.constant 22 : i32
    %swap3A_548 = arith.index_cast %swap3A_547 : i32 to index
    %swap3A_549 = arith.constant 0 : index
    %swap3A_550 = tpu.vector_load %arg9[%swap3A_548, %swap3A_549] {strides = array<i32>} : memref<32x512xf32, #tpu.memory_space<vmem>>, vector<16xf32>,
    tpu.vector_store %arg9[%swap3A_548, %swap3A_549], %select_n3A_546 {strides = array<i32>} : memref<32x512xf32, #tpu.memory_space<vmem>>, vector<16xf32>,
    %broadcast_in_dim3A_551 = arith.constant 275 : i32
    %broadcast_in_dim3A_552 = vector.broadcast %broadcast_in_dim3A_551 : i32 to vector<16xi32>
    %add3A_553 = arith.addi %broadcast_in_dim3A_552, %min3A_31 : vector<16xi32>
    %gather3A_554 = tpu.vector_load_idx %arg7[%add3A_553] : memref<10240xf32, #tpu.memory_space<vmem>>[vector<16xi32>], vector<16xf32>,
    %select_n3A_555 = arith.select %and3A_36, %gather3A_554, %broadcast_in_dim3A_24 : vector<16xi1>, vector<16xf32>
    %swap3A_556 = arith.constant 23 : i32
    %swap3A_557 = arith.index_cast %swap3A_556 : i32 to index
    %swap3A_558 = arith.constant 0 : index
    %swap3A_559 = tpu.vector_load %arg9[%swap3A_557, %swap3A_558] {strides = array<i32>} : memref<32x512xf32, #tpu.memory_space<vmem>>, vector<16xf32>,
    tpu.vector_store %arg9[%swap3A_557, %swap3A_558], %select_n3A_555 {strides = array<i32>} : memref<32x512xf32, #tpu.memory_space<vmem>>, vector<16xf32>,
    %broadcast_in_dim3A_560 = arith.constant 280 : i32
    %broadcast_in_dim3A_561 = vector.broadcast %broadcast_in_dim3A_560 : i32 to vector<16xi32>
    %add3A_562 = arith.addi %broadcast_in_dim3A_561, %min3A_31 : vector<16xi32>
    %gather3A_563 = tpu.vector_load_idx %arg7[%add3A_562] : memref<10240xf32, #tpu.memory_space<vmem>>[vector<16xi32>], vector<16xf32>,
    %select_n3A_564 = arith.select %and3A_36, %gather3A_563, %broadcast_in_dim3A_24 : vector<16xi1>, vector<16xf32>
    %swap3A_565 = arith.constant 24 : i32
    %swap3A_566 = arith.index_cast %swap3A_565 : i32 to index
    %swap3A_567 = arith.constant 0 : index
    %swap3A_568 = tpu.vector_load %arg9[%swap3A_566, %swap3A_567] {strides = array<i32>} : memref<32x512xf32, #tpu.memory_space<vmem>>, vector<16xf32>,
    tpu.vector_store %arg9[%swap3A_566, %swap3A_567], %select_n3A_564 {strides = array<i32>} : memref<32x512xf32, #tpu.memory_space<vmem>>, vector<16xf32>,
    %broadcast_in_dim3A_569 = arith.constant 285 : i32
    %broadcast_in_dim3A_570 = vector.broadcast %broadcast_in_dim3A_569 : i32 to vector<16xi32>
    %add3A_571 = arith.addi %broadcast_in_dim3A_570, %min3A_31 : vector<16xi32>
    %gather3A_572 = tpu.vector_load_idx %arg7[%add3A_571] : memref<10240xf32, #tpu.memory_space<vmem>>[vector<16xi32>], vector<16xf32>,
    %select_n3A_573 = arith.select %and3A_36, %gather3A_572, %broadcast_in_dim3A_24 : vector<16xi1>, vector<16xf32>
    %swap3A_574 = arith.constant 25 : i32
    %swap3A_575 = arith.index_cast %swap3A_574 : i32 to index
    %swap3A_576 = arith.constant 0 : index
    %swap3A_577 = tpu.vector_load %arg9[%swap3A_575, %swap3A_576] {strides = array<i32>} : memref<32x512xf32, #tpu.memory_space<vmem>>, vector<16xf32>,
    tpu.vector_store %arg9[%swap3A_575, %swap3A_576], %select_n3A_573 {strides = array<i32>} : memref<32x512xf32, #tpu.memory_space<vmem>>, vector<16xf32>,
    %broadcast_in_dim3A_578 = arith.constant 290 : i32
    %broadcast_in_dim3A_579 = vector.broadcast %broadcast_in_dim3A_578 : i32 to vector<16xi32>
    %add3A_580 = arith.addi %broadcast_in_dim3A_579, %min3A_31 : vector<16xi32>
    %gather3A_581 = tpu.vector_load_idx %arg7[%add3A_580] : memref<10240xf32, #tpu.memory_space<vmem>>[vector<16xi32>], vector<16xf32>,
    %select_n3A_582 = arith.select %and3A_36, %gather3A_581, %broadcast_in_dim3A_24 : vector<16xi1>, vector<16xf32>
    %swap3A_583 = arith.constant 26 : i32
    %swap3A_584 = arith.index_cast %swap3A_583 : i32 to index
    %swap3A_585 = arith.constant 0 : index
    %swap3A_586 = tpu.vector_load %arg9[%swap3A_584, %swap3A_585] {strides = array<i32>} : memref<32x512xf32, #tpu.memory_space<vmem>>, vector<16xf32>,
    tpu.vector_store %arg9[%swap3A_584, %swap3A_585], %select_n3A_582 {strides = array<i32>} : memref<32x512xf32, #tpu.memory_space<vmem>>, vector<16xf32>,
    %broadcast_in_dim3A_587 = arith.constant 295 : i32
    %broadcast_in_dim3A_588 = vector.broadcast %broadcast_in_dim3A_587 : i32 to vector<16xi32>
    %add3A_589 = arith.addi %broadcast_in_dim3A_588, %min3A_31 : vector<16xi32>
    %gather3A_590 = tpu.vector_load_idx %arg7[%add3A_589] : memref<10240xf32, #tpu.memory_space<vmem>>[vector<16xi32>], vector<16xf32>,
    %select_n3A_591 = arith.select %and3A_36, %gather3A_590, %broadcast_in_dim3A_24 : vector<16xi1>, vector<16xf32>
    %swap3A_592 = arith.constant 27 : i32
    %swap3A_593 = arith.index_cast %swap3A_592 : i32 to index
    %swap3A_594 = arith.constant 0 : index
    %swap3A_595 = tpu.vector_load %arg9[%swap3A_593, %swap3A_594] {strides = array<i32>} : memref<32x512xf32, #tpu.memory_space<vmem>>, vector<16xf32>,
    tpu.vector_store %arg9[%swap3A_593, %swap3A_594], %select_n3A_591 {strides = array<i32>} : memref<32x512xf32, #tpu.memory_space<vmem>>, vector<16xf32>,
    %broadcast_in_dim3A_596 = arith.constant 300 : i32
    %broadcast_in_dim3A_597 = vector.broadcast %broadcast_in_dim3A_596 : i32 to vector<16xi32>
    %add3A_598 = arith.addi %broadcast_in_dim3A_597, %min3A_31 : vector<16xi32>
    %gather3A_599 = tpu.vector_load_idx %arg7[%add3A_598] : memref<10240xf32, #tpu.memory_space<vmem>>[vector<16xi32>], vector<16xf32>,
    %select_n3A_600 = arith.select %and3A_36, %gather3A_599, %broadcast_in_dim3A_24 : vector<16xi1>, vector<16xf32>
    %swap3A_601 = arith.constant 28 : i32
    %swap3A_602 = arith.index_cast %swap3A_601 : i32 to index
    %swap3A_603 = arith.constant 0 : index
    %swap3A_604 = tpu.vector_load %arg9[%swap3A_602, %swap3A_603] {strides = array<i32>} : memref<32x512xf32, #tpu.memory_space<vmem>>, vector<16xf32>,
    tpu.vector_store %arg9[%swap3A_602, %swap3A_603], %select_n3A_600 {strides = array<i32>} : memref<32x512xf32, #tpu.memory_space<vmem>>, vector<16xf32>,
    %broadcast_in_dim3A_605 = arith.constant 305 : i32
    %broadcast_in_dim3A_606 = vector.broadcast %broadcast_in_dim3A_605 : i32 to vector<16xi32>
    %add3A_607 = arith.addi %broadcast_in_dim3A_606, %min3A_31 : vector<16xi32>
    %gather3A_608 = tpu.vector_load_idx %arg7[%add3A_607] : memref<10240xf32, #tpu.memory_space<vmem>>[vector<16xi32>], vector<16xf32>,
    %select_n3A_609 = arith.select %and3A_36, %gather3A_608, %broadcast_in_dim3A_24 : vector<16xi1>, vector<16xf32>
    %swap3A_610 = arith.constant 29 : i32
    %swap3A_611 = arith.index_cast %swap3A_610 : i32 to index
    %swap3A_612 = arith.constant 0 : index
    %swap3A_613 = tpu.vector_load %arg9[%swap3A_611, %swap3A_612] {strides = array<i32>} : memref<32x512xf32, #tpu.memory_space<vmem>>, vector<16xf32>,
    tpu.vector_store %arg9[%swap3A_611, %swap3A_612], %select_n3A_609 {strides = array<i32>} : memref<32x512xf32, #tpu.memory_space<vmem>>, vector<16xf32>,
    %broadcast_in_dim3A_614 = arith.constant 310 : i32
    %broadcast_in_dim3A_615 = vector.broadcast %broadcast_in_dim3A_614 : i32 to vector<16xi32>
    %add3A_616 = arith.addi %broadcast_in_dim3A_615, %min3A_31 : vector<16xi32>
    %gather3A_617 = tpu.vector_load_idx %arg7[%add3A_616] : memref<10240xf32, #tpu.memory_space<vmem>>[vector<16xi32>], vector<16xf32>,
    %select_n3A_618 = arith.select %and3A_36, %gather3A_617, %broadcast_in_dim3A_24 : vector<16xi1>, vector<16xf32>
    %swap3A_619 = arith.constant 30 : i32
    %swap3A_620 = arith.index_cast %swap3A_619 : i32 to index
    %swap3A_621 = arith.constant 0 : index
    %swap3A_622 = tpu.vector_load %arg9[%swap3A_620, %swap3A_621] {strides = array<i32>} : memref<32x512xf32, #tpu.memory_space<vmem>>, vector<16xf32>,
    tpu.vector_store %arg9[%swap3A_620, %swap3A_621], %select_n3A_618 {strides = array<i32>} : memref<32x512xf32, #tpu.memory_space<vmem>>, vector<16xf32>,
    %broadcast_in_dim3A_623 = arith.constant 315 : i32
    %broadcast_in_dim3A_624 = vector.broadcast %broadcast_in_dim3A_623 : i32 to vector<16xi32>
    %add3A_625 = arith.addi %broadcast_in_dim3A_624, %min3A_31 : vector<16xi32>
    %gather3A_626 = tpu.vector_load_idx %arg7[%add3A_625] : memref<10240xf32, #tpu.memory_space<vmem>>[vector<16xi32>], vector<16xf32>,
    %select_n3A_627 = arith.select %and3A_36, %gather3A_626, %broadcast_in_dim3A_24 : vector<16xi1>, vector<16xf32>
    %swap3A_628 = arith.constant 31 : i32
    %swap3A_629 = arith.index_cast %swap3A_628 : i32 to index
    %swap3A_630 = arith.constant 0 : index
    %swap3A_631 = tpu.vector_load %arg9[%swap3A_629, %swap3A_630] {strides = array<i32>} : memref<32x512xf32, #tpu.memory_space<vmem>>, vector<16xf32>,
    tpu.vector_store %arg9[%swap3A_629, %swap3A_630], %select_n3A_627 {strides = array<i32>} : memref<32x512xf32, #tpu.memory_space<vmem>>, vector<16xf32>,
    %add3A_632 = arith.constant 32 : i32
    %add3A_633 = vector.broadcast %add3A_632 : i32 to vector<16xi32>
    %add3A_634 = arith.addi %add3A_633, %iota3A : vector<16xi32>
    %gather3A_635 = tpu.vector_load_idx %arg6[%add3A_634] : memref<2048xi32, #tpu.memory_space<vmem>>[vector<16xi32>], vector<16xi32>,
    %add3A_636 = arith.constant 0 : i32
    %add3A_637 = vector.broadcast %add3A_636 : i32 to vector<16xi32>
    %add3A_638 = arith.addi %add3A_637, %iota3A : vector<16xi32>
    tpu.vector_store_idx %arg9[%add3A_638, %gather3A_635], %broadcast_in_dim3A_22 : memref<32x512xf32, #tpu.memory_space<vmem>>[vector<16xi32>, vector<16xi32>], vector<16xf32>,
    %add3A_639 = arith.constant 48 : i32
    %add3A_640 = vector.broadcast %add3A_639 : i32 to vector<16xi32>
    %add3A_641 = arith.addi %add3A_640, %iota3A : vector<16xi32>
    %gather3A_642 = tpu.vector_load_idx %arg6[%add3A_641] : memref<2048xi32, #tpu.memory_space<vmem>>[vector<16xi32>], vector<16xi32>,
    %add3A_643 = arith.constant 16 : i32
    %add3A_644 = vector.broadcast %add3A_643 : i32 to vector<16xi32>
    %add3A_645 = arith.addi %add3A_644, %iota3A : vector<16xi32>
    tpu.vector_store_idx %arg9[%add3A_645, %gather3A_642], %broadcast_in_dim3A_22 : memref<32x512xf32, #tpu.memory_space<vmem>>[vector<16xi32>, vector<16xi32>], vector<16xf32>,
    %add3A_646 = arith.constant 32 : i32
    %add3A_647 = arith.addi %mul3A_2, %add3A_646 : i32
    %dma_start3A_648 = arith.constant 0 : i32
    %dma_start3A_649 = tpu.memref_slice %arg5[%add3A_647, %dma_start3A_648] : memref<65536x512xf32, #tpu.memory_space<hbm>> -> memref<32x512xf32, #tpu.memory_space<hbm>>
    %dma_start3A_650 = arith.constant 0 : i32
    %dma_start3A_651 = tpu.memref_slice %arg5[%add3A_647, %dma_start3A_650] : memref<65536x512xf32, #tpu.memory_space<hbm>> -> memref<32x512xf32, #tpu.memory_space<hbm>>
    tpu.enqueue_dma source(%arg9 : memref<32x512xf32, #tpu.memory_space<vmem>>) target(%dma_start3A_651 : memref<32x512xf32, #tpu.memory_space<hbm>>) target_semaphore(%arg11 : memref<!tpu.dma_semaphore, #tpu.memory_space<semaphore_mem>>)
    %scan3A = arith.constant 0 : i32
    %scan3A_652 = arith.constant 1 : i32
    %scan3A_653 = arith.constant 31 : i32
    %scan3A_654 = arith.addi %scan3A_652, %scan3A_653 : i32
    %scan3A_655 = arith.constant 1 : i32
    scf.for %scan3A_664 = %scan3A_652 to %scan3A_654 step %scan3A_655  : i32 {
      %mul3A_665 = arith.constant 2 : i32
      %mul3A_666 = arith.muli %mul3A_665, %scan3A_664 : i32
      %dma_wait3A_667 = arith.constant 0 : i32
      %dma_wait3A_668 = tpu.memref_slice %arg5[%mul3A_2, %dma_wait3A_667] : memref<65536x512xf32, #tpu.memory_space<hbm>> -> memref<32x512xf32, #tpu.memory_space<hbm>>
      %dma_wait3A_669 = arith.constant 0 : i32
      %dma_wait3A_670 = tpu.memref_slice %arg5[%mul3A_2, %dma_wait3A_669] : memref<65536x512xf32, #tpu.memory_space<hbm>> -> memref<32x512xf32, #tpu.memory_space<hbm>>
      tpu.wait_dma2 semaphore(%arg10 : memref<!tpu.dma_semaphore, #tpu.memory_space<semaphore_mem>>) src(%arg8 : memref<32x512xf32, #tpu.memory_space<vmem>>) dst(%dma_wait3A_670 : memref<32x512xf32, #tpu.memory_space<hbm>>)
      %mul3A_671 = arith.constant 32 : i32
      %mul3A_672 = arith.muli %mul3A_666, %mul3A_671 : i32
      %add3A_673 = arith.constant 0 : i32
      %add3A_674 = arith.addi %mul3A_672, %add3A_673 : i32
      %mul3A_675 = arith.constant 5 : i32
      %mul3A_676 = arith.muli %add3A_674, %mul3A_675 : i32
      %broadcast_in_dim3A_677 = vector.broadcast %mul3A_676 : i32 to vector<16xi32>
      %add3A_678 = arith.addi %broadcast_in_dim3A_677, %min3A_31 : vector<16xi32>
      %gather3A_679 = tpu.vector_load_idx %arg7[%add3A_678] : memref<10240xf32, #tpu.memory_space<vmem>>[vector<16xi32>], vector<16xf32>,
      %select_n3A_680 = arith.select %and3A_36, %gather3A_679, %broadcast_in_dim3A_24 : vector<16xi1>, vector<16xf32>
      %swap3A_681 = arith.constant 0 : i32
      %swap3A_682 = arith.index_cast %swap3A_681 : i32 to index
      %swap3A_683 = arith.constant 0 : index
      %swap3A_684 = tpu.vector_load %arg8[%swap3A_682, %swap3A_683] {strides = array<i32>} : memref<32x512xf32, #tpu.memory_space<vmem>>, vector<16xf32>,
      tpu.vector_store %arg8[%swap3A_682, %swap3A_683], %select_n3A_680 {strides = array<i32>} : memref<32x512xf32, #tpu.memory_space<vmem>>, vector<16xf32>,
      %add3A_685 = arith.constant 1 : i32
      %add3A_686 = arith.addi %mul3A_672, %add3A_685 : i32
      %mul3A_687 = arith.constant 5 : i32
      %mul3A_688 = arith.muli %add3A_686, %mul3A_687 : i32
      %broadcast_in_dim3A_689 = vector.broadcast %mul3A_688 : i32 to vector<16xi32>
      %add3A_690 = arith.addi %broadcast_in_dim3A_689, %min3A_31 : vector<16xi32>
      %gather3A_691 = tpu.vector_load_idx %arg7[%add3A_690] : memref<10240xf32, #tpu.memory_space<vmem>>[vector<16xi32>], vector<16xf32>,
      %select_n3A_692 = arith.select %and3A_36, %gather3A_691, %broadcast_in_dim3A_24 : vector<16xi1>, vector<16xf32>
      %swap3A_693 = arith.constant 1 : i32
      %swap3A_694 = arith.index_cast %swap3A_693 : i32 to index
      %swap3A_695 = arith.constant 0 : index
      %swap3A_696 = tpu.vector_load %arg8[%swap3A_694, %swap3A_695] {strides = array<i32>} : memref<32x512xf32, #tpu.memory_space<vmem>>, vector<16xf32>,
      tpu.vector_store %arg8[%swap3A_694, %swap3A_695], %select_n3A_692 {strides = array<i32>} : memref<32x512xf32, #tpu.memory_space<vmem>>, vector<16xf32>,
      %add3A_697 = arith.constant 2 : i32
      %add3A_698 = arith.addi %mul3A_672, %add3A_697 : i32
      %mul3A_699 = arith.constant 5 : i32
      %mul3A_700 = arith.muli %add3A_698, %mul3A_699 : i32
      %broadcast_in_dim3A_701 = vector.broadcast %mul3A_700 : i32 to vector<16xi32>
      %add3A_702 = arith.addi %broadcast_in_dim3A_701, %min3A_31 : vector<16xi32>
      %gather3A_703 = tpu.vector_load_idx %arg7[%add3A_702] : memref<10240xf32, #tpu.memory_space<vmem>>[vector<16xi32>], vector<16xf32>,
      %select_n3A_704 = arith.select %and3A_36, %gather3A_703, %broadcast_in_dim3A_24 : vector<16xi1>, vector<16xf32>
      %swap3A_705 = arith.constant 2 : i32
      %swap3A_706 = arith.index_cast %swap3A_705 : i32 to index
      %swap3A_707 = arith.constant 0 : index
      %swap3A_708 = tpu.vector_load %arg8[%swap3A_706, %swap3A_707] {strides = array<i32>} : memref<32x512xf32, #tpu.memory_space<vmem>>, vector<16xf32>,
      tpu.vector_store %arg8[%swap3A_706, %swap3A_707], %select_n3A_704 {strides = array<i32>} : memref<32x512xf32, #tpu.memory_space<vmem>>, vector<16xf32>,
      %add3A_709 = arith.constant 3 : i32
      %add3A_710 = arith.addi %mul3A_672, %add3A_709 : i32
      %mul3A_711 = arith.constant 5 : i32
      %mul3A_712 = arith.muli %add3A_710, %mul3A_711 : i32
      %broadcast_in_dim3A_713 = vector.broadcast %mul3A_712 : i32 to vector<16xi32>
      %add3A_714 = arith.addi %broadcast_in_dim3A_713, %min3A_31 : vector<16xi32>
      %gather3A_715 = tpu.vector_load_idx %arg7[%add3A_714] : memref<10240xf32, #tpu.memory_space<vmem>>[vector<16xi32>], vector<16xf32>,
      %select_n3A_716 = arith.select %and3A_36, %gather3A_715, %broadcast_in_dim3A_24 : vector<16xi1>, vector<16xf32>
      %swap3A_717 = arith.constant 3 : i32
      %swap3A_718 = arith.index_cast %swap3A_717 : i32 to index
      %swap3A_719 = arith.constant 0 : index
      %swap3A_720 = tpu.vector_load %arg8[%swap3A_718, %swap3A_719] {strides = array<i32>} : memref<32x512xf32, #tpu.memory_space<vmem>>, vector<16xf32>,
      tpu.vector_store %arg8[%swap3A_718, %swap3A_719], %select_n3A_716 {strides = array<i32>} : memref<32x512xf32, #tpu.memory_space<vmem>>, vector<16xf32>,
      %add3A_721 = arith.constant 4 : i32
      %add3A_722 = arith.addi %mul3A_672, %add3A_721 : i32
      %mul3A_723 = arith.constant 5 : i32
      %mul3A_724 = arith.muli %add3A_722, %mul3A_723 : i32
      %broadcast_in_dim3A_725 = vector.broadcast %mul3A_724 : i32 to vector<16xi32>
      %add3A_726 = arith.addi %broadcast_in_dim3A_725, %min3A_31 : vector<16xi32>
      %gather3A_727 = tpu.vector_load_idx %arg7[%add3A_726] : memref<10240xf32, #tpu.memory_space<vmem>>[vector<16xi32>], vector<16xf32>,
      %select_n3A_728 = arith.select %and3A_36, %gather3A_727, %broadcast_in_dim3A_24 : vector<16xi1>, vector<16xf32>
      %swap3A_729 = arith.constant 4 : i32
      %swap3A_730 = arith.index_cast %swap3A_729 : i32 to index
      %swap3A_731 = arith.constant 0 : index
      %swap3A_732 = tpu.vector_load %arg8[%swap3A_730, %swap3A_731] {strides = array<i32>} : memref<32x512xf32, #tpu.memory_space<vmem>>, vector<16xf32>,
      tpu.vector_store %arg8[%swap3A_730, %swap3A_731], %select_n3A_728 {strides = array<i32>} : memref<32x512xf32, #tpu.memory_space<vmem>>, vector<16xf32>,
      %add3A_733 = arith.constant 5 : i32
      %add3A_734 = arith.addi %mul3A_672, %add3A_733 : i32
      %mul3A_735 = arith.constant 5 : i32
      %mul3A_736 = arith.muli %add3A_734, %mul3A_735 : i32
      %broadcast_in_dim3A_737 = vector.broadcast %mul3A_736 : i32 to vector<16xi32>
      %add3A_738 = arith.addi %broadcast_in_dim3A_737, %min3A_31 : vector<16xi32>
      %gather3A_739 = tpu.vector_load_idx %arg7[%add3A_738] : memref<10240xf32, #tpu.memory_space<vmem>>[vector<16xi32>], vector<16xf32>,
      %select_n3A_740 = arith.select %and3A_36, %gather3A_739, %broadcast_in_dim3A_24 : vector<16xi1>, vector<16xf32>
      %swap3A_741 = arith.constant 5 : i32
      %swap3A_742 = arith.index_cast %swap3A_741 : i32 to index
      %swap3A_743 = arith.constant 0 : index
      %swap3A_744 = tpu.vector_load %arg8[%swap3A_742, %swap3A_743] {strides = array<i32>} : memref<32x512xf32, #tpu.memory_space<vmem>>, vector<16xf32>,
      tpu.vector_store %arg8[%swap3A_742, %swap3A_743], %select_n3A_740 {strides = array<i32>} : memref<32x512xf32, #tpu.memory_space<vmem>>, vector<16xf32>,
      %add3A_745 = arith.constant 6 : i32
      %add3A_746 = arith.addi %mul3A_672, %add3A_745 : i32
      %mul3A_747 = arith.constant 5 : i32
      %mul3A_748 = arith.muli %add3A_746, %mul3A_747 : i32
      %broadcast_in_dim3A_749 = vector.broadcast %mul3A_748 : i32 to vector<16xi32>
      %add3A_750 = arith.addi %broadcast_in_dim3A_749, %min3A_31 : vector<16xi32>
      %gather3A_751 = tpu.vector_load_idx %arg7[%add3A_750] : memref<10240xf32, #tpu.memory_space<vmem>>[vector<16xi32>], vector<16xf32>,
      %select_n3A_752 = arith.select %and3A_36, %gather3A_751, %broadcast_in_dim3A_24 : vector<16xi1>, vector<16xf32>
      %swap3A_753 = arith.constant 6 : i32
      %swap3A_754 = arith.index_cast %swap3A_753 : i32 to index
      %swap3A_755 = arith.constant 0 : index
      %swap3A_756 = tpu.vector_load %arg8[%swap3A_754, %swap3A_755] {strides = array<i32>} : memref<32x512xf32, #tpu.memory_space<vmem>>, vector<16xf32>,
      tpu.vector_store %arg8[%swap3A_754, %swap3A_755], %select_n3A_752 {strides = array<i32>} : memref<32x512xf32, #tpu.memory_space<vmem>>, vector<16xf32>,
      %add3A_757 = arith.constant 7 : i32
      %add3A_758 = arith.addi %mul3A_672, %add3A_757 : i32
      %mul3A_759 = arith.constant 5 : i32
      %mul3A_760 = arith.muli %add3A_758, %mul3A_759 : i32
      %broadcast_in_dim3A_761 = vector.broadcast %mul3A_760 : i32 to vector<16xi32>
      %add3A_762 = arith.addi %broadcast_in_dim3A_761, %min3A_31 : vector<16xi32>
      %gather3A_763 = tpu.vector_load_idx %arg7[%add3A_762] : memref<10240xf32, #tpu.memory_space<vmem>>[vector<16xi32>], vector<16xf32>,
      %select_n3A_764 = arith.select %and3A_36, %gather3A_763, %broadcast_in_dim3A_24 : vector<16xi1>, vector<16xf32>
      %swap3A_765 = arith.constant 7 : i32
      %swap3A_766 = arith.index_cast %swap3A_765 : i32 to index
      %swap3A_767 = arith.constant 0 : index
      %swap3A_768 = tpu.vector_load %arg8[%swap3A_766, %swap3A_767] {strides = array<i32>} : memref<32x512xf32, #tpu.memory_space<vmem>>, vector<16xf32>,
      tpu.vector_store %arg8[%swap3A_766, %swap3A_767], %select_n3A_764 {strides = array<i32>} : memref<32x512xf32, #tpu.memory_space<vmem>>, vector<16xf32>,
      %add3A_769 = arith.constant 8 : i32
      %add3A_770 = arith.addi %mul3A_672, %add3A_769 : i32
      %mul3A_771 = arith.constant 5 : i32
      %mul3A_772 = arith.muli %add3A_770, %mul3A_771 : i32
      %broadcast_in_dim3A_773 = vector.broadcast %mul3A_772 : i32 to vector<16xi32>
      %add3A_774 = arith.addi %broadcast_in_dim3A_773, %min3A_31 : vector<16xi32>
      %gather3A_775 = tpu.vector_load_idx %arg7[%add3A_774] : memref<10240xf32, #tpu.memory_space<vmem>>[vector<16xi32>], vector<16xf32>,
      %select_n3A_776 = arith.select %and3A_36, %gather3A_775, %broadcast_in_dim3A_24 : vector<16xi1>, vector<16xf32>
      %swap3A_777 = arith.constant 8 : i32
      %swap3A_778 = arith.index_cast %swap3A_777 : i32 to index
      %swap3A_779 = arith.constant 0 : index
      %swap3A_780 = tpu.vector_load %arg8[%swap3A_778, %swap3A_779] {strides = array<i32>} : memref<32x512xf32, #tpu.memory_space<vmem>>, vector<16xf32>,
      tpu.vector_store %arg8[%swap3A_778, %swap3A_779], %select_n3A_776 {strides = array<i32>} : memref<32x512xf32, #tpu.memory_space<vmem>>, vector<16xf32>,
      %add3A_781 = arith.constant 9 : i32
      %add3A_782 = arith.addi %mul3A_672, %add3A_781 : i32
      %mul3A_783 = arith.constant 5 : i32
      %mul3A_784 = arith.muli %add3A_782, %mul3A_783 : i32
      %broadcast_in_dim3A_785 = vector.broadcast %mul3A_784 : i32 to vector<16xi32>
      %add3A_786 = arith.addi %broadcast_in_dim3A_785, %min3A_31 : vector<16xi32>
      %gather3A_787 = tpu.vector_load_idx %arg7[%add3A_786] : memref<10240xf32, #tpu.memory_space<vmem>>[vector<16xi32>], vector<16xf32>,
      %select_n3A_788 = arith.select %and3A_36, %gather3A_787, %broadcast_in_dim3A_24 : vector<16xi1>, vector<16xf32>
      %swap3A_789 = arith.constant 9 : i32
      %swap3A_790 = arith.index_cast %swap3A_789 : i32 to index
      %swap3A_791 = arith.constant 0 : index
      %swap3A_792 = tpu.vector_load %arg8[%swap3A_790, %swap3A_791] {strides = array<i32>} : memref<32x512xf32, #tpu.memory_space<vmem>>, vector<16xf32>,
      tpu.vector_store %arg8[%swap3A_790, %swap3A_791], %select_n3A_788 {strides = array<i32>} : memref<32x512xf32, #tpu.memory_space<vmem>>, vector<16xf32>,
      %add3A_793 = arith.constant 10 : i32
      %add3A_794 = arith.addi %mul3A_672, %add3A_793 : i32
      %mul3A_795 = arith.constant 5 : i32
      %mul3A_796 = arith.muli %add3A_794, %mul3A_795 : i32
      %broadcast_in_dim3A_797 = vector.broadcast %mul3A_796 : i32 to vector<16xi32>
      %add3A_798 = arith.addi %broadcast_in_dim3A_797, %min3A_31 : vector<16xi32>
      %gather3A_799 = tpu.vector_load_idx %arg7[%add3A_798] : memref<10240xf32, #tpu.memory_space<vmem>>[vector<16xi32>], vector<16xf32>,
      %select_n3A_800 = arith.select %and3A_36, %gather3A_799, %broadcast_in_dim3A_24 : vector<16xi1>, vector<16xf32>
      %swap3A_801 = arith.constant 10 : i32
      %swap3A_802 = arith.index_cast %swap3A_801 : i32 to index
      %swap3A_803 = arith.constant 0 : index
      %swap3A_804 = tpu.vector_load %arg8[%swap3A_802, %swap3A_803] {strides = array<i32>} : memref<32x512xf32, #tpu.memory_space<vmem>>, vector<16xf32>,
      tpu.vector_store %arg8[%swap3A_802, %swap3A_803], %select_n3A_800 {strides = array<i32>} : memref<32x512xf32, #tpu.memory_space<vmem>>, vector<16xf32>,
      %add3A_805 = arith.constant 11 : i32
      %add3A_806 = arith.addi %mul3A_672, %add3A_805 : i32
      %mul3A_807 = arith.constant 5 : i32
      %mul3A_808 = arith.muli %add3A_806, %mul3A_807 : i32
      %broadcast_in_dim3A_809 = vector.broadcast %mul3A_808 : i32 to vector<16xi32>
      %add3A_810 = arith.addi %broadcast_in_dim3A_809, %min3A_31 : vector<16xi32>
      %gather3A_811 = tpu.vector_load_idx %arg7[%add3A_810] : memref<10240xf32, #tpu.memory_space<vmem>>[vector<16xi32>], vector<16xf32>,
      %select_n3A_812 = arith.select %and3A_36, %gather3A_811, %broadcast_in_dim3A_24 : vector<16xi1>, vector<16xf32>
      %swap3A_813 = arith.constant 11 : i32
      %swap3A_814 = arith.index_cast %swap3A_813 : i32 to index
      %swap3A_815 = arith.constant 0 : index
      %swap3A_816 = tpu.vector_load %arg8[%swap3A_814, %swap3A_815] {strides = array<i32>} : memref<32x512xf32, #tpu.memory_space<vmem>>, vector<16xf32>,
      tpu.vector_store %arg8[%swap3A_814, %swap3A_815], %select_n3A_812 {strides = array<i32>} : memref<32x512xf32, #tpu.memory_space<vmem>>, vector<16xf32>,
      %add3A_817 = arith.constant 12 : i32
      %add3A_818 = arith.addi %mul3A_672, %add3A_817 : i32
      %mul3A_819 = arith.constant 5 : i32
      %mul3A_820 = arith.muli %add3A_818, %mul3A_819 : i32
      %broadcast_in_dim3A_821 = vector.broadcast %mul3A_820 : i32 to vector<16xi32>
      %add3A_822 = arith.addi %broadcast_in_dim3A_821, %min3A_31 : vector<16xi32>
      %gather3A_823 = tpu.vector_load_idx %arg7[%add3A_822] : memref<10240xf32, #tpu.memory_space<vmem>>[vector<16xi32>], vector<16xf32>,
      %select_n3A_824 = arith.select %and3A_36, %gather3A_823, %broadcast_in_dim3A_24 : vector<16xi1>, vector<16xf32>
      %swap3A_825 = arith.constant 12 : i32
      %swap3A_826 = arith.index_cast %swap3A_825 : i32 to index
      %swap3A_827 = arith.constant 0 : index
      %swap3A_828 = tpu.vector_load %arg8[%swap3A_826, %swap3A_827] {strides = array<i32>} : memref<32x512xf32, #tpu.memory_space<vmem>>, vector<16xf32>,
      tpu.vector_store %arg8[%swap3A_826, %swap3A_827], %select_n3A_824 {strides = array<i32>} : memref<32x512xf32, #tpu.memory_space<vmem>>, vector<16xf32>,
      %add3A_829 = arith.constant 13 : i32
      %add3A_830 = arith.addi %mul3A_672, %add3A_829 : i32
      %mul3A_831 = arith.constant 5 : i32
      %mul3A_832 = arith.muli %add3A_830, %mul3A_831 : i32
      %broadcast_in_dim3A_833 = vector.broadcast %mul3A_832 : i32 to vector<16xi32>
      %add3A_834 = arith.addi %broadcast_in_dim3A_833, %min3A_31 : vector<16xi32>
      %gather3A_835 = tpu.vector_load_idx %arg7[%add3A_834] : memref<10240xf32, #tpu.memory_space<vmem>>[vector<16xi32>], vector<16xf32>,
      %select_n3A_836 = arith.select %and3A_36, %gather3A_835, %broadcast_in_dim3A_24 : vector<16xi1>, vector<16xf32>
      %swap3A_837 = arith.constant 13 : i32
      %swap3A_838 = arith.index_cast %swap3A_837 : i32 to index
      %swap3A_839 = arith.constant 0 : index
      %swap3A_840 = tpu.vector_load %arg8[%swap3A_838, %swap3A_839] {strides = array<i32>} : memref<32x512xf32, #tpu.memory_space<vmem>>, vector<16xf32>,
      tpu.vector_store %arg8[%swap3A_838, %swap3A_839], %select_n3A_836 {strides = array<i32>} : memref<32x512xf32, #tpu.memory_space<vmem>>, vector<16xf32>,
      %add3A_841 = arith.constant 14 : i32
      %add3A_842 = arith.addi %mul3A_672, %add3A_841 : i32
      %mul3A_843 = arith.constant 5 : i32
      %mul3A_844 = arith.muli %add3A_842, %mul3A_843 : i32
      %broadcast_in_dim3A_845 = vector.broadcast %mul3A_844 : i32 to vector<16xi32>
      %add3A_846 = arith.addi %broadcast_in_dim3A_845, %min3A_31 : vector<16xi32>
      %gather3A_847 = tpu.vector_load_idx %arg7[%add3A_846] : memref<10240xf32, #tpu.memory_space<vmem>>[vector<16xi32>], vector<16xf32>,
      %select_n3A_848 = arith.select %and3A_36, %gather3A_847, %broadcast_in_dim3A_24 : vector<16xi1>, vector<16xf32>
      %swap3A_849 = arith.constant 14 : i32
      %swap3A_850 = arith.index_cast %swap3A_849 : i32 to index
      %swap3A_851 = arith.constant 0 : index
      %swap3A_852 = tpu.vector_load %arg8[%swap3A_850, %swap3A_851] {strides = array<i32>} : memref<32x512xf32, #tpu.memory_space<vmem>>, vector<16xf32>,
      tpu.vector_store %arg8[%swap3A_850, %swap3A_851], %select_n3A_848 {strides = array<i32>} : memref<32x512xf32, #tpu.memory_space<vmem>>, vector<16xf32>,
      %add3A_853 = arith.constant 15 : i32
      %add3A_854 = arith.addi %mul3A_672, %add3A_853 : i32
      %mul3A_855 = arith.constant 5 : i32
      %mul3A_856 = arith.muli %add3A_854, %mul3A_855 : i32
      %broadcast_in_dim3A_857 = vector.broadcast %mul3A_856 : i32 to vector<16xi32>
      %add3A_858 = arith.addi %broadcast_in_dim3A_857, %min3A_31 : vector<16xi32>
      %gather3A_859 = tpu.vector_load_idx %arg7[%add3A_858] : memref<10240xf32, #tpu.memory_space<vmem>>[vector<16xi32>], vector<16xf32>,
      %select_n3A_860 = arith.select %and3A_36, %gather3A_859, %broadcast_in_dim3A_24 : vector<16xi1>, vector<16xf32>
      %swap3A_861 = arith.constant 15 : i32
      %swap3A_862 = arith.index_cast %swap3A_861 : i32 to index
      %swap3A_863 = arith.constant 0 : index
      %swap3A_864 = tpu.vector_load %arg8[%swap3A_862, %swap3A_863] {strides = array<i32>} : memref<32x512xf32, #tpu.memory_space<vmem>>, vector<16xf32>,
      tpu.vector_store %arg8[%swap3A_862, %swap3A_863], %select_n3A_860 {strides = array<i32>} : memref<32x512xf32, #tpu.memory_space<vmem>>, vector<16xf32>,
      %add3A_865 = arith.constant 16 : i32
      %add3A_866 = arith.addi %mul3A_672, %add3A_865 : i32
      %mul3A_867 = arith.constant 5 : i32
      %mul3A_868 = arith.muli %add3A_866, %mul3A_867 : i32
      %broadcast_in_dim3A_869 = vector.broadcast %mul3A_868 : i32 to vector<16xi32>
      %add3A_870 = arith.addi %broadcast_in_dim3A_869, %min3A_31 : vector<16xi32>
      %gather3A_871 = tpu.vector_load_idx %arg7[%add3A_870] : memref<10240xf32, #tpu.memory_space<vmem>>[vector<16xi32>], vector<16xf32>,
      %select_n3A_872 = arith.select %and3A_36, %gather3A_871, %broadcast_in_dim3A_24 : vector<16xi1>, vector<16xf32>
      %swap3A_873 = arith.constant 16 : i32
      %swap3A_874 = arith.index_cast %swap3A_873 : i32 to index
      %swap3A_875 = arith.constant 0 : index
      %swap3A_876 = tpu.vector_load %arg8[%swap3A_874, %swap3A_875] {strides = array<i32>} : memref<32x512xf32, #tpu.memory_space<vmem>>, vector<16xf32>,
      tpu.vector_store %arg8[%swap3A_874, %swap3A_875], %select_n3A_872 {strides = array<i32>} : memref<32x512xf32, #tpu.memory_space<vmem>>, vector<16xf32>,
      %add3A_877 = arith.constant 17 : i32
      %add3A_878 = arith.addi %mul3A_672, %add3A_877 : i32
      %mul3A_879 = arith.constant 5 : i32
      %mul3A_880 = arith.muli %add3A_878, %mul3A_879 : i32
      %broadcast_in_dim3A_881 = vector.broadcast %mul3A_880 : i32 to vector<16xi32>
      %add3A_882 = arith.addi %broadcast_in_dim3A_881, %min3A_31 : vector<16xi32>
      %gather3A_883 = tpu.vector_load_idx %arg7[%add3A_882] : memref<10240xf32, #tpu.memory_space<vmem>>[vector<16xi32>], vector<16xf32>,
      %select_n3A_884 = arith.select %and3A_36, %gather3A_883, %broadcast_in_dim3A_24 : vector<16xi1>, vector<16xf32>
      %swap3A_885 = arith.constant 17 : i32
      %swap3A_886 = arith.index_cast %swap3A_885 : i32 to index
      %swap3A_887 = arith.constant 0 : index
      %swap3A_888 = tpu.vector_load %arg8[%swap3A_886, %swap3A_887] {strides = array<i32>} : memref<32x512xf32, #tpu.memory_space<vmem>>, vector<16xf32>,
      tpu.vector_store %arg8[%swap3A_886, %swap3A_887], %select_n3A_884 {strides = array<i32>} : memref<32x512xf32, #tpu.memory_space<vmem>>, vector<16xf32>,
      %add3A_889 = arith.constant 18 : i32
      %add3A_890 = arith.addi %mul3A_672, %add3A_889 : i32
      %mul3A_891 = arith.constant 5 : i32
      %mul3A_892 = arith.muli %add3A_890, %mul3A_891 : i32
      %broadcast_in_dim3A_893 = vector.broadcast %mul3A_892 : i32 to vector<16xi32>
      %add3A_894 = arith.addi %broadcast_in_dim3A_893, %min3A_31 : vector<16xi32>
      %gather3A_895 = tpu.vector_load_idx %arg7[%add3A_894] : memref<10240xf32, #tpu.memory_space<vmem>>[vector<16xi32>], vector<16xf32>,
      %select_n3A_896 = arith.select %and3A_36, %gather3A_895, %broadcast_in_dim3A_24 : vector<16xi1>, vector<16xf32>
      %swap3A_897 = arith.constant 18 : i32
      %swap3A_898 = arith.index_cast %swap3A_897 : i32 to index
      %swap3A_899 = arith.constant 0 : index
      %swap3A_900 = tpu.vector_load %arg8[%swap3A_898, %swap3A_899] {strides = array<i32>} : memref<32x512xf32, #tpu.memory_space<vmem>>, vector<16xf32>,
      tpu.vector_store %arg8[%swap3A_898, %swap3A_899], %select_n3A_896 {strides = array<i32>} : memref<32x512xf32, #tpu.memory_space<vmem>>, vector<16xf32>,
      %add3A_901 = arith.constant 19 : i32
      %add3A_902 = arith.addi %mul3A_672, %add3A_901 : i32
      %mul3A_903 = arith.constant 5 : i32
      %mul3A_904 = arith.muli %add3A_902, %mul3A_903 : i32
      %broadcast_in_dim3A_905 = vector.broadcast %mul3A_904 : i32 to vector<16xi32>
      %add3A_906 = arith.addi %broadcast_in_dim3A_905, %min3A_31 : vector<16xi32>
      %gather3A_907 = tpu.vector_load_idx %arg7[%add3A_906] : memref<10240xf32, #tpu.memory_space<vmem>>[vector<16xi32>], vector<16xf32>,
      %select_n3A_908 = arith.select %and3A_36, %gather3A_907, %broadcast_in_dim3A_24 : vector<16xi1>, vector<16xf32>
      %swap3A_909 = arith.constant 19 : i32
      %swap3A_910 = arith.index_cast %swap3A_909 : i32 to index
      %swap3A_911 = arith.constant 0 : index
      %swap3A_912 = tpu.vector_load %arg8[%swap3A_910, %swap3A_911] {strides = array<i32>} : memref<32x512xf32, #tpu.memory_space<vmem>>, vector<16xf32>,
      tpu.vector_store %arg8[%swap3A_910, %swap3A_911], %select_n3A_908 {strides = array<i32>} : memref<32x512xf32, #tpu.memory_space<vmem>>, vector<16xf32>,
      %add3A_913 = arith.constant 20 : i32
      %add3A_914 = arith.addi %mul3A_672, %add3A_913 : i32
      %mul3A_915 = arith.constant 5 : i32
      %mul3A_916 = arith.muli %add3A_914, %mul3A_915 : i32
      %broadcast_in_dim3A_917 = vector.broadcast %mul3A_916 : i32 to vector<16xi32>
      %add3A_918 = arith.addi %broadcast_in_dim3A_917, %min3A_31 : vector<16xi32>
      %gather3A_919 = tpu.vector_load_idx %arg7[%add3A_918] : memref<10240xf32, #tpu.memory_space<vmem>>[vector<16xi32>], vector<16xf32>,
      %select_n3A_920 = arith.select %and3A_36, %gather3A_919, %broadcast_in_dim3A_24 : vector<16xi1>, vector<16xf32>
      %swap3A_921 = arith.constant 20 : i32
      %swap3A_922 = arith.index_cast %swap3A_921 : i32 to index
      %swap3A_923 = arith.constant 0 : index
      %swap3A_924 = tpu.vector_load %arg8[%swap3A_922, %swap3A_923] {strides = array<i32>} : memref<32x512xf32, #tpu.memory_space<vmem>>, vector<16xf32>,
      tpu.vector_store %arg8[%swap3A_922, %swap3A_923], %select_n3A_920 {strides = array<i32>} : memref<32x512xf32, #tpu.memory_space<vmem>>, vector<16xf32>,
      %add3A_925 = arith.constant 21 : i32
      %add3A_926 = arith.addi %mul3A_672, %add3A_925 : i32
      %mul3A_927 = arith.constant 5 : i32
      %mul3A_928 = arith.muli %add3A_926, %mul3A_927 : i32
      %broadcast_in_dim3A_929 = vector.broadcast %mul3A_928 : i32 to vector<16xi32>
      %add3A_930 = arith.addi %broadcast_in_dim3A_929, %min3A_31 : vector<16xi32>
      %gather3A_931 = tpu.vector_load_idx %arg7[%add3A_930] : memref<10240xf32, #tpu.memory_space<vmem>>[vector<16xi32>], vector<16xf32>,
      %select_n3A_932 = arith.select %and3A_36, %gather3A_931, %broadcast_in_dim3A_24 : vector<16xi1>, vector<16xf32>
      %swap3A_933 = arith.constant 21 : i32
      %swap3A_934 = arith.index_cast %swap3A_933 : i32 to index
      %swap3A_935 = arith.constant 0 : index
      %swap3A_936 = tpu.vector_load %arg8[%swap3A_934, %swap3A_935] {strides = array<i32>} : memref<32x512xf32, #tpu.memory_space<vmem>>, vector<16xf32>,
      tpu.vector_store %arg8[%swap3A_934, %swap3A_935], %select_n3A_932 {strides = array<i32>} : memref<32x512xf32, #tpu.memory_space<vmem>>, vector<16xf32>,
      %add3A_937 = arith.constant 22 : i32
      %add3A_938 = arith.addi %mul3A_672, %add3A_937 : i32
      %mul3A_939 = arith.constant 5 : i32
      %mul3A_940 = arith.muli %add3A_938, %mul3A_939 : i32
      %broadcast_in_dim3A_941 = vector.broadcast %mul3A_940 : i32 to vector<16xi32>
      %add3A_942 = arith.addi %broadcast_in_dim3A_941, %min3A_31 : vector<16xi32>
      %gather3A_943 = tpu.vector_load_idx %arg7[%add3A_942] : memref<10240xf32, #tpu.memory_space<vmem>>[vector<16xi32>], vector<16xf32>,
      %select_n3A_944 = arith.select %and3A_36, %gather3A_943, %broadcast_in_dim3A_24 : vector<16xi1>, vector<16xf32>
      %swap3A_945 = arith.constant 22 : i32
      %swap3A_946 = arith.index_cast %swap3A_945 : i32 to index
      %swap3A_947 = arith.constant 0 : index
      %swap3A_948 = tpu.vector_load %arg8[%swap3A_946, %swap3A_947] {strides = array<i32>} : memref<32x512xf32, #tpu.memory_space<vmem>>, vector<16xf32>,
      tpu.vector_store %arg8[%swap3A_946, %swap3A_947], %select_n3A_944 {strides = array<i32>} : memref<32x512xf32, #tpu.memory_space<vmem>>, vector<16xf32>,
      %add3A_949 = arith.constant 23 : i32
      %add3A_950 = arith.addi %mul3A_672, %add3A_949 : i32
      %mul3A_951 = arith.constant 5 : i32
      %mul3A_952 = arith.muli %add3A_950, %mul3A_951 : i32
      %broadcast_in_dim3A_953 = vector.broadcast %mul3A_952 : i32 to vector<16xi32>
      %add3A_954 = arith.addi %broadcast_in_dim3A_953, %min3A_31 : vector<16xi32>
      %gather3A_955 = tpu.vector_load_idx %arg7[%add3A_954] : memref<10240xf32, #tpu.memory_space<vmem>>[vector<16xi32>], vector<16xf32>,
      %select_n3A_956 = arith.select %and3A_36, %gather3A_955, %broadcast_in_dim3A_24 : vector<16xi1>, vector<16xf32>
      %swap3A_957 = arith.constant 23 : i32
      %swap3A_958 = arith.index_cast %swap3A_957 : i32 to index
      %swap3A_959 = arith.constant 0 : index
      %swap3A_960 = tpu.vector_load %arg8[%swap3A_958, %swap3A_959] {strides = array<i32>} : memref<32x512xf32, #tpu.memory_space<vmem>>, vector<16xf32>,
      tpu.vector_store %arg8[%swap3A_958, %swap3A_959], %select_n3A_956 {strides = array<i32>} : memref<32x512xf32, #tpu.memory_space<vmem>>, vector<16xf32>,
      %add3A_961 = arith.constant 24 : i32
      %add3A_962 = arith.addi %mul3A_672, %add3A_961 : i32
      %mul3A_963 = arith.constant 5 : i32
      %mul3A_964 = arith.muli %add3A_962, %mul3A_963 : i32
      %broadcast_in_dim3A_965 = vector.broadcast %mul3A_964 : i32 to vector<16xi32>
      %add3A_966 = arith.addi %broadcast_in_dim3A_965, %min3A_31 : vector<16xi32>
      %gather3A_967 = tpu.vector_load_idx %arg7[%add3A_966] : memref<10240xf32, #tpu.memory_space<vmem>>[vector<16xi32>], vector<16xf32>,
      %select_n3A_968 = arith.select %and3A_36, %gather3A_967, %broadcast_in_dim3A_24 : vector<16xi1>, vector<16xf32>
      %swap3A_969 = arith.constant 24 : i32
      %swap3A_970 = arith.index_cast %swap3A_969 : i32 to index
      %swap3A_971 = arith.constant 0 : index
      %swap3A_972 = tpu.vector_load %arg8[%swap3A_970, %swap3A_971] {strides = array<i32>} : memref<32x512xf32, #tpu.memory_space<vmem>>, vector<16xf32>,
      tpu.vector_store %arg8[%swap3A_970, %swap3A_971], %select_n3A_968 {strides = array<i32>} : memref<32x512xf32, #tpu.memory_space<vmem>>, vector<16xf32>,
      %add3A_973 = arith.constant 25 : i32
      %add3A_974 = arith.addi %mul3A_672, %add3A_973 : i32
      %mul3A_975 = arith.constant 5 : i32
      %mul3A_976 = arith.muli %add3A_974, %mul3A_975 : i32
      %broadcast_in_dim3A_977 = vector.broadcast %mul3A_976 : i32 to vector<16xi32>
      %add3A_978 = arith.addi %broadcast_in_dim3A_977, %min3A_31 : vector<16xi32>
      %gather3A_979 = tpu.vector_load_idx %arg7[%add3A_978] : memref<10240xf32, #tpu.memory_space<vmem>>[vector<16xi32>], vector<16xf32>,
      %select_n3A_980 = arith.select %and3A_36, %gather3A_979, %broadcast_in_dim3A_24 : vector<16xi1>, vector<16xf32>
      %swap3A_981 = arith.constant 25 : i32
      %swap3A_982 = arith.index_cast %swap3A_981 : i32 to index
      %swap3A_983 = arith.constant 0 : index
      %swap3A_984 = tpu.vector_load %arg8[%swap3A_982, %swap3A_983] {strides = array<i32>} : memref<32x512xf32, #tpu.memory_space<vmem>>, vector<16xf32>,
      tpu.vector_store %arg8[%swap3A_982, %swap3A_983], %select_n3A_980 {strides = array<i32>} : memref<32x512xf32, #tpu.memory_space<vmem>>, vector<16xf32>,
      %add3A_985 = arith.constant 26 : i32
      %add3A_986 = arith.addi %mul3A_672, %add3A_985 : i32
      %mul3A_987 = arith.constant 5 : i32
      %mul3A_988 = arith.muli %add3A_986, %mul3A_987 : i32
      %broadcast_in_dim3A_989 = vector.broadcast %mul3A_988 : i32 to vector<16xi32>
      %add3A_990 = arith.addi %broadcast_in_dim3A_989, %min3A_31 : vector<16xi32>
      %gather3A_991 = tpu.vector_load_idx %arg7[%add3A_990] : memref<10240xf32, #tpu.memory_space<vmem>>[vector<16xi32>], vector<16xf32>,
      %select_n3A_992 = arith.select %and3A_36, %gather3A_991, %broadcast_in_dim3A_24 : vector<16xi1>, vector<16xf32>
      %swap3A_993 = arith.constant 26 : i32
      %swap3A_994 = arith.index_cast %swap3A_993 : i32 to index
      %swap3A_995 = arith.constant 0 : index
      %swap3A_996 = tpu.vector_load %arg8[%swap3A_994, %swap3A_995] {strides = array<i32>} : memref<32x512xf32, #tpu.memory_space<vmem>>, vector<16xf32>,
      tpu.vector_store %arg8[%swap3A_994, %swap3A_995], %select_n3A_992 {strides = array<i32>} : memref<32x512xf32, #tpu.memory_space<vmem>>, vector<16xf32>,
      %add3A_997 = arith.constant 27 : i32
      %add3A_998 = arith.addi %mul3A_672, %add3A_997 : i32
      %mul3A_999 = arith.constant 5 : i32
      %mul3A_1000 = arith.muli %add3A_998, %mul3A_999 : i32
      %broadcast_in_dim3A_1001 = vector.broadcast %mul3A_1000 : i32 to vector<16xi32>
      %add3A_1002 = arith.addi %broadcast_in_dim3A_1001, %min3A_31 : vector<16xi32>
      %gather3A_1003 = tpu.vector_load_idx %arg7[%add3A_1002] : memref<10240xf32, #tpu.memory_space<vmem>>[vector<16xi32>], vector<16xf32>,
      %select_n3A_1004 = arith.select %and3A_36, %gather3A_1003, %broadcast_in_dim3A_24 : vector<16xi1>, vector<16xf32>
      %swap3A_1005 = arith.constant 27 : i32
      %swap3A_1006 = arith.index_cast %swap3A_1005 : i32 to index
      %swap3A_1007 = arith.constant 0 : index
      %swap3A_1008 = tpu.vector_load %arg8[%swap3A_1006, %swap3A_1007] {strides = array<i32>} : memref<32x512xf32, #tpu.memory_space<vmem>>, vector<16xf32>,
      tpu.vector_store %arg8[%swap3A_1006, %swap3A_1007], %select_n3A_1004 {strides = array<i32>} : memref<32x512xf32, #tpu.memory_space<vmem>>, vector<16xf32>,
      %add3A_1009 = arith.constant 28 : i32
      %add3A_1010 = arith.addi %mul3A_672, %add3A_1009 : i32
      %mul3A_1011 = arith.constant 5 : i32
      %mul3A_1012 = arith.muli %add3A_1010, %mul3A_1011 : i32
      %broadcast_in_dim3A_1013 = vector.broadcast %mul3A_1012 : i32 to vector<16xi32>
      %add3A_1014 = arith.addi %broadcast_in_dim3A_1013, %min3A_31 : vector<16xi32>
      %gather3A_1015 = tpu.vector_load_idx %arg7[%add3A_1014] : memref<10240xf32, #tpu.memory_space<vmem>>[vector<16xi32>], vector<16xf32>,
      %select_n3A_1016 = arith.select %and3A_36, %gather3A_1015, %broadcast_in_dim3A_24 : vector<16xi1>, vector<16xf32>
      %swap3A_1017 = arith.constant 28 : i32
      %swap3A_1018 = arith.index_cast %swap3A_1017 : i32 to index
      %swap3A_1019 = arith.constant 0 : index
      %swap3A_1020 = tpu.vector_load %arg8[%swap3A_1018, %swap3A_1019] {strides = array<i32>} : memref<32x512xf32, #tpu.memory_space<vmem>>, vector<16xf32>,
      tpu.vector_store %arg8[%swap3A_1018, %swap3A_1019], %select_n3A_1016 {strides = array<i32>} : memref<32x512xf32, #tpu.memory_space<vmem>>, vector<16xf32>,
      %add3A_1021 = arith.constant 29 : i32
      %add3A_1022 = arith.addi %mul3A_672, %add3A_1021 : i32
      %mul3A_1023 = arith.constant 5 : i32
      %mul3A_1024 = arith.muli %add3A_1022, %mul3A_1023 : i32
      %broadcast_in_dim3A_1025 = vector.broadcast %mul3A_1024 : i32 to vector<16xi32>
      %add3A_1026 = arith.addi %broadcast_in_dim3A_1025, %min3A_31 : vector<16xi32>
      %gather3A_1027 = tpu.vector_load_idx %arg7[%add3A_1026] : memref<10240xf32, #tpu.memory_space<vmem>>[vector<16xi32>], vector<16xf32>,
      %select_n3A_1028 = arith.select %and3A_36, %gather3A_1027, %broadcast_in_dim3A_24 : vector<16xi1>, vector<16xf32>
      %swap3A_1029 = arith.constant 29 : i32
      %swap3A_1030 = arith.index_cast %swap3A_1029 : i32 to index
      %swap3A_1031 = arith.constant 0 : index
      %swap3A_1032 = tpu.vector_load %arg8[%swap3A_1030, %swap3A_1031] {strides = array<i32>} : memref<32x512xf32, #tpu.memory_space<vmem>>, vector<16xf32>,
      tpu.vector_store %arg8[%swap3A_1030, %swap3A_1031], %select_n3A_1028 {strides = array<i32>} : memref<32x512xf32, #tpu.memory_space<vmem>>, vector<16xf32>,
      %add3A_1033 = arith.constant 30 : i32
      %add3A_1034 = arith.addi %mul3A_672, %add3A_1033 : i32
      %mul3A_1035 = arith.constant 5 : i32
      %mul3A_1036 = arith.muli %add3A_1034, %mul3A_1035 : i32
      %broadcast_in_dim3A_1037 = vector.broadcast %mul3A_1036 : i32 to vector<16xi32>
      %add3A_1038 = arith.addi %broadcast_in_dim3A_1037, %min3A_31 : vector<16xi32>
      %gather3A_1039 = tpu.vector_load_idx %arg7[%add3A_1038] : memref<10240xf32, #tpu.memory_space<vmem>>[vector<16xi32>], vector<16xf32>,
      %select_n3A_1040 = arith.select %and3A_36, %gather3A_1039, %broadcast_in_dim3A_24 : vector<16xi1>, vector<16xf32>
      %swap3A_1041 = arith.constant 30 : i32
      %swap3A_1042 = arith.index_cast %swap3A_1041 : i32 to index
      %swap3A_1043 = arith.constant 0 : index
      %swap3A_1044 = tpu.vector_load %arg8[%swap3A_1042, %swap3A_1043] {strides = array<i32>} : memref<32x512xf32, #tpu.memory_space<vmem>>, vector<16xf32>,
      tpu.vector_store %arg8[%swap3A_1042, %swap3A_1043], %select_n3A_1040 {strides = array<i32>} : memref<32x512xf32, #tpu.memory_space<vmem>>, vector<16xf32>,
      %add3A_1045 = arith.constant 31 : i32
      %add3A_1046 = arith.addi %mul3A_672, %add3A_1045 : i32
      %mul3A_1047 = arith.constant 5 : i32
      %mul3A_1048 = arith.muli %add3A_1046, %mul3A_1047 : i32
      %broadcast_in_dim3A_1049 = vector.broadcast %mul3A_1048 : i32 to vector<16xi32>
      %add3A_1050 = arith.addi %broadcast_in_dim3A_1049, %min3A_31 : vector<16xi32>
      %gather3A_1051 = tpu.vector_load_idx %arg7[%add3A_1050] : memref<10240xf32, #tpu.memory_space<vmem>>[vector<16xi32>], vector<16xf32>,
      %select_n3A_1052 = arith.select %and3A_36, %gather3A_1051, %broadcast_in_dim3A_24 : vector<16xi1>, vector<16xf32>
      %swap3A_1053 = arith.constant 31 : i32
      %swap3A_1054 = arith.index_cast %swap3A_1053 : i32 to index
      %swap3A_1055 = arith.constant 0 : index
      %swap3A_1056 = tpu.vector_load %arg8[%swap3A_1054, %swap3A_1055] {strides = array<i32>} : memref<32x512xf32, #tpu.memory_space<vmem>>, vector<16xf32>,
      tpu.vector_store %arg8[%swap3A_1054, %swap3A_1055], %select_n3A_1052 {strides = array<i32>} : memref<32x512xf32, #tpu.memory_space<vmem>>, vector<16xf32>,
      %add3A_1057 = arith.constant 0 : i32
      %add3A_1058 = arith.addi %mul3A_672, %add3A_1057 : i32
      %add3A_1059 = vector.broadcast %add3A_1058 : i32 to vector<16xi32>
      %add3A_1060 = arith.addi %add3A_1059, %iota3A : vector<16xi32>
      %gather3A_1061 = tpu.vector_load_idx %arg6[%add3A_1060] : memref<2048xi32, #tpu.memory_space<vmem>>[vector<16xi32>], vector<16xi32>,
      %add3A_1062 = arith.constant 0 : i32
      %add3A_1063 = vector.broadcast %add3A_1062 : i32 to vector<16xi32>
      %add3A_1064 = arith.addi %add3A_1063, %iota3A : vector<16xi32>
      tpu.vector_store_idx %arg8[%add3A_1064, %gather3A_1061], %broadcast_in_dim3A_22 : memref<32x512xf32, #tpu.memory_space<vmem>>[vector<16xi32>, vector<16xi32>], vector<16xf32>,
      %add3A_1065 = arith.constant 16 : i32
      %add3A_1066 = arith.addi %mul3A_672, %add3A_1065 : i32
      %add3A_1067 = vector.broadcast %add3A_1066 : i32 to vector<16xi32>
      %add3A_1068 = arith.addi %add3A_1067, %iota3A : vector<16xi32>
      %gather3A_1069 = tpu.vector_load_idx %arg6[%add3A_1068] : memref<2048xi32, #tpu.memory_space<vmem>>[vector<16xi32>], vector<16xi32>,
      %add3A_1070 = arith.constant 16 : i32
      %add3A_1071 = vector.broadcast %add3A_1070 : i32 to vector<16xi32>
      %add3A_1072 = arith.addi %add3A_1071, %iota3A : vector<16xi32>
      tpu.vector_store_idx %arg8[%add3A_1072, %gather3A_1069], %broadcast_in_dim3A_22 : memref<32x512xf32, #tpu.memory_space<vmem>>[vector<16xi32>, vector<16xi32>], vector<16xf32>,
      %mul3A_1073 = arith.constant 32 : i32
      %mul3A_1074 = arith.muli %mul3A_666, %mul3A_1073 : i32
      %add3A_1075 = arith.addi %mul3A_2, %mul3A_1074 : i32
      %dma_start3A_1076 = arith.constant 0 : i32
      %dma_start3A_1077 = tpu.memref_slice %arg5[%add3A_1075, %dma_start3A_1076] : memref<65536x512xf32, #tpu.memory_space<hbm>> -> memref<32x512xf32, #tpu.memory_space<hbm>>
      %dma_start3A_1078 = arith.constant 0 : i32
      %dma_start3A_1079 = tpu.memref_slice %arg5[%add3A_1075, %dma_start3A_1078] : memref<65536x512xf32, #tpu.memory_space<hbm>> -> memref<32x512xf32, #tpu.memory_space<hbm>>
      tpu.enqueue_dma source(%arg8 : memref<32x512xf32, #tpu.memory_space<vmem>>) target(%dma_start3A_1079 : memref<32x512xf32, #tpu.memory_space<hbm>>) target_semaphore(%arg10 : memref<!tpu.dma_semaphore, #tpu.memory_space<semaphore_mem>>)
      %dma_wait3A_1080 = arith.constant 0 : i32
      %dma_wait3A_1081 = tpu.memref_slice %arg5[%mul3A_2, %dma_wait3A_1080] : memref<65536x512xf32, #tpu.memory_space<hbm>> -> memref<32x512xf32, #tpu.memory_space<hbm>>
      %dma_wait3A_1082 = arith.constant 0 : i32
      %dma_wait3A_1083 = tpu.memref_slice %arg5[%mul3A_2, %dma_wait3A_1082] : memref<65536x512xf32, #tpu.memory_space<hbm>> -> memref<32x512xf32, #tpu.memory_space<hbm>>
      tpu.wait_dma2 semaphore(%arg11 : memref<!tpu.dma_semaphore, #tpu.memory_space<semaphore_mem>>) src(%arg9 : memref<32x512xf32, #tpu.memory_space<vmem>>) dst(%dma_wait3A_1083 : memref<32x512xf32, #tpu.memory_space<hbm>>)
      %add3A_1084 = arith.constant 1 : i32
      %add3A_1085 = arith.addi %mul3A_666, %add3A_1084 : i32
      %mul3A_1086 = arith.constant 32 : i32
      %mul3A_1087 = arith.muli %add3A_1085, %mul3A_1086 : i32
      %add3A_1088 = arith.constant 0 : i32
      %add3A_1089 = arith.addi %mul3A_1087, %add3A_1088 : i32
      %mul3A_1090 = arith.constant 5 : i32
      %mul3A_1091 = arith.muli %add3A_1089, %mul3A_1090 : i32
      %broadcast_in_dim3A_1092 = vector.broadcast %mul3A_1091 : i32 to vector<16xi32>
      %add3A_1093 = arith.addi %broadcast_in_dim3A_1092, %min3A_31 : vector<16xi32>
      %gather3A_1094 = tpu.vector_load_idx %arg7[%add3A_1093] : memref<10240xf32, #tpu.memory_space<vmem>>[vector<16xi32>], vector<16xf32>,
      %select_n3A_1095 = arith.select %and3A_36, %gather3A_1094, %broadcast_in_dim3A_24 : vector<16xi1>, vector<16xf32>
      %swap3A_1096 = arith.constant 0 : i32
      %swap3A_1097 = arith.index_cast %swap3A_1096 : i32 to index
      %swap3A_1098 = arith.constant 0 : index
      %swap3A_1099 = tpu.vector_load %arg9[%swap3A_1097, %swap3A_1098] {strides = array<i32>} : memref<32x512xf32, #tpu.memory_space<vmem>>, vector<16xf32>,
      tpu.vector_store %arg9[%swap3A_1097, %swap3A_1098], %select_n3A_1095 {strides = array<i32>} : memref<32x512xf32, #tpu.memory_space<vmem>>, vector<16xf32>,
      %add3A_1100 = arith.constant 1 : i32
      %add3A_1101 = arith.addi %mul3A_1087, %add3A_1100 : i32
      %mul3A_1102 = arith.constant 5 : i32
      %mul3A_1103 = arith.muli %add3A_1101, %mul3A_1102 : i32
      %broadcast_in_dim3A_1104 = vector.broadcast %mul3A_1103 : i32 to vector<16xi32>
      %add3A_1105 = arith.addi %broadcast_in_dim3A_1104, %min3A_31 : vector<16xi32>
      %gather3A_1106 = tpu.vector_load_idx %arg7[%add3A_1105] : memref<10240xf32, #tpu.memory_space<vmem>>[vector<16xi32>], vector<16xf32>,
      %select_n3A_1107 = arith.select %and3A_36, %gather3A_1106, %broadcast_in_dim3A_24 : vector<16xi1>, vector<16xf32>
      %swap3A_1108 = arith.constant 1 : i32
      %swap3A_1109 = arith.index_cast %swap3A_1108 : i32 to index
      %swap3A_1110 = arith.constant 0 : index
      %swap3A_1111 = tpu.vector_load %arg9[%swap3A_1109, %swap3A_1110] {strides = array<i32>} : memref<32x512xf32, #tpu.memory_space<vmem>>, vector<16xf32>,
      tpu.vector_store %arg9[%swap3A_1109, %swap3A_1110], %select_n3A_1107 {strides = array<i32>} : memref<32x512xf32, #tpu.memory_space<vmem>>, vector<16xf32>,
      %add3A_1112 = arith.constant 2 : i32
      %add3A_1113 = arith.addi %mul3A_1087, %add3A_1112 : i32
      %mul3A_1114 = arith.constant 5 : i32
      %mul3A_1115 = arith.muli %add3A_1113, %mul3A_1114 : i32
      %broadcast_in_dim3A_1116 = vector.broadcast %mul3A_1115 : i32 to vector<16xi32>
      %add3A_1117 = arith.addi %broadcast_in_dim3A_1116, %min3A_31 : vector<16xi32>
      %gather3A_1118 = tpu.vector_load_idx %arg7[%add3A_1117] : memref<10240xf32, #tpu.memory_space<vmem>>[vector<16xi32>], vector<16xf32>,
      %select_n3A_1119 = arith.select %and3A_36, %gather3A_1118, %broadcast_in_dim3A_24 : vector<16xi1>, vector<16xf32>
      %swap3A_1120 = arith.constant 2 : i32
      %swap3A_1121 = arith.index_cast %swap3A_1120 : i32 to index
      %swap3A_1122 = arith.constant 0 : index
      %swap3A_1123 = tpu.vector_load %arg9[%swap3A_1121, %swap3A_1122] {strides = array<i32>} : memref<32x512xf32, #tpu.memory_space<vmem>>, vector<16xf32>,
      tpu.vector_store %arg9[%swap3A_1121, %swap3A_1122], %select_n3A_1119 {strides = array<i32>} : memref<32x512xf32, #tpu.memory_space<vmem>>, vector<16xf32>,
      %add3A_1124 = arith.constant 3 : i32
      %add3A_1125 = arith.addi %mul3A_1087, %add3A_1124 : i32
      %mul3A_1126 = arith.constant 5 : i32
      %mul3A_1127 = arith.muli %add3A_1125, %mul3A_1126 : i32
      %broadcast_in_dim3A_1128 = vector.broadcast %mul3A_1127 : i32 to vector<16xi32>
      %add3A_1129 = arith.addi %broadcast_in_dim3A_1128, %min3A_31 : vector<16xi32>
      %gather3A_1130 = tpu.vector_load_idx %arg7[%add3A_1129] : memref<10240xf32, #tpu.memory_space<vmem>>[vector<16xi32>], vector<16xf32>,
      %select_n3A_1131 = arith.select %and3A_36, %gather3A_1130, %broadcast_in_dim3A_24 : vector<16xi1>, vector<16xf32>
      %swap3A_1132 = arith.constant 3 : i32
      %swap3A_1133 = arith.index_cast %swap3A_1132 : i32 to index
      %swap3A_1134 = arith.constant 0 : index
      %swap3A_1135 = tpu.vector_load %arg9[%swap3A_1133, %swap3A_1134] {strides = array<i32>} : memref<32x512xf32, #tpu.memory_space<vmem>>, vector<16xf32>,
      tpu.vector_store %arg9[%swap3A_1133, %swap3A_1134], %select_n3A_1131 {strides = array<i32>} : memref<32x512xf32, #tpu.memory_space<vmem>>, vector<16xf32>,
      %add3A_1136 = arith.constant 4 : i32
      %add3A_1137 = arith.addi %mul3A_1087, %add3A_1136 : i32
      %mul3A_1138 = arith.constant 5 : i32
      %mul3A_1139 = arith.muli %add3A_1137, %mul3A_1138 : i32
      %broadcast_in_dim3A_1140 = vector.broadcast %mul3A_1139 : i32 to vector<16xi32>
      %add3A_1141 = arith.addi %broadcast_in_dim3A_1140, %min3A_31 : vector<16xi32>
      %gather3A_1142 = tpu.vector_load_idx %arg7[%add3A_1141] : memref<10240xf32, #tpu.memory_space<vmem>>[vector<16xi32>], vector<16xf32>,
      %select_n3A_1143 = arith.select %and3A_36, %gather3A_1142, %broadcast_in_dim3A_24 : vector<16xi1>, vector<16xf32>
      %swap3A_1144 = arith.constant 4 : i32
      %swap3A_1145 = arith.index_cast %swap3A_1144 : i32 to index
      %swap3A_1146 = arith.constant 0 : index
      %swap3A_1147 = tpu.vector_load %arg9[%swap3A_1145, %swap3A_1146] {strides = array<i32>} : memref<32x512xf32, #tpu.memory_space<vmem>>, vector<16xf32>,
      tpu.vector_store %arg9[%swap3A_1145, %swap3A_1146], %select_n3A_1143 {strides = array<i32>} : memref<32x512xf32, #tpu.memory_space<vmem>>, vector<16xf32>,
      %add3A_1148 = arith.constant 5 : i32
      %add3A_1149 = arith.addi %mul3A_1087, %add3A_1148 : i32
      %mul3A_1150 = arith.constant 5 : i32
      %mul3A_1151 = arith.muli %add3A_1149, %mul3A_1150 : i32
      %broadcast_in_dim3A_1152 = vector.broadcast %mul3A_1151 : i32 to vector<16xi32>
      %add3A_1153 = arith.addi %broadcast_in_dim3A_1152, %min3A_31 : vector<16xi32>
      %gather3A_1154 = tpu.vector_load_idx %arg7[%add3A_1153] : memref<10240xf32, #tpu.memory_space<vmem>>[vector<16xi32>], vector<16xf32>,
      %select_n3A_1155 = arith.select %and3A_36, %gather3A_1154, %broadcast_in_dim3A_24 : vector<16xi1>, vector<16xf32>
      %swap3A_1156 = arith.constant 5 : i32
      %swap3A_1157 = arith.index_cast %swap3A_1156 : i32 to index
      %swap3A_1158 = arith.constant 0 : index
      %swap3A_1159 = tpu.vector_load %arg9[%swap3A_1157, %swap3A_1158] {strides = array<i32>} : memref<32x512xf32, #tpu.memory_space<vmem>>, vector<16xf32>,
      tpu.vector_store %arg9[%swap3A_1157, %swap3A_1158], %select_n3A_1155 {strides = array<i32>} : memref<32x512xf32, #tpu.memory_space<vmem>>, vector<16xf32>,
      %add3A_1160 = arith.constant 6 : i32
      %add3A_1161 = arith.addi %mul3A_1087, %add3A_1160 : i32
      %mul3A_1162 = arith.constant 5 : i32
      %mul3A_1163 = arith.muli %add3A_1161, %mul3A_1162 : i32
      %broadcast_in_dim3A_1164 = vector.broadcast %mul3A_1163 : i32 to vector<16xi32>
      %add3A_1165 = arith.addi %broadcast_in_dim3A_1164, %min3A_31 : vector<16xi32>
      %gather3A_1166 = tpu.vector_load_idx %arg7[%add3A_1165] : memref<10240xf32, #tpu.memory_space<vmem>>[vector<16xi32>], vector<16xf32>,
      %select_n3A_1167 = arith.select %and3A_36, %gather3A_1166, %broadcast_in_dim3A_24 : vector<16xi1>, vector<16xf32>
      %swap3A_1168 = arith.constant 6 : i32
      %swap3A_1169 = arith.index_cast %swap3A_1168 : i32 to index
      %swap3A_1170 = arith.constant 0 : index
      %swap3A_1171 = tpu.vector_load %arg9[%swap3A_1169, %swap3A_1170] {strides = array<i32>} : memref<32x512xf32, #tpu.memory_space<vmem>>, vector<16xf32>,
      tpu.vector_store %arg9[%swap3A_1169, %swap3A_1170], %select_n3A_1167 {strides = array<i32>} : memref<32x512xf32, #tpu.memory_space<vmem>>, vector<16xf32>,
      %add3A_1172 = arith.constant 7 : i32
      %add3A_1173 = arith.addi %mul3A_1087, %add3A_1172 : i32
      %mul3A_1174 = arith.constant 5 : i32
      %mul3A_1175 = arith.muli %add3A_1173, %mul3A_1174 : i32
      %broadcast_in_dim3A_1176 = vector.broadcast %mul3A_1175 : i32 to vector<16xi32>
      %add3A_1177 = arith.addi %broadcast_in_dim3A_1176, %min3A_31 : vector<16xi32>
      %gather3A_1178 = tpu.vector_load_idx %arg7[%add3A_1177] : memref<10240xf32, #tpu.memory_space<vmem>>[vector<16xi32>], vector<16xf32>,
      %select_n3A_1179 = arith.select %and3A_36, %gather3A_1178, %broadcast_in_dim3A_24 : vector<16xi1>, vector<16xf32>
      %swap3A_1180 = arith.constant 7 : i32
      %swap3A_1181 = arith.index_cast %swap3A_1180 : i32 to index
      %swap3A_1182 = arith.constant 0 : index
      %swap3A_1183 = tpu.vector_load %arg9[%swap3A_1181, %swap3A_1182] {strides = array<i32>} : memref<32x512xf32, #tpu.memory_space<vmem>>, vector<16xf32>,
      tpu.vector_store %arg9[%swap3A_1181, %swap3A_1182], %select_n3A_1179 {strides = array<i32>} : memref<32x512xf32, #tpu.memory_space<vmem>>, vector<16xf32>,
      %add3A_1184 = arith.constant 8 : i32
      %add3A_1185 = arith.addi %mul3A_1087, %add3A_1184 : i32
      %mul3A_1186 = arith.constant 5 : i32
      %mul3A_1187 = arith.muli %add3A_1185, %mul3A_1186 : i32
      %broadcast_in_dim3A_1188 = vector.broadcast %mul3A_1187 : i32 to vector<16xi32>
      %add3A_1189 = arith.addi %broadcast_in_dim3A_1188, %min3A_31 : vector<16xi32>
      %gather3A_1190 = tpu.vector_load_idx %arg7[%add3A_1189] : memref<10240xf32, #tpu.memory_space<vmem>>[vector<16xi32>], vector<16xf32>,
      %select_n3A_1191 = arith.select %and3A_36, %gather3A_1190, %broadcast_in_dim3A_24 : vector<16xi1>, vector<16xf32>
      %swap3A_1192 = arith.constant 8 : i32
      %swap3A_1193 = arith.index_cast %swap3A_1192 : i32 to index
      %swap3A_1194 = arith.constant 0 : index
      %swap3A_1195 = tpu.vector_load %arg9[%swap3A_1193, %swap3A_1194] {strides = array<i32>} : memref<32x512xf32, #tpu.memory_space<vmem>>, vector<16xf32>,
      tpu.vector_store %arg9[%swap3A_1193, %swap3A_1194], %select_n3A_1191 {strides = array<i32>} : memref<32x512xf32, #tpu.memory_space<vmem>>, vector<16xf32>,
      %add3A_1196 = arith.constant 9 : i32
      %add3A_1197 = arith.addi %mul3A_1087, %add3A_1196 : i32
      %mul3A_1198 = arith.constant 5 : i32
      %mul3A_1199 = arith.muli %add3A_1197, %mul3A_1198 : i32
      %broadcast_in_dim3A_1200 = vector.broadcast %mul3A_1199 : i32 to vector<16xi32>
      %add3A_1201 = arith.addi %broadcast_in_dim3A_1200, %min3A_31 : vector<16xi32>
      %gather3A_1202 = tpu.vector_load_idx %arg7[%add3A_1201] : memref<10240xf32, #tpu.memory_space<vmem>>[vector<16xi32>], vector<16xf32>,
      %select_n3A_1203 = arith.select %and3A_36, %gather3A_1202, %broadcast_in_dim3A_24 : vector<16xi1>, vector<16xf32>
      %swap3A_1204 = arith.constant 9 : i32
      %swap3A_1205 = arith.index_cast %swap3A_1204 : i32 to index
      %swap3A_1206 = arith.constant 0 : index
      %swap3A_1207 = tpu.vector_load %arg9[%swap3A_1205, %swap3A_1206] {strides = array<i32>} : memref<32x512xf32, #tpu.memory_space<vmem>>, vector<16xf32>,
      tpu.vector_store %arg9[%swap3A_1205, %swap3A_1206], %select_n3A_1203 {strides = array<i32>} : memref<32x512xf32, #tpu.memory_space<vmem>>, vector<16xf32>,
      %add3A_1208 = arith.constant 10 : i32
      %add3A_1209 = arith.addi %mul3A_1087, %add3A_1208 : i32
      %mul3A_1210 = arith.constant 5 : i32
      %mul3A_1211 = arith.muli %add3A_1209, %mul3A_1210 : i32
      %broadcast_in_dim3A_1212 = vector.broadcast %mul3A_1211 : i32 to vector<16xi32>
      %add3A_1213 = arith.addi %broadcast_in_dim3A_1212, %min3A_31 : vector<16xi32>
      %gather3A_1214 = tpu.vector_load_idx %arg7[%add3A_1213] : memref<10240xf32, #tpu.memory_space<vmem>>[vector<16xi32>], vector<16xf32>,
      %select_n3A_1215 = arith.select %and3A_36, %gather3A_1214, %broadcast_in_dim3A_24 : vector<16xi1>, vector<16xf32>
      %swap3A_1216 = arith.constant 10 : i32
      %swap3A_1217 = arith.index_cast %swap3A_1216 : i32 to index
      %swap3A_1218 = arith.constant 0 : index
      %swap3A_1219 = tpu.vector_load %arg9[%swap3A_1217, %swap3A_1218] {strides = array<i32>} : memref<32x512xf32, #tpu.memory_space<vmem>>, vector<16xf32>,
      tpu.vector_store %arg9[%swap3A_1217, %swap3A_1218], %select_n3A_1215 {strides = array<i32>} : memref<32x512xf32, #tpu.memory_space<vmem>>, vector<16xf32>,
      %add3A_1220 = arith.constant 11 : i32
      %add3A_1221 = arith.addi %mul3A_1087, %add3A_1220 : i32
      %mul3A_1222 = arith.constant 5 : i32
      %mul3A_1223 = arith.muli %add3A_1221, %mul3A_1222 : i32
      %broadcast_in_dim3A_1224 = vector.broadcast %mul3A_1223 : i32 to vector<16xi32>
      %add3A_1225 = arith.addi %broadcast_in_dim3A_1224, %min3A_31 : vector<16xi32>
      %gather3A_1226 = tpu.vector_load_idx %arg7[%add3A_1225] : memref<10240xf32, #tpu.memory_space<vmem>>[vector<16xi32>], vector<16xf32>,
      %select_n3A_1227 = arith.select %and3A_36, %gather3A_1226, %broadcast_in_dim3A_24 : vector<16xi1>, vector<16xf32>
      %swap3A_1228 = arith.constant 11 : i32
      %swap3A_1229 = arith.index_cast %swap3A_1228 : i32 to index
      %swap3A_1230 = arith.constant 0 : index
      %swap3A_1231 = tpu.vector_load %arg9[%swap3A_1229, %swap3A_1230] {strides = array<i32>} : memref<32x512xf32, #tpu.memory_space<vmem>>, vector<16xf32>,
      tpu.vector_store %arg9[%swap3A_1229, %swap3A_1230], %select_n3A_1227 {strides = array<i32>} : memref<32x512xf32, #tpu.memory_space<vmem>>, vector<16xf32>,
      %add3A_1232 = arith.constant 12 : i32
      %add3A_1233 = arith.addi %mul3A_1087, %add3A_1232 : i32
      %mul3A_1234 = arith.constant 5 : i32
      %mul3A_1235 = arith.muli %add3A_1233, %mul3A_1234 : i32
      %broadcast_in_dim3A_1236 = vector.broadcast %mul3A_1235 : i32 to vector<16xi32>
      %add3A_1237 = arith.addi %broadcast_in_dim3A_1236, %min3A_31 : vector<16xi32>
      %gather3A_1238 = tpu.vector_load_idx %arg7[%add3A_1237] : memref<10240xf32, #tpu.memory_space<vmem>>[vector<16xi32>], vector<16xf32>,
      %select_n3A_1239 = arith.select %and3A_36, %gather3A_1238, %broadcast_in_dim3A_24 : vector<16xi1>, vector<16xf32>
      %swap3A_1240 = arith.constant 12 : i32
      %swap3A_1241 = arith.index_cast %swap3A_1240 : i32 to index
      %swap3A_1242 = arith.constant 0 : index
      %swap3A_1243 = tpu.vector_load %arg9[%swap3A_1241, %swap3A_1242] {strides = array<i32>} : memref<32x512xf32, #tpu.memory_space<vmem>>, vector<16xf32>,
      tpu.vector_store %arg9[%swap3A_1241, %swap3A_1242], %select_n3A_1239 {strides = array<i32>} : memref<32x512xf32, #tpu.memory_space<vmem>>, vector<16xf32>,
      %add3A_1244 = arith.constant 13 : i32
      %add3A_1245 = arith.addi %mul3A_1087, %add3A_1244 : i32
      %mul3A_1246 = arith.constant 5 : i32
      %mul3A_1247 = arith.muli %add3A_1245, %mul3A_1246 : i32
      %broadcast_in_dim3A_1248 = vector.broadcast %mul3A_1247 : i32 to vector<16xi32>
      %add3A_1249 = arith.addi %broadcast_in_dim3A_1248, %min3A_31 : vector<16xi32>
      %gather3A_1250 = tpu.vector_load_idx %arg7[%add3A_1249] : memref<10240xf32, #tpu.memory_space<vmem>>[vector<16xi32>], vector<16xf32>,
      %select_n3A_1251 = arith.select %and3A_36, %gather3A_1250, %broadcast_in_dim3A_24 : vector<16xi1>, vector<16xf32>
      %swap3A_1252 = arith.constant 13 : i32
      %swap3A_1253 = arith.index_cast %swap3A_1252 : i32 to index
      %swap3A_1254 = arith.constant 0 : index
      %swap3A_1255 = tpu.vector_load %arg9[%swap3A_1253, %swap3A_1254] {strides = array<i32>} : memref<32x512xf32, #tpu.memory_space<vmem>>, vector<16xf32>,
      tpu.vector_store %arg9[%swap3A_1253, %swap3A_1254], %select_n3A_1251 {strides = array<i32>} : memref<32x512xf32, #tpu.memory_space<vmem>>, vector<16xf32>,
      %add3A_1256 = arith.constant 14 : i32
      %add3A_1257 = arith.addi %mul3A_1087, %add3A_1256 : i32
      %mul3A_1258 = arith.constant 5 : i32
      %mul3A_1259 = arith.muli %add3A_1257, %mul3A_1258 : i32
      %broadcast_in_dim3A_1260 = vector.broadcast %mul3A_1259 : i32 to vector<16xi32>
      %add3A_1261 = arith.addi %broadcast_in_dim3A_1260, %min3A_31 : vector<16xi32>
      %gather3A_1262 = tpu.vector_load_idx %arg7[%add3A_1261] : memref<10240xf32, #tpu.memory_space<vmem>>[vector<16xi32>], vector<16xf32>,
      %select_n3A_1263 = arith.select %and3A_36, %gather3A_1262, %broadcast_in_dim3A_24 : vector<16xi1>, vector<16xf32>
      %swap3A_1264 = arith.constant 14 : i32
      %swap3A_1265 = arith.index_cast %swap3A_1264 : i32 to index
      %swap3A_1266 = arith.constant 0 : index
      %swap3A_1267 = tpu.vector_load %arg9[%swap3A_1265, %swap3A_1266] {strides = array<i32>} : memref<32x512xf32, #tpu.memory_space<vmem>>, vector<16xf32>,
      tpu.vector_store %arg9[%swap3A_1265, %swap3A_1266], %select_n3A_1263 {strides = array<i32>} : memref<32x512xf32, #tpu.memory_space<vmem>>, vector<16xf32>,
      %add3A_1268 = arith.constant 15 : i32
      %add3A_1269 = arith.addi %mul3A_1087, %add3A_1268 : i32
      %mul3A_1270 = arith.constant 5 : i32
      %mul3A_1271 = arith.muli %add3A_1269, %mul3A_1270 : i32
      %broadcast_in_dim3A_1272 = vector.broadcast %mul3A_1271 : i32 to vector<16xi32>
      %add3A_1273 = arith.addi %broadcast_in_dim3A_1272, %min3A_31 : vector<16xi32>
      %gather3A_1274 = tpu.vector_load_idx %arg7[%add3A_1273] : memref<10240xf32, #tpu.memory_space<vmem>>[vector<16xi32>], vector<16xf32>,
      %select_n3A_1275 = arith.select %and3A_36, %gather3A_1274, %broadcast_in_dim3A_24 : vector<16xi1>, vector<16xf32>
      %swap3A_1276 = arith.constant 15 : i32
      %swap3A_1277 = arith.index_cast %swap3A_1276 : i32 to index
      %swap3A_1278 = arith.constant 0 : index
      %swap3A_1279 = tpu.vector_load %arg9[%swap3A_1277, %swap3A_1278] {strides = array<i32>} : memref<32x512xf32, #tpu.memory_space<vmem>>, vector<16xf32>,
      tpu.vector_store %arg9[%swap3A_1277, %swap3A_1278], %select_n3A_1275 {strides = array<i32>} : memref<32x512xf32, #tpu.memory_space<vmem>>, vector<16xf32>,
      %add3A_1280 = arith.constant 16 : i32
      %add3A_1281 = arith.addi %mul3A_1087, %add3A_1280 : i32
      %mul3A_1282 = arith.constant 5 : i32
      %mul3A_1283 = arith.muli %add3A_1281, %mul3A_1282 : i32
      %broadcast_in_dim3A_1284 = vector.broadcast %mul3A_1283 : i32 to vector<16xi32>
      %add3A_1285 = arith.addi %broadcast_in_dim3A_1284, %min3A_31 : vector<16xi32>
      %gather3A_1286 = tpu.vector_load_idx %arg7[%add3A_1285] : memref<10240xf32, #tpu.memory_space<vmem>>[vector<16xi32>], vector<16xf32>,
      %select_n3A_1287 = arith.select %and3A_36, %gather3A_1286, %broadcast_in_dim3A_24 : vector<16xi1>, vector<16xf32>
      %swap3A_1288 = arith.constant 16 : i32
      %swap3A_1289 = arith.index_cast %swap3A_1288 : i32 to index
      %swap3A_1290 = arith.constant 0 : index
      %swap3A_1291 = tpu.vector_load %arg9[%swap3A_1289, %swap3A_1290] {strides = array<i32>} : memref<32x512xf32, #tpu.memory_space<vmem>>, vector<16xf32>,
      tpu.vector_store %arg9[%swap3A_1289, %swap3A_1290], %select_n3A_1287 {strides = array<i32>} : memref<32x512xf32, #tpu.memory_space<vmem>>, vector<16xf32>,
      %add3A_1292 = arith.constant 17 : i32
      %add3A_1293 = arith.addi %mul3A_1087, %add3A_1292 : i32
      %mul3A_1294 = arith.constant 5 : i32
      %mul3A_1295 = arith.muli %add3A_1293, %mul3A_1294 : i32
      %broadcast_in_dim3A_1296 = vector.broadcast %mul3A_1295 : i32 to vector<16xi32>
      %add3A_1297 = arith.addi %broadcast_in_dim3A_1296, %min3A_31 : vector<16xi32>
      %gather3A_1298 = tpu.vector_load_idx %arg7[%add3A_1297] : memref<10240xf32, #tpu.memory_space<vmem>>[vector<16xi32>], vector<16xf32>,
      %select_n3A_1299 = arith.select %and3A_36, %gather3A_1298, %broadcast_in_dim3A_24 : vector<16xi1>, vector<16xf32>
      %swap3A_1300 = arith.constant 17 : i32
      %swap3A_1301 = arith.index_cast %swap3A_1300 : i32 to index
      %swap3A_1302 = arith.constant 0 : index
      %swap3A_1303 = tpu.vector_load %arg9[%swap3A_1301, %swap3A_1302] {strides = array<i32>} : memref<32x512xf32, #tpu.memory_space<vmem>>, vector<16xf32>,
      tpu.vector_store %arg9[%swap3A_1301, %swap3A_1302], %select_n3A_1299 {strides = array<i32>} : memref<32x512xf32, #tpu.memory_space<vmem>>, vector<16xf32>,
      %add3A_1304 = arith.constant 18 : i32
      %add3A_1305 = arith.addi %mul3A_1087, %add3A_1304 : i32
      %mul3A_1306 = arith.constant 5 : i32
      %mul3A_1307 = arith.muli %add3A_1305, %mul3A_1306 : i32
      %broadcast_in_dim3A_1308 = vector.broadcast %mul3A_1307 : i32 to vector<16xi32>
      %add3A_1309 = arith.addi %broadcast_in_dim3A_1308, %min3A_31 : vector<16xi32>
      %gather3A_1310 = tpu.vector_load_idx %arg7[%add3A_1309] : memref<10240xf32, #tpu.memory_space<vmem>>[vector<16xi32>], vector<16xf32>,
      %select_n3A_1311 = arith.select %and3A_36, %gather3A_1310, %broadcast_in_dim3A_24 : vector<16xi1>, vector<16xf32>
      %swap3A_1312 = arith.constant 18 : i32
      %swap3A_1313 = arith.index_cast %swap3A_1312 : i32 to index
      %swap3A_1314 = arith.constant 0 : index
      %swap3A_1315 = tpu.vector_load %arg9[%swap3A_1313, %swap3A_1314] {strides = array<i32>} : memref<32x512xf32, #tpu.memory_space<vmem>>, vector<16xf32>,
      tpu.vector_store %arg9[%swap3A_1313, %swap3A_1314], %select_n3A_1311 {strides = array<i32>} : memref<32x512xf32, #tpu.memory_space<vmem>>, vector<16xf32>,
      %add3A_1316 = arith.constant 19 : i32
      %add3A_1317 = arith.addi %mul3A_1087, %add3A_1316 : i32
      %mul3A_1318 = arith.constant 5 : i32
      %mul3A_1319 = arith.muli %add3A_1317, %mul3A_1318 : i32
      %broadcast_in_dim3A_1320 = vector.broadcast %mul3A_1319 : i32 to vector<16xi32>
      %add3A_1321 = arith.addi %broadcast_in_dim3A_1320, %min3A_31 : vector<16xi32>
      %gather3A_1322 = tpu.vector_load_idx %arg7[%add3A_1321] : memref<10240xf32, #tpu.memory_space<vmem>>[vector<16xi32>], vector<16xf32>,
      %select_n3A_1323 = arith.select %and3A_36, %gather3A_1322, %broadcast_in_dim3A_24 : vector<16xi1>, vector<16xf32>
      %swap3A_1324 = arith.constant 19 : i32
      %swap3A_1325 = arith.index_cast %swap3A_1324 : i32 to index
      %swap3A_1326 = arith.constant 0 : index
      %swap3A_1327 = tpu.vector_load %arg9[%swap3A_1325, %swap3A_1326] {strides = array<i32>} : memref<32x512xf32, #tpu.memory_space<vmem>>, vector<16xf32>,
      tpu.vector_store %arg9[%swap3A_1325, %swap3A_1326], %select_n3A_1323 {strides = array<i32>} : memref<32x512xf32, #tpu.memory_space<vmem>>, vector<16xf32>,
      %add3A_1328 = arith.constant 20 : i32
      %add3A_1329 = arith.addi %mul3A_1087, %add3A_1328 : i32
      %mul3A_1330 = arith.constant 5 : i32
      %mul3A_1331 = arith.muli %add3A_1329, %mul3A_1330 : i32
      %broadcast_in_dim3A_1332 = vector.broadcast %mul3A_1331 : i32 to vector<16xi32>
      %add3A_1333 = arith.addi %broadcast_in_dim3A_1332, %min3A_31 : vector<16xi32>
      %gather3A_1334 = tpu.vector_load_idx %arg7[%add3A_1333] : memref<10240xf32, #tpu.memory_space<vmem>>[vector<16xi32>], vector<16xf32>,
      %select_n3A_1335 = arith.select %and3A_36, %gather3A_1334, %broadcast_in_dim3A_24 : vector<16xi1>, vector<16xf32>
      %swap3A_1336 = arith.constant 20 : i32
      %swap3A_1337 = arith.index_cast %swap3A_1336 : i32 to index
      %swap3A_1338 = arith.constant 0 : index
      %swap3A_1339 = tpu.vector_load %arg9[%swap3A_1337, %swap3A_1338] {strides = array<i32>} : memref<32x512xf32, #tpu.memory_space<vmem>>, vector<16xf32>,
      tpu.vector_store %arg9[%swap3A_1337, %swap3A_1338], %select_n3A_1335 {strides = array<i32>} : memref<32x512xf32, #tpu.memory_space<vmem>>, vector<16xf32>,
      %add3A_1340 = arith.constant 21 : i32
      %add3A_1341 = arith.addi %mul3A_1087, %add3A_1340 : i32
      %mul3A_1342 = arith.constant 5 : i32
      %mul3A_1343 = arith.muli %add3A_1341, %mul3A_1342 : i32
      %broadcast_in_dim3A_1344 = vector.broadcast %mul3A_1343 : i32 to vector<16xi32>
      %add3A_1345 = arith.addi %broadcast_in_dim3A_1344, %min3A_31 : vector<16xi32>
      %gather3A_1346 = tpu.vector_load_idx %arg7[%add3A_1345] : memref<10240xf32, #tpu.memory_space<vmem>>[vector<16xi32>], vector<16xf32>,
      %select_n3A_1347 = arith.select %and3A_36, %gather3A_1346, %broadcast_in_dim3A_24 : vector<16xi1>, vector<16xf32>
      %swap3A_1348 = arith.constant 21 : i32
      %swap3A_1349 = arith.index_cast %swap3A_1348 : i32 to index
      %swap3A_1350 = arith.constant 0 : index
      %swap3A_1351 = tpu.vector_load %arg9[%swap3A_1349, %swap3A_1350] {strides = array<i32>} : memref<32x512xf32, #tpu.memory_space<vmem>>, vector<16xf32>,
      tpu.vector_store %arg9[%swap3A_1349, %swap3A_1350], %select_n3A_1347 {strides = array<i32>} : memref<32x512xf32, #tpu.memory_space<vmem>>, vector<16xf32>,
      %add3A_1352 = arith.constant 22 : i32
      %add3A_1353 = arith.addi %mul3A_1087, %add3A_1352 : i32
      %mul3A_1354 = arith.constant 5 : i32
      %mul3A_1355 = arith.muli %add3A_1353, %mul3A_1354 : i32
      %broadcast_in_dim3A_1356 = vector.broadcast %mul3A_1355 : i32 to vector<16xi32>
      %add3A_1357 = arith.addi %broadcast_in_dim3A_1356, %min3A_31 : vector<16xi32>
      %gather3A_1358 = tpu.vector_load_idx %arg7[%add3A_1357] : memref<10240xf32, #tpu.memory_space<vmem>>[vector<16xi32>], vector<16xf32>,
      %select_n3A_1359 = arith.select %and3A_36, %gather3A_1358, %broadcast_in_dim3A_24 : vector<16xi1>, vector<16xf32>
      %swap3A_1360 = arith.constant 22 : i32
      %swap3A_1361 = arith.index_cast %swap3A_1360 : i32 to index
      %swap3A_1362 = arith.constant 0 : index
      %swap3A_1363 = tpu.vector_load %arg9[%swap3A_1361, %swap3A_1362] {strides = array<i32>} : memref<32x512xf32, #tpu.memory_space<vmem>>, vector<16xf32>,
      tpu.vector_store %arg9[%swap3A_1361, %swap3A_1362], %select_n3A_1359 {strides = array<i32>} : memref<32x512xf32, #tpu.memory_space<vmem>>, vector<16xf32>,
      %add3A_1364 = arith.constant 23 : i32
      %add3A_1365 = arith.addi %mul3A_1087, %add3A_1364 : i32
      %mul3A_1366 = arith.constant 5 : i32
      %mul3A_1367 = arith.muli %add3A_1365, %mul3A_1366 : i32
      %broadcast_in_dim3A_1368 = vector.broadcast %mul3A_1367 : i32 to vector<16xi32>
      %add3A_1369 = arith.addi %broadcast_in_dim3A_1368, %min3A_31 : vector<16xi32>
      %gather3A_1370 = tpu.vector_load_idx %arg7[%add3A_1369] : memref<10240xf32, #tpu.memory_space<vmem>>[vector<16xi32>], vector<16xf32>,
      %select_n3A_1371 = arith.select %and3A_36, %gather3A_1370, %broadcast_in_dim3A_24 : vector<16xi1>, vector<16xf32>
      %swap3A_1372 = arith.constant 23 : i32
      %swap3A_1373 = arith.index_cast %swap3A_1372 : i32 to index
      %swap3A_1374 = arith.constant 0 : index
      %swap3A_1375 = tpu.vector_load %arg9[%swap3A_1373, %swap3A_1374] {strides = array<i32>} : memref<32x512xf32, #tpu.memory_space<vmem>>, vector<16xf32>,
      tpu.vector_store %arg9[%swap3A_1373, %swap3A_1374], %select_n3A_1371 {strides = array<i32>} : memref<32x512xf32, #tpu.memory_space<vmem>>, vector<16xf32>,
      %add3A_1376 = arith.constant 24 : i32
      %add3A_1377 = arith.addi %mul3A_1087, %add3A_1376 : i32
      %mul3A_1378 = arith.constant 5 : i32
      %mul3A_1379 = arith.muli %add3A_1377, %mul3A_1378 : i32
      %broadcast_in_dim3A_1380 = vector.broadcast %mul3A_1379 : i32 to vector<16xi32>
      %add3A_1381 = arith.addi %broadcast_in_dim3A_1380, %min3A_31 : vector<16xi32>
      %gather3A_1382 = tpu.vector_load_idx %arg7[%add3A_1381] : memref<10240xf32, #tpu.memory_space<vmem>>[vector<16xi32>], vector<16xf32>,
      %select_n3A_1383 = arith.select %and3A_36, %gather3A_1382, %broadcast_in_dim3A_24 : vector<16xi1>, vector<16xf32>
      %swap3A_1384 = arith.constant 24 : i32
      %swap3A_1385 = arith.index_cast %swap3A_1384 : i32 to index
      %swap3A_1386 = arith.constant 0 : index
      %swap3A_1387 = tpu.vector_load %arg9[%swap3A_1385, %swap3A_1386] {strides = array<i32>} : memref<32x512xf32, #tpu.memory_space<vmem>>, vector<16xf32>,
      tpu.vector_store %arg9[%swap3A_1385, %swap3A_1386], %select_n3A_1383 {strides = array<i32>} : memref<32x512xf32, #tpu.memory_space<vmem>>, vector<16xf32>,
      %add3A_1388 = arith.constant 25 : i32
      %add3A_1389 = arith.addi %mul3A_1087, %add3A_1388 : i32
      %mul3A_1390 = arith.constant 5 : i32
      %mul3A_1391 = arith.muli %add3A_1389, %mul3A_1390 : i32
      %broadcast_in_dim3A_1392 = vector.broadcast %mul3A_1391 : i32 to vector<16xi32>
      %add3A_1393 = arith.addi %broadcast_in_dim3A_1392, %min3A_31 : vector<16xi32>
      %gather3A_1394 = tpu.vector_load_idx %arg7[%add3A_1393] : memref<10240xf32, #tpu.memory_space<vmem>>[vector<16xi32>], vector<16xf32>,
      %select_n3A_1395 = arith.select %and3A_36, %gather3A_1394, %broadcast_in_dim3A_24 : vector<16xi1>, vector<16xf32>
      %swap3A_1396 = arith.constant 25 : i32
      %swap3A_1397 = arith.index_cast %swap3A_1396 : i32 to index
      %swap3A_1398 = arith.constant 0 : index
      %swap3A_1399 = tpu.vector_load %arg9[%swap3A_1397, %swap3A_1398] {strides = array<i32>} : memref<32x512xf32, #tpu.memory_space<vmem>>, vector<16xf32>,
      tpu.vector_store %arg9[%swap3A_1397, %swap3A_1398], %select_n3A_1395 {strides = array<i32>} : memref<32x512xf32, #tpu.memory_space<vmem>>, vector<16xf32>,
      %add3A_1400 = arith.constant 26 : i32
      %add3A_1401 = arith.addi %mul3A_1087, %add3A_1400 : i32
      %mul3A_1402 = arith.constant 5 : i32
      %mul3A_1403 = arith.muli %add3A_1401, %mul3A_1402 : i32
      %broadcast_in_dim3A_1404 = vector.broadcast %mul3A_1403 : i32 to vector<16xi32>
      %add3A_1405 = arith.addi %broadcast_in_dim3A_1404, %min3A_31 : vector<16xi32>
      %gather3A_1406 = tpu.vector_load_idx %arg7[%add3A_1405] : memref<10240xf32, #tpu.memory_space<vmem>>[vector<16xi32>], vector<16xf32>,
      %select_n3A_1407 = arith.select %and3A_36, %gather3A_1406, %broadcast_in_dim3A_24 : vector<16xi1>, vector<16xf32>
      %swap3A_1408 = arith.constant 26 : i32
      %swap3A_1409 = arith.index_cast %swap3A_1408 : i32 to index
      %swap3A_1410 = arith.constant 0 : index
      %swap3A_1411 = tpu.vector_load %arg9[%swap3A_1409, %swap3A_1410] {strides = array<i32>} : memref<32x512xf32, #tpu.memory_space<vmem>>, vector<16xf32>,
      tpu.vector_store %arg9[%swap3A_1409, %swap3A_1410], %select_n3A_1407 {strides = array<i32>} : memref<32x512xf32, #tpu.memory_space<vmem>>, vector<16xf32>,
      %add3A_1412 = arith.constant 27 : i32
      %add3A_1413 = arith.addi %mul3A_1087, %add3A_1412 : i32
      %mul3A_1414 = arith.constant 5 : i32
      %mul3A_1415 = arith.muli %add3A_1413, %mul3A_1414 : i32
      %broadcast_in_dim3A_1416 = vector.broadcast %mul3A_1415 : i32 to vector<16xi32>
      %add3A_1417 = arith.addi %broadcast_in_dim3A_1416, %min3A_31 : vector<16xi32>
      %gather3A_1418 = tpu.vector_load_idx %arg7[%add3A_1417] : memref<10240xf32, #tpu.memory_space<vmem>>[vector<16xi32>], vector<16xf32>,
      %select_n3A_1419 = arith.select %and3A_36, %gather3A_1418, %broadcast_in_dim3A_24 : vector<16xi1>, vector<16xf32>
      %swap3A_1420 = arith.constant 27 : i32
      %swap3A_1421 = arith.index_cast %swap3A_1420 : i32 to index
      %swap3A_1422 = arith.constant 0 : index
      %swap3A_1423 = tpu.vector_load %arg9[%swap3A_1421, %swap3A_1422] {strides = array<i32>} : memref<32x512xf32, #tpu.memory_space<vmem>>, vector<16xf32>,
      tpu.vector_store %arg9[%swap3A_1421, %swap3A_1422], %select_n3A_1419 {strides = array<i32>} : memref<32x512xf32, #tpu.memory_space<vmem>>, vector<16xf32>,
      %add3A_1424 = arith.constant 28 : i32
      %add3A_1425 = arith.addi %mul3A_1087, %add3A_1424 : i32
      %mul3A_1426 = arith.constant 5 : i32
      %mul3A_1427 = arith.muli %add3A_1425, %mul3A_1426 : i32
      %broadcast_in_dim3A_1428 = vector.broadcast %mul3A_1427 : i32 to vector<16xi32>
      %add3A_1429 = arith.addi %broadcast_in_dim3A_1428, %min3A_31 : vector<16xi32>
      %gather3A_1430 = tpu.vector_load_idx %arg7[%add3A_1429] : memref<10240xf32, #tpu.memory_space<vmem>>[vector<16xi32>], vector<16xf32>,
      %select_n3A_1431 = arith.select %and3A_36, %gather3A_1430, %broadcast_in_dim3A_24 : vector<16xi1>, vector<16xf32>
      %swap3A_1432 = arith.constant 28 : i32
      %swap3A_1433 = arith.index_cast %swap3A_1432 : i32 to index
      %swap3A_1434 = arith.constant 0 : index
      %swap3A_1435 = tpu.vector_load %arg9[%swap3A_1433, %swap3A_1434] {strides = array<i32>} : memref<32x512xf32, #tpu.memory_space<vmem>>, vector<16xf32>,
      tpu.vector_store %arg9[%swap3A_1433, %swap3A_1434], %select_n3A_1431 {strides = array<i32>} : memref<32x512xf32, #tpu.memory_space<vmem>>, vector<16xf32>,
      %add3A_1436 = arith.constant 29 : i32
      %add3A_1437 = arith.addi %mul3A_1087, %add3A_1436 : i32
      %mul3A_1438 = arith.constant 5 : i32
      %mul3A_1439 = arith.muli %add3A_1437, %mul3A_1438 : i32
      %broadcast_in_dim3A_1440 = vector.broadcast %mul3A_1439 : i32 to vector<16xi32>
      %add3A_1441 = arith.addi %broadcast_in_dim3A_1440, %min3A_31 : vector<16xi32>
      %gather3A_1442 = tpu.vector_load_idx %arg7[%add3A_1441] : memref<10240xf32, #tpu.memory_space<vmem>>[vector<16xi32>], vector<16xf32>,
      %select_n3A_1443 = arith.select %and3A_36, %gather3A_1442, %broadcast_in_dim3A_24 : vector<16xi1>, vector<16xf32>
      %swap3A_1444 = arith.constant 29 : i32
      %swap3A_1445 = arith.index_cast %swap3A_1444 : i32 to index
      %swap3A_1446 = arith.constant 0 : index
      %swap3A_1447 = tpu.vector_load %arg9[%swap3A_1445, %swap3A_1446] {strides = array<i32>} : memref<32x512xf32, #tpu.memory_space<vmem>>, vector<16xf32>,
      tpu.vector_store %arg9[%swap3A_1445, %swap3A_1446], %select_n3A_1443 {strides = array<i32>} : memref<32x512xf32, #tpu.memory_space<vmem>>, vector<16xf32>,
      %add3A_1448 = arith.constant 30 : i32
      %add3A_1449 = arith.addi %mul3A_1087, %add3A_1448 : i32
      %mul3A_1450 = arith.constant 5 : i32
      %mul3A_1451 = arith.muli %add3A_1449, %mul3A_1450 : i32
      %broadcast_in_dim3A_1452 = vector.broadcast %mul3A_1451 : i32 to vector<16xi32>
      %add3A_1453 = arith.addi %broadcast_in_dim3A_1452, %min3A_31 : vector<16xi32>
      %gather3A_1454 = tpu.vector_load_idx %arg7[%add3A_1453] : memref<10240xf32, #tpu.memory_space<vmem>>[vector<16xi32>], vector<16xf32>,
      %select_n3A_1455 = arith.select %and3A_36, %gather3A_1454, %broadcast_in_dim3A_24 : vector<16xi1>, vector<16xf32>
      %swap3A_1456 = arith.constant 30 : i32
      %swap3A_1457 = arith.index_cast %swap3A_1456 : i32 to index
      %swap3A_1458 = arith.constant 0 : index
      %swap3A_1459 = tpu.vector_load %arg9[%swap3A_1457, %swap3A_1458] {strides = array<i32>} : memref<32x512xf32, #tpu.memory_space<vmem>>, vector<16xf32>,
      tpu.vector_store %arg9[%swap3A_1457, %swap3A_1458], %select_n3A_1455 {strides = array<i32>} : memref<32x512xf32, #tpu.memory_space<vmem>>, vector<16xf32>,
      %add3A_1460 = arith.constant 31 : i32
      %add3A_1461 = arith.addi %mul3A_1087, %add3A_1460 : i32
      %mul3A_1462 = arith.constant 5 : i32
      %mul3A_1463 = arith.muli %add3A_1461, %mul3A_1462 : i32
      %broadcast_in_dim3A_1464 = vector.broadcast %mul3A_1463 : i32 to vector<16xi32>
      %add3A_1465 = arith.addi %broadcast_in_dim3A_1464, %min3A_31 : vector<16xi32>
      %gather3A_1466 = tpu.vector_load_idx %arg7[%add3A_1465] : memref<10240xf32, #tpu.memory_space<vmem>>[vector<16xi32>], vector<16xf32>,
      %select_n3A_1467 = arith.select %and3A_36, %gather3A_1466, %broadcast_in_dim3A_24 : vector<16xi1>, vector<16xf32>
      %swap3A_1468 = arith.constant 31 : i32
      %swap3A_1469 = arith.index_cast %swap3A_1468 : i32 to index
      %swap3A_1470 = arith.constant 0 : index
      %swap3A_1471 = tpu.vector_load %arg9[%swap3A_1469, %swap3A_1470] {strides = array<i32>} : memref<32x512xf32, #tpu.memory_space<vmem>>, vector<16xf32>,
      tpu.vector_store %arg9[%swap3A_1469, %swap3A_1470], %select_n3A_1467 {strides = array<i32>} : memref<32x512xf32, #tpu.memory_space<vmem>>, vector<16xf32>,
      %add3A_1472 = arith.constant 0 : i32
      %add3A_1473 = arith.addi %mul3A_1087, %add3A_1472 : i32
      %add3A_1474 = vector.broadcast %add3A_1473 : i32 to vector<16xi32>
      %add3A_1475 = arith.addi %add3A_1474, %iota3A : vector<16xi32>
      %gather3A_1476 = tpu.vector_load_idx %arg6[%add3A_1475] : memref<2048xi32, #tpu.memory_space<vmem>>[vector<16xi32>], vector<16xi32>,
      %add3A_1477 = arith.constant 0 : i32
      %add3A_1478 = vector.broadcast %add3A_1477 : i32 to vector<16xi32>
      %add3A_1479 = arith.addi %add3A_1478, %iota3A : vector<16xi32>
      tpu.vector_store_idx %arg9[%add3A_1479, %gather3A_1476], %broadcast_in_dim3A_22 : memref<32x512xf32, #tpu.memory_space<vmem>>[vector<16xi32>, vector<16xi32>], vector<16xf32>,
      %add3A_1480 = arith.constant 16 : i32
      %add3A_1481 = arith.addi %mul3A_1087, %add3A_1480 : i32
      %add3A_1482 = vector.broadcast %add3A_1481 : i32 to vector<16xi32>
      %add3A_1483 = arith.addi %add3A_1482, %iota3A : vector<16xi32>
      %gather3A_1484 = tpu.vector_load_idx %arg6[%add3A_1483] : memref<2048xi32, #tpu.memory_space<vmem>>[vector<16xi32>], vector<16xi32>,
      %add3A_1485 = arith.constant 16 : i32
      %add3A_1486 = vector.broadcast %add3A_1485 : i32 to vector<16xi32>
      %add3A_1487 = arith.addi %add3A_1486, %iota3A : vector<16xi32>
      tpu.vector_store_idx %arg9[%add3A_1487, %gather3A_1484], %broadcast_in_dim3A_22 : memref<32x512xf32, #tpu.memory_space<vmem>>[vector<16xi32>, vector<16xi32>], vector<16xf32>,
      %add3A_1488 = arith.constant 1 : i32
      %add3A_1489 = arith.addi %mul3A_666, %add3A_1488 : i32
      %mul3A_1490 = arith.constant 32 : i32
      %mul3A_1491 = arith.muli %add3A_1489, %mul3A_1490 : i32
      %add3A_1492 = arith.addi %mul3A_2, %mul3A_1491 : i32
      %dma_start3A_1493 = arith.constant 0 : i32
      %dma_start3A_1494 = tpu.memref_slice %arg5[%add3A_1492, %dma_start3A_1493] : memref<65536x512xf32, #tpu.memory_space<hbm>> -> memref<32x512xf32, #tpu.memory_space<hbm>>
      %dma_start3A_1495 = arith.constant 0 : i32
      %dma_start3A_1496 = tpu.memref_slice %arg5[%add3A_1492, %dma_start3A_1495] : memref<65536x512xf32, #tpu.memory_space<hbm>> -> memref<32x512xf32, #tpu.memory_space<hbm>>
      tpu.enqueue_dma source(%arg9 : memref<32x512xf32, #tpu.memory_space<vmem>>) target(%dma_start3A_1496 : memref<32x512xf32, #tpu.memory_space<hbm>>) target_semaphore(%arg11 : memref<!tpu.dma_semaphore, #tpu.memory_space<semaphore_mem>>)
    }
    %scan3A_656 = arith.constant 31 : i32
    %dma_wait3A = arith.constant 0 : i32
    %dma_wait3A_657 = tpu.memref_slice %arg5[%mul3A_2, %dma_wait3A] : memref<65536x512xf32, #tpu.memory_space<hbm>> -> memref<32x512xf32, #tpu.memory_space<hbm>>
    %dma_wait3A_658 = arith.constant 0 : i32
    %dma_wait3A_659 = tpu.memref_slice %arg5[%mul3A_2, %dma_wait3A_658] : memref<65536x512xf32, #tpu.memory_space<hbm>> -> memref<32x512xf32, #tpu.memory_space<hbm>>
    tpu.wait_dma2 semaphore(%arg10 : memref<!tpu.dma_semaphore, #tpu.memory_space<semaphore_mem>>) src(%arg8 : memref<32x512xf32, #tpu.memory_space<vmem>>) dst(%dma_wait3A_659 : memref<32x512xf32, #tpu.memory_space<hbm>>)
    %dma_wait3A_660 = arith.constant 0 : i32
    %dma_wait3A_661 = tpu.memref_slice %arg5[%mul3A_2, %dma_wait3A_660] : memref<65536x512xf32, #tpu.memory_space<hbm>> -> memref<32x512xf32, #tpu.memory_space<hbm>>
    %dma_wait3A_662 = arith.constant 0 : i32
    %dma_wait3A_663 = tpu.memref_slice %arg5[%mul3A_2, %dma_wait3A_662] : memref<65536x512xf32, #tpu.memory_space<hbm>> -> memref<32x512xf32, #tpu.memory_space<hbm>>
    tpu.wait_dma2 semaphore(%arg11 : memref<!tpu.dma_semaphore, #tpu.memory_space<semaphore_mem>>) src(%arg9 : memref<32x512xf32, #tpu.memory_space<vmem>>) dst(%dma_wait3A_663 : memref<32x512xf32, #tpu.memory_space<hbm>>)
    return
  }
}

</mosaic_0001>

<sc_bundles>
// kernel: kernel.3.cloned.1.call-start
scs
__scs_entry_jumppad:
0x0: {  	(pc) =	sbr.rel $0x88, $3  }
0x1: {  	(tag) =	ssettag $0x0;
	lr =	simm.s32 $0x1  }
0x2: {  	[smem:$0x3F9F] =	sst lr;
	_ =	strace $0xD0000000  }
0x3: {  	_ = 	snop  }
0x4: {  	_ = 	snop  }
0x5: {  	_ = 	snop  }
0x6: {  	_ = 	snop  }
0x7: {  	_ = 	snop  }
__scs_overlays_trampoline_lowered:
0x8: {  	[smem:$0x3FAE] =	sst s0  }
0x9: {  	[smem:$0x3FAF] =	sst s1  }
0xa: {  	[smem:$0x3FB0] =	sst s2  }
0xb: {  	[smem:$0x3FB1] =	sst s3  }
0xc: {  	[smem:$0x3FB2] =	sst s4  }
0xd: {  	[smem:$0x3FB3] =	sst s5  }
0xe: {  	[smem:$0x3FB4] =	sst s6  }
0xf: {  	[smem:$0x3FB5] =	sst s7  }
0x10: {  	[smem:$0x3FB6] =	sst s8  }
0x11: {  	[smem:$0x3FB7] =	sst s9;
	s0 =	simm.s32 @!p0 $0x0  }
0x12: {  	s1 =	sld [smem:$0x3F9D];
	s0 =	simm.s32 @p0 $0x1  }
0x13: {  	[smem:$0x3FB8] =	sst s0;
	s0 =	simm.s32 @!p1 $0x0  }
0x14: {  	s2 =	sld [smem:$0x3F9C];
	s0 =	simm.s32 @p1 $0x1  }
0x15: {  	[smem:$0x3FB9] =	sst s0;
	s0 =	simm.s32 @!p2 $0x0  }
0x16: {  	s3 =	sld [smem:$0x3FDB];
	s0 =	simm.s32 @p2 $0x1  }
0x17: {  	s4 =	simm.s32 $0x1BF5;
	[smem:$0x3FBB] =	sst s0  }
0x18: {  	s0 =	sld [smem:$0x3F9E];
	_ =	swait.ge [sflag:s4], $0x0  }
0x19: {  	s7 =	sld [smem:$0x3F9F]  }
0x1a: {  	s8 =	sadd.s32 $0xFFFFE003, lr  }
0x1b: {  	s9 =	sadd.s32 $0xFFFFFEF7, lr;
	s5 =	simm.s32 $0xFFFFFFFF;
	p2 =	slt.u32 s8, $0xFFFFF086  }
0x1c: {  	p1 =	slt.u32 s9, $0xF7A;
	s5 =	simm.s32 @!p2 $0x0  }
0x1d: {  	s5 =	simm.s32 @p1 $0x1;
	p0 =	seq.s32 s7, s2  }
0x1e: {  	s7 =	smul.u32 @!p0 $0xF7A, s2;
	p2 =	seq.s32 @!p0 s5, $0x0  }
0x1f: {  	s9 =	smul.u32 $0xF7A, s1;
	s8 =	simm.s32 @!p0 $0x1BF5;
	p2 =	por !p2, p0  }
0x20: {  	[sflag:s8] =	ssyncset.s32 @!p0 $0xFFFFF086;
	s6 =	sadd.s32 @!p0 s3, s7;
	s7 =	simm.s32 @!p0 $0x108  }
0x21: {  	s3 =	sadd.s32 s3, s9;
	s6 =	sadd.s32 @!p0 $0x88, s6;
	s7 =	simm.s32 @p2 $0x1082  }
0x22: {  	[simem:s7], [sflag:s8] =	dma.local @!p0 [hbm:s6], $0xF7A  }
0x23: {  	s9 =	sor.u32 $0xD0000000, s2;
	s6 =	simm.s32 $0x108;
	_ =	swait.ge @!p0 [sflag:s8], $0x0  }
0x24: {  	s3 =	sadd.s32 $0x88, s3;
	s6 =	simm.s32 @!p1 $0x1082;
	[sflag:s4] =	ssyncset.s32 $0xFFFFF086  }
0x25: {  	[simem:s6], [sflag:s4] =	dma.local [hbm:s3], $0xF7A  }
0x26: {  	[smem:$0x3F9F] =	sst s1;
	(tag) =	ssettag s2;
	_ =	strace s9  }
0x27: {  	s1 =	sld [smem:$0x3FAF]  }
0x28: {  	s2 =	sld [smem:$0x3FB0]  }
0x29: {  	s4 =	sld [smem:$0x3FB2]  }
0x2a: {  	p0 =	seq.s32 s5, $0x0;
	s5 =	sld [smem:$0x3FB3]  }
0x2b: {  	s6 =	sld [smem:$0x3FB4]  }
0x2c: {  	s7 =	sld [smem:$0x3FB5]  }
0x2d: {  	s3 =	simm.s32 $0x108;
	s8 =	sld [smem:$0x3FB6]  }
0x2e: {  	s3 =	simm.s32 @!p0 $0x1082;
	s9 =	sld [smem:$0x3FB7]  }
0x2f: {  	lr =	sadd.s32 s0, s3;
	s0 =	sld [smem:$0x3FAE]  }
0x30: {  	s3 =	sld [smem:$0x3FB1]  }
0x31: {  	[smem:$0x3FBA] =	sst s10  }
0x32: {  	s10 =	sld [smem:$0x3FB8];
	_ =	sdelay $0x3  }
0x33: {  	p0 =	seq.s32 s10, $0x1;
	s10 =	sld [smem:$0x3FBA];
	_ =	sdelay $0x3  }
0x34: {  	[smem:$0x3FBA] =	sst s10  }
0x35: {  	s10 =	sld [smem:$0x3FB9];
	_ =	sdelay $0x3  }
0x36: {  	p1 =	seq.s32 s10, $0x1;
	s10 =	sld [smem:$0x3FBA];
	_ =	sdelay $0x3  }
0x37: {  	[smem:$0x3FBA] =	sst s10  }
0x38: {  	s10 =	sld [smem:$0x3FBB]  }
0x39: {  	_ = 	snop;
	(pc) =	sbr.ind lr, $3  }
0x3a: {  	_ = 	snop  }
0x3b: {  	_ = 	snop  }
0x3c: {  	p2 =	seq.s32 s10, $0x1;
	s10 =	sld [smem:$0x3FBA]  }
0x3d: {  	_ =	shalt  }
0x3e: {  	_ =	shalt  }
0x3f: {  	_ =	shalt  }
0x40: {  	_ =	shalt  }
0x41: {  	_ =	shalt  }
0x42: {  	_ =	shalt  }
0x43: {  	_ =	shalt  }
0x44: {  	_ =	shalt  }
0x45: {  	_ =	shalt  }
0x46: {  	_ =	shalt  }
0x47: {  	_ =	shalt  }
0x48: {  	_ =	shalt  }
0x49: {  	_ =	shalt  }
0x4a: {  	_ =	shalt  }
0x4b: {  	_ =	shalt  }
0x4c: {  	_ =	shalt  }
0x4d: {  	_ =	shalt  }
0x4e: {  	_ =	shalt  }
0x4f: {  	_ =	shalt  }
0x50: {  	_ =	shalt  }
0x51: {  	_ =	shalt  }
0x52: {  	_ =	shalt  }
0x53: {  	_ =	shalt  }
0x54: {  	_ =	shalt  }
0x55: {  	_ =	shalt  }
0x56: {  	_ =	shalt  }
0x57: {  	_ =	shalt  }
0x58: {  	_ =	shalt  }
0x59: {  	_ =	shalt  }
0x5a: {  	_ =	shalt  }
0x5b: {  	_ =	shalt  }
0x5c: {  	_ =	shalt  }
0x5d: {  	_ =	shalt  }
0x5e: {  	_ =	shalt  }
0x5f: {  	_ =	shalt  }
0x60: {  	_ =	shalt  }
0x61: {  	_ =	shalt  }
0x62: {  	_ =	shalt  }
0x63: {  	_ =	shalt  }
0x64: {  	_ =	shalt  }
0x65: {  	_ =	shalt  }
0x66: {  	_ =	shalt  }
0x67: {  	_ =	shalt  }
0x68: {  	_ =	shalt  }
0x69: {  	_ =	shalt  }
0x6a: {  	_ =	shalt  }
0x6b: {  	_ =	shalt  }
0x6c: {  	_ =	shalt  }
0x6d: {  	_ =	shalt  }
0x6e: {  	_ =	shalt  }
0x6f: {  	_ =	shalt  }
0x70: {  	_ =	shalt  }
0x71: {  	_ =	shalt  }
0x72: {  	_ =	shalt  }
0x73: {  	_ =	shalt  }
0x74: {  	_ =	shalt  }
0x75: {  	_ =	shalt  }
0x76: {  	_ =	shalt  }
0x77: {  	_ =	shalt  }
0x78: {  	_ =	shalt  }
0x79: {  	_ =	shalt  }
0x7a: {  	_ =	shalt  }
0x7b: {  	_ =	shalt  }
0x7c: {  	_ =	shalt  }
0x7d: {  	_ =	shalt  }
0x7e: {  	_ =	shalt  }
0x7f: {  	_ =	shalt  }
0x80: {  	_ =	shalt  }
0x81: {  	_ =	shalt  }
0x82: {  	_ =	shalt  }
0x83: {  	_ =	shalt  }
0x84: {  	_ =	shalt  }
0x85: {  	_ =	shalt  }
0x86: {  	_ =	shalt  }
0x87: {  	_ =	shalt  }
.Lfunc_end0:
.L_simem_size_0:
called_computation_lowered:
.L_overlay_start_0:
0x88: {  	s2 =	sld [smem:$0x3FD9]  }
0x89: {  	s3 =	sld [smem:$0x3FFE];
	_ =	sdelay $0x1  }
0x8a: {  	s1 =	srdreg.scid  }
0x8b: {  	s0 =	sand.u32 $0x1, s1  }
0x8c: {  	s17 =	sshll.u32 s0, $0xA;
	s2 =	sadd.s32 s3, s2  }
0x8d: {  	s2 =	sadd.s32 s2, s17  }
0x8e: {  	[smem:$0x3FC6] =	sst s2  }
0x8f: {  	_ = 	snop  }
0x90: {  	s2 =	sld [smem:$0x3FC9]  }
0x91: {  	s18 =	sld [smem:$0x3FD0];
	(tm) =	ssettm $0x1  }
0x92: {  	s4 =	sld [smem:$0x3FFB];
	_ =	sdelay $0x3  }
0x93: {  	_ =	strace s4  }
0x94: {  	s4 =	sld [smem:$0x3FFC];
	_ =	sdelay $0x3  }
0x95: {  	_ =	strace s4  }
0x96: {  	s4 =	sld [smem:$0x3FFD];
	_ =	sdelay $0x3  }
0x97: {  	_ =	strace s4  }
0x98: {  	_ =	strace $0x8FFFFFFF  }
0x99: {  	s19 =	sld [smem:$0x3FDB];
	_ =	sdelay $0x1  }
0x9a: {  	s5 =	simm.s32 $_scs_section_size  }
0x9b: {  	s6 =	simm.s32 $_size__tile_overlayer_lowered;
	s7 =	simm.s32 $_tile_overlayer_lowered  }
0x9c: {  	s22 =	simm.s32 $0x1BFF;
	s21 =	sshll.u32 s7, $0x1;
	s4 =	sadd.s32 s5, s19  }
0x9d: {  	s8 =	simm.s32 $0x0;
	s20 =	sshll.u32 s6, $0x1;
	s6 =	sadd.s32 s21, s4  }
0x9e: {  	[timem:s8], [sflag:s22] =	dma.local [hbm:s6], s20  }
0x9f: {  	_ =	swait.ge [sflag:s22], s20  }
0xa0: {  	s5 =	ssub.s32 $0x0, s20;
	[sflag:s22] =	ssyncset.done $0x0  }
0xa1: {  	[sflag:s22] =	ssyncadd.s32 s5;
	_ =	sdelay $0x1  }
0xa2: {  	s23 =	simm.s32 $0x1B8B  }
0xa3: {  	_ =	swait.ge [sflag:s23], $0x1  }
0xa4: {  	[sflag:s23] =	ssyncset.done $0x0  }
0xa5: {  	s25 =	simm.s32 $0x1B8E;
	s24 =	sld [smem:$0x3FFE];
	[sflag:s23] =	ssyncadd.s32 $0xFFFFFFFF  }
0xa6: {  	s26 =	simm.s32 $execute0_lowered;
	[smem:$0x3FD2] =	sst s25  }
0xa7: {  	s6 =	sshll.u32 s26, $0x1;
	_ =	strace $0x80000046;
	[dreg:$0x1] =	wrdreg $0xFFFFFFFF  }
0xa8: {  	s28 =	simm.s32 $_size_execute0_lowered;
	s4 =	sadd.s32 s4, s6;
	[dreg:$0x0] =	wrdreg $0x0  }
0xa9: {  	s6 =	sshll.u32 s28, $0x1;
	[dreg:$0x2] =	wrdreg s4  }
0xaa: {  	[dreg:$0x3] =	wrdreg s6  }
0xab: {  	[dreg:$0x4] =	wrdreg $0xC0  }
0xac: {  	_ =	task [dreg:s8], $0x5FFFF  }
0xad: {  	[dreg:$0x1] =	wrdreg $0xFFFFFFFF  }
0xae: {  	[dreg:$0x0] =	wrdreg $0x60  }
0xaf: {  	[dreg:$0x2] =	wrdreg s2  }
0xb0: {  	[dreg:$0x3] =	wrdreg s24  }
0xb1: {  	[dreg:$0x4] =	wrdreg s18  }
0xb2: {  	[dreg:$0x5] =	wrdreg $0x9  }
0xb3: {  	_ =	task.clear_ibuf [dreg:s8], $0x6FFFF;
	_ =	strace $0x90000046  }
0xb4: {  	s29 =	simm.s32 $0x9;
	_ =	strace $0x80000048  }
0xb5: {  	_ =	swait.ge [sflag:s29], $0x1  }
0xb6: {  	[sflag:s29] =	ssyncadd.s32 $0xFFFFFFFF  }
0xb7: {  	_ =	strace $0x90000048  }
0xb8: {  	_ =	sfence  }
0xb9: {  	s30 =	sld [smem:$0x0];
	_ =	sdelay $0x2  }
0xba: {  	s31 =	sshll.u32 s1, $0xD;
	s1 =	sshrl.u32 s1, $0x2  }
0xbb: {  	s3 =	sand.u32 $0x4000, s31;
	s1 =	sadd.s32 s1, s30  }
0xbc: {  	s0 =	sor.u32 s3, s0;
	s1 =	sshll.u32 s1, $0x11  }
0xbd: {  	s0 =	sor.u32 s1, s0  }
0xbe: {  	s0 =	sadd.s32 $0x8F2B, s0  }
0xbf: {  	[sflag:s0] =	ssyncadd.remote.s32 $0x1  }
0xc0: {  	_ =	sfence.sel $0xFFFF  }
0xc1: {  	[dreg:$0x0] =	wrdreg $0xFFFFFFFF;
	(pc) =	sbr.abs _section_cstart, $3  }
0xc2: {  	[dreg:$0x1] =	wrdreg $0xFFFFFFFF  }
0xc3: {  	_ =	task.clear_ibuf [dreg:s8], $0x2FFFF;
	_ =	strace $0x9FFFFFFF  }
0xc4: {  	(tm) =	ssettm $0x7FFFFFFF  }
0xc5: {  	_ =	shalt  }
tec
execute0_lowered:
.L_overlay_start_1:
0x0: {  	(tag) =	ssettag $0x1  }
0x1: {  	v0 =	vimm.s32 $0xE4000;
	vm0 =	vcmask $0x2700  }
0x2: {  	v1 =	vimm.s32 $0x9;
	vm2 =	vcmask $0x1B00;
	vm4 =	vcmask $0x2B1C  }
0x3: {  	v2 =	vimm.s32 $0x1380;
	v5 =	vimm.s32 $0x3380;
	vm1 =	vcmask $0x704  }
0x4: {  	vm3 =	vcmask $0x1F1C;
	vm5 =	vcmask $0x2B28;
	vm12 =	vcmask $0x2F2C  }
0x5: {  	vm13 =	vcmask $0x3330;
	vm14 =	vcmask $0x3734;
	vm15 =	vcmask $0x3B38  }
0x6: {  	v6 =	vimm.s32 $0xE;
	v8 =	vimm.s32 $0x1D;
	v10 =	vimm.s32 $0x2C  }
0x7: {  	v13 =	vimm.s32 $0x3B;
	v16 =	vimm.s32 $0x4A;
	v19 =	vimm.s32 $0x59  }
0x8: {  	v22 =	vimm.s32 $0x68;
	v25 =	vimm.s32 $0x77;
	v53 =	vimm.s32 $0x11C  }
0x9: {  	v54 =	vimm.s32 $0x121;
	v55 =	vimm.s32 $0x126;
	v56 =	vimm.s32 $0x12B  }
0xa: {  	v57 =	vimm.s32 $0x130;
	v58 =	vimm.s32 $0x135;
	v59 =	vimm.s32 $0x13A  }
0xb: {  	v60 =	vimm.s32 $0x13F;
	v0 =	vunpack.c.l.s2.s4 v0;
	v3 =	vsel vm2, $0x5, v1  }
0xc: {  	v1 =	vimm.s32 $0x6090807;
	v53 =	vsel vm2, $0x118, v53;
	v54 =	vsel vm2, $0x11D, v54  }
0xd: {  	v55 =	vsel vm2, $0x122, v55;
	v56 =	vsel vm2, $0x127, v56;
	v57 =	vsel vm2, $0x12C, v57  }
0xe: {  	v58 =	vsel vm2, $0x131, v58;
	v59 =	vsel vm2, $0x136, v59;
	v60 =	vsel vm2, $0x13B, v60  }
0xf: {  	v4 =	vunpack.c.0.s8.s32 v1;
	v1 =	vimm.s32 $0xB0E0D0C;
	v53 =	vsel vm3, $0x119, v53  }
0x10: {  	v54 =	vsel vm3, $0x11E, v54;
	v55 =	vsel vm3, $0x123, v55;
	v0 =	vunpack.c.l.s4.s8 v0  }
0x11: {  	v56 =	vsel vm3, $0x128, v56;
	v57 =	vsel vm3, $0x12D, v57;
	v58 =	vsel vm3, $0x132, v58  }
0x12: {  	v59 =	vsel vm3, $0x137, v59;
	v60 =	vsel vm3, $0x13C, v60;
	v0 =	vunpack.c.0.s8.s32 v0  }
0x13: {  	v7 =	vunpack.c.0.s8.s32 v1;
	v3 =	vsel vm4, v4, v3;
	v4 =	vimm.s32 $0x10131211  }
0x14: {  	[tilespmem:$0x1FFD0] =	vst v3;
	v3 =	vsel vm2, $0xA, v6;
	v4 =	vunpack.c.0.s8.s32 v4;
	v0 =	vand.u32 $0x3, v0  }
0x15: {  	v6 =	vimm.s32 $0x18;
	v0 =	vnsel vm0, $0x4, v0;
	vm0 =	vcmask $0x300  }
0x16: {  	v3 =	vsel vm4, v7, v3;
	v2 =	vsel vm0, $0x0, v2;
	v5 =	vsel vm0, $0x2000, v5  }
0x17: {  	vm0 =	vcmask $0xB08;
	v2 =	vsel vm1, $0x80, v2;
	v5 =	vsel vm1, $0x2080, v5  }
0x18: {  	vm1 =	vcmask $0xF0C;
	v2 =	vsel vm0, $0x100, v2;
	v5 =	vsel vm0, $0x2100, v5  }
0x19: {  	vm0 =	vcmask $0x1310;
	v2 =	vsel vm1, $0x180, v2;
	v5 =	vsel vm1, $0x2180, v5  }
0x1a: {  	vm1 =	vcmask $0x1714;
	v2 =	vsel vm0, $0x200, v2;
	v5 =	vsel vm0, $0x2200, v5  }
0x1b: {  	vm0 =	vcmask $0x1B18;
	v2 =	vsel vm1, $0x280, v2;
	v5 =	vsel vm1, $0x2280, v5  }
0x1c: {  	v7 =	vimm.s32 $0x1A1D1C1B;
	v2 =	vsel vm0, $0x300, v2;
	v5 =	vsel vm0, $0x2300, v5  }
0x1d: {  	vm1 =	vcmask $0x2320;
	v2 =	vsel vm3, $0x380, v2;
	v5 =	vsel vm3, $0x2380, v5  }
0x1e: {  	vm0 =	vcmask $0x2724;
	v2 =	vsel vm1, $0x1000, v2;
	v5 =	vsel vm1, $0x3000, v5  }
0x1f: {  	v6 =	vsel vm2, $0x14, v6;
	v2 =	vsel vm0, $0x1080, v2;
	v5 =	vsel vm0, $0x3080, v5  }
0x20: {  	[tilespmem:$0x1FFE0] =	vst v3;
	v3 =	vimm.s32 $0x13;
	v2 =	vsel vm5, $0x1100, v2;
	v5 =	vsel vm5, $0x3100, v5  }
0x21: {  	v3 =	vsel vm2, $0xF, v3;
	v2 =	vsel vm12, $0x1180, v2;
	v5 =	vsel vm12, $0x3180, v5  }
0x22: {  	v3 =	vsel vm4, v4, v3;
	v2 =	vsel vm13, $0x1200, v2;
	v5 =	vsel vm13, $0x3200, v5  }
0x23: {  	v4 =	vimm.s32 $0x1F222120;
	v2 =	vsel vm14, $0x1280, v2;
	v5 =	vsel vm14, $0x3280, v5  }
0x24: {  	v1 =	vsel vm15, $0x1300, v2;
	v2 =	vsel vm15, $0x3300, v5;
	v5 =	vimm.s32 $0x15181716  }
0x25: {  	v7 =	vunpack.c.0.s8.s32 v7;
	v4 =	vunpack.c.0.s8.s32 v4;
	v5 =	vunpack.c.0.s8.s32 v5  }
0x26: {  	v61 =	vsel vm1, $0x11A, v53;
	v62 =	vsel vm1, $0x11F, v54;
	v63 =	vsel vm1, $0x124, v55  }
0x27: {  	[tilespmem:$0x1FFF0] =	vst v3;
	v9 =	vsel vm1, $0x12E, v57;
	v11 =	vsel vm1, $0x138, v59;
	v3 =	vsel vm4, v5, v6  }
0x28: {  	v12 =	vsel vm1, $0x13D, v60;
	v59 =	vsel vm0, $0x120, v62;
	[tilespmem:$0x1FF60] =	vst v3;
	v3 =	vsel vm2, $0x19, v8  }
0x29: {  	v60 =	vsel vm0, $0x125, v63;
	v62 =	vsel vm0, $0x12F, v9;
	v3 =	vsel vm4, v7, v3  }
0x2a: {  	v5 =	vimm.s32 $0x24272625;
	v6 =	vimm.s32 $0x27;
	[tilespmem:$0x1FF70] =	vst v3;
	v3 =	vimm.s32 $0x22  }
0x2b: {  	v5 =	vunpack.c.0.s8.s32 v5;
	v6 =	vsel vm2, $0x23, v6;
	v3 =	vsel vm2, $0x1E, v3  }
0x2c: {  	v8 =	vsel vm1, $0x129, v56;
	v7 =	vimm.s32 $0x292C2B2A;
	v3 =	vsel vm4, v4, v3  }
0x2d: {  	v7 =	vunpack.c.0.s8.s32 v7;
	v4 =	vimm.s32 $0x2E31302F;
	[tilespmem:$0x1FF80] =	vst v3;
	v3 =	vsel vm4, v5, v6  }
0x2e: {  	v4 =	vunpack.c.0.s8.s32 v4;
	v5 =	vimm.s32 $0x33363534;
	[tilespmem:$0x1FF90] =	vst v3;
	v3 =	vsel vm2, $0x28, v10  }
0x2f: {  	v6 =	vimm.s32 $0x36;
	v5 =	vunpack.c.0.s8.s32 v5;
	v3 =	vsel vm4, v7, v3  }
0x30: {  	v6 =	vsel vm2, $0x32, v6;
	v10 =	vsel vm1, $0x133, v58;
	[tilespmem:$0x1FFA0] =	vst v3;
	v3 =	vimm.s32 $0x31  }
0x31: {  	v58 =	vsel vm0, $0x11B, v61;
	v61 =	vsel vm0, $0x12A, v8;
	v3 =	vsel vm2, $0x2D, v3  }
0x32: {  	v7 =	vimm.s32 $0x383B3A39;
	v63 =	vsel vm0, $0x134, v10;
	v3 =	vsel vm4, v4, v3  }
0x33: {  	v7 =	vunpack.c.0.s8.s32 v7;
	v4 =	vimm.s32 $0x3D403F3E;
	[tilespmem:$0x1FFB0] =	vst v3;
	v3 =	vsel vm4, v5, v6  }
0x34: {  	v4 =	vunpack.c.0.s8.s32 v4;
	v5 =	vimm.s32 $0x42454443;
	v6 =	vimm.s32 $0x45  }
0x35: {  	[tilespmem:$0x1FFC0] =	vst v3;
	v3 =	vsel vm2, $0x37, v13;
	v5 =	vunpack.c.0.s8.s32 v5;
	v6 =	vsel vm2, $0x41, v6  }
0x36: {  	v13 =	vsel vm4, v7, v3;
	v3 =	vimm.s32 $0x40;
	v7 =	vimm.s32 $0x474A4948  }
0x37: {  	v3 =	vsel vm2, $0x3C, v3;
	v7 =	vunpack.c.0.s8.s32 v7;
	v15 =	vsel vm4, v5, v6  }
0x38: {  	v5 =	vimm.s32 $0x51545352;
	v6 =	vimm.s32 $0x54;
	v14 =	vsel vm4, v4, v3  }
0x39: {  	v3 =	vsel vm2, $0x46, v16;
	v4 =	vimm.s32 $0x4C4F4E4D;
	v5 =	vunpack.c.0.s8.s32 v5  }
0x3a: {  	v6 =	vsel vm2, $0x50, v6;
	v16 =	vsel vm4, v7, v3;
	v3 =	vimm.s32 $0x4F  }
0x3b: {  	v4 =	vunpack.c.0.s8.s32 v4;
	v7 =	vimm.s32 $0x56595857;
	v3 =	vsel vm2, $0x4B, v3  }
0x3c: {  	v7 =	vunpack.c.0.s8.s32 v7;
	v18 =	vsel vm4, v5, v6;
	v5 =	vimm.s32 $0x60636261  }
0x3d: {  	v6 =	vimm.s32 $0x63;
	v17 =	vsel vm4, v4, v3;
	v3 =	vsel vm2, $0x55, v19  }
0x3e: {  	v4 =	vimm.s32 $0x5B5E5D5C;
	v5 =	vunpack.c.0.s8.s32 v5;
	v6 =	vsel vm2, $0x5F, v6  }
0x3f: {  	v19 =	vsel vm4, v7, v3;
	v3 =	vimm.s32 $0x5E;
	v7 =	vimm.s32 $0x65686766  }
0x40: {  	v4 =	vunpack.c.0.s8.s32 v4;
	v3 =	vsel vm2, $0x5A, v3;
	v7 =	vunpack.c.0.s8.s32 v7  }
0x41: {  	v21 =	vsel vm4, v5, v6;
	v5 =	vimm.s32 $0x6F727170;
	v6 =	vimm.s32 $0x72  }
0x42: {  	v20 =	vsel vm4, v4, v3;
	v3 =	vsel vm2, $0x64, v22;
	v4 =	vimm.s32 $0x6A6D6C6B  }
0x43: {  	v5 =	vunpack.c.0.s8.s32 v5;
	v6 =	vsel vm2, $0x6E, v6;
	v22 =	vsel vm4, v7, v3  }
0x44: {  	v3 =	vimm.s32 $0x6D;
	v4 =	vunpack.c.0.s8.s32 v4;
	v7 =	vimm.s32 $0x74777675  }
0x45: {  	v3 =	vsel vm2, $0x69, v3;
	v7 =	vunpack.c.0.s8.s32 v7;
	v24 =	vsel vm4, v5, v6  }
0x46: {  	v5 =	vimm.s32 $0x797C7B7A;
	v6 =	vimm.s32 $0x81;
	v23 =	vsel vm4, v4, v3  }
0x47: {  	v3 =	vsel vm2, $0x73, v25;
	v4 =	vimm.s32 $0x7E81807F;
	v5 =	vunpack.c.0.s8.s32 v5  }
0x48: {  	v25 =	vsel vm4, v7, v3;
	v3 =	vimm.s32 $0x7C;
	v4 =	vunpack.c.0.s8.s32 v4  }
0x49: {  	v6 =	vsel vm2, $0x7D, v6;
	v7 =	vimm.s32 $0x83868584;
	v3 =	vsel vm2, $0x78, v3  }
0x4a: {  	v7 =	vunpack.c.0.s8.s32 v7;
	v4 =	vand.u32 $0xFF, v4;
	v26 =	vsel vm4, v5, v3  }
0x4b: {  	v3 =	vimm.s32 $0x86;
	v5 =	vimm.s32 $0x888B8A89;
	v27 =	vsel vm4, v4, v6  }
0x4c: {  	v3 =	vsel vm2, $0x82, v3;
	v4 =	vand.u32 $0xFF, v7;
	v6 =	vimm.s32 $0x8B  }
0x4d: {  	v5 =	vunpack.c.0.s8.s32 v5;
	v7 =	vimm.s32 $0x8D908F8E;
	v28 =	vsel vm4, v4, v3  }
0x4e: {  	v3 =	vsel vm2, $0x87, v6;
	v4 =	vunpack.c.0.s8.s32 v7;
	v6 =	vimm.s32 $0x90  }
0x4f: {  	v7 =	vimm.s32 $0x92959493;
	v5 =	vand.u32 $0xFF, v5;
	v6 =	vsel vm2, $0x8C, v6  }
0x50: {  	v7 =	vunpack.c.0.s8.s32 v7;
	v4 =	vand.u32 $0xFF, v4;
	v29 =	vsel vm4, v5, v3  }
0x51: {  	v3 =	vimm.s32 $0x95;
	v5 =	vimm.s32 $0x979A9998;
	v30 =	vsel vm4, v4, v6  }
0x52: {  	v3 =	vsel vm2, $0x91, v3;
	v4 =	vand.u32 $0xFF, v7;
	v6 =	vimm.s32 $0x9A  }
0x53: {  	v5 =	vunpack.c.0.s8.s32 v5;
	v7 =	vimm.s32 $0x9C9F9E9D;
	v31 =	vsel vm4, v4, v3  }
0x54: {  	v3 =	vsel vm2, $0x96, v6;
	v4 =	vunpack.c.0.s8.s32 v7;
	v6 =	vimm.s32 $0x9F  }
0x55: {  	v7 =	vimm.s32 $0xA1A4A3A2;
	v5 =	vand.u32 $0xFF, v5;
	v6 =	vsel vm2, $0x9B, v6  }
0x56: {  	v7 =	vunpack.c.0.s8.s32 v7;
	v4 =	vand.u32 $0xFF, v4;
	v32 =	vsel vm4, v5, v3  }
0x57: {  	v3 =	vimm.s32 $0xA4;
	v5 =	vimm.s32 $0xA6A9A8A7;
	v33 =	vsel vm4, v4, v6  }
0x58: {  	v3 =	vsel vm2, $0xA0, v3;
	v4 =	vand.u32 $0xFF, v7;
	v6 =	vimm.s32 $0xA9  }
0x59: {  	v5 =	vunpack.c.0.s8.s32 v5;
	v7 =	vimm.s32 $0xABAEADAC;
	v34 =	vsel vm4, v4, v3  }
0x5a: {  	v3 =	vsel vm2, $0xA5, v6;
	v4 =	vunpack.c.0.s8.s32 v7;
	v6 =	vimm.s32 $0xAE  }
0x5b: {  	v7 =	vimm.s32 $0xB0B3B2B1;
	v5 =	vand.u32 $0xFF, v5;
	v6 =	vsel vm2, $0xAA, v6  }
0x5c: {  	v7 =	vunpack.c.0.s8.s32 v7;
	v4 =	vand.u32 $0xFF, v4;
	v35 =	vsel vm4, v5, v3  }
0x5d: {  	v3 =	vimm.s32 $0xB3;
	v5 =	vimm.s32 $0xB5B8B7B6;
	v36 =	vsel vm4, v4, v6  }
0x5e: {  	v3 =	vsel vm2, $0xAF, v3;
	v4 =	vand.u32 $0xFF, v7;
	v6 =	vimm.s32 $0xB8  }
0x5f: {  	v5 =	vunpack.c.0.s8.s32 v5;
	v7 =	vimm.s32 $0xBABDBCBB;
	v37 =	vsel vm4, v4, v3  }
0x60: {  	v3 =	vsel vm2, $0xB4, v6;
	v4 =	vunpack.c.0.s8.s32 v7;
	v6 =	vimm.s32 $0xBD  }
0x61: {  	v7 =	vimm.s32 $0xBFC2C1C0;
	v5 =	vand.u32 $0xFF, v5;
	v6 =	vsel vm2, $0xB9, v6  }
0x62: {  	v7 =	vunpack.c.0.s8.s32 v7;
	v4 =	vand.u32 $0xFF, v4;
	v38 =	vsel vm4, v5, v3  }
0x63: {  	v3 =	vimm.s32 $0xC2;
	v5 =	vimm.s32 $0xC4C7C6C5;
	v39 =	vsel vm4, v4, v6  }
0x64: {  	v3 =	vsel vm2, $0xBE, v3;
	v4 =	vand.u32 $0xFF, v7;
	v6 =	vimm.s32 $0xC7  }
0x65: {  	v5 =	vunpack.c.0.s8.s32 v5;
	v7 =	vimm.s32 $0xC9CCCBCA;
	v40 =	vsel vm4, v4, v3  }
0x66: {  	v3 =	vsel vm2, $0xC3, v6;
	v4 =	vunpack.c.0.s8.s32 v7;
	v6 =	vimm.s32 $0xCC  }
0x67: {  	v7 =	vimm.s32 $0xCED1D0CF;
	v5 =	vand.u32 $0xFF, v5;
	v6 =	vsel vm2, $0xC8, v6  }
0x68: {  	v7 =	vunpack.c.0.s8.s32 v7;
	v4 =	vand.u32 $0xFF, v4;
	v41 =	vsel vm4, v5, v3  }
0x69: {  	v3 =	vimm.s32 $0xD1;
	v5 =	vimm.s32 $0xD3D6D5D4;
	v42 =	vsel vm4, v4, v6  }
0x6a: {  	v3 =	vsel vm2, $0xCD, v3;
	v4 =	vand.u32 $0xFF, v7;
	v6 =	vimm.s32 $0xD6  }
0x6b: {  	v5 =	vunpack.c.0.s8.s32 v5;
	v7 =	vimm.s32 $0xD8DBDAD9;
	v43 =	vsel vm4, v4, v3  }
0x6c: {  	v3 =	vsel vm2, $0xD2, v6;
	v4 =	vunpack.c.0.s8.s32 v7;
	v6 =	vimm.s32 $0xDB  }
0x6d: {  	v7 =	vimm.s32 $0xDDE0DFDE;
	v5 =	vand.u32 $0xFF, v5;
	v6 =	vsel vm2, $0xD7, v6  }
0x6e: {  	v7 =	vunpack.c.0.s8.s32 v7;
	v4 =	vand.u32 $0xFF, v4;
	v44 =	vsel vm4, v5, v3  }
0x6f: {  	v3 =	vimm.s32 $0xE0;
	v5 =	vimm.s32 $0xE2E5E4E3;
	v45 =	vsel vm4, v4, v6  }
0x70: {  	v3 =	vsel vm2, $0xDC, v3;
	v4 =	vand.u32 $0xFF, v7;
	v6 =	vimm.s32 $0xE5  }
0x71: {  	v5 =	vunpack.c.0.s8.s32 v5;
	v7 =	vimm.s32 $0xE7EAE9E8;
	v46 =	vsel vm4, v4, v3  }
0x72: {  	s5 =	rddreg [dreg:$0x0];
	v3 =	vsel vm2, $0xE1, v6;
	v4 =	vunpack.c.0.s8.s32 v7;
	v6 =	vimm.s32 $0xEA  }
0x73: {  	s1 =	srdreg.scid;
	s4 =	rddreg [dreg:$0x1];
	v7 =	vimm.s32 $0xECEFEEED;
	v5 =	vand.u32 $0xFF, v5;
	v6 =	vsel vm2, $0xE6, v6  }
0x74: {  	s0 =	stileid.u32;
	s9 =	rddreg [dreg:$0x2];
	s8 =	sand.u32 $0x1, s1;
	v7 =	vunpack.c.0.s8.s32 v7;
	v4 =	vand.u32 $0xFF, v4;
	v47 =	vsel vm4, v5, v3  }
0x75: {  	s14 =	simm.s32 $0x800;
	s25 =	sshll.u32 s0, $0xC;
	s2 =	sshll.u32 s8, $0xB;
	v3 =	vimm.s32 $0xEF;
	v5 =	vimm.s32 $0xF1F4F3F2;
	v48 =	vsel vm4, v4, v6  }
0x76: {  	s15 =	simm.s32 $0x3000;
	s16 =	simm.s32 $0x7000;
	s7 =	sor.u32 s2, s25;
	v3 =	vsel vm2, $0xEB, v3;
	v4 =	vand.u32 $0xFF, v7;
	v6 =	vimm.s32 $0xF4  }
0x77: {  	s17 =	simm.s32 $0x2;
	p1 =	seq.s32 s8, $0x1;
	p0 =	seq.s32 s7, $0x0;
	v5 =	vunpack.c.0.s8.s32 v5;
	v7 =	vimm.s32 $0xF6F9F8F7;
	v49 =	vsel vm4, v4, v3  }
0x78: {  	s18 =	simm.s32 $0x0;
	s1 =	simm.s32 $0x1;
	p0 =	por !p0, !p1;
	v3 =	vsel vm2, $0xF0, v6;
	v4 =	vunpack.c.0.s8.s32 v7;
	v6 =	vimm.s32 $0xF9  }
0x79: {  	s30 =	sshll.u32 s0, $0x12;
	s28 =	ssub.s32 $0x2, s8;
	p0 =	por !p0, !p0;
	v7 =	vimm.s32 $0xFBFEFDFC;
	v5 =	vand.u32 $0xFF, v5;
	v6 =	vsel vm2, $0xF5, v6  }
0x7a: {  	s31 =	sshll.u32 s8, $0x11;
	s2 =	simm.s32 $0x0;
	s1 =	simm.s32 @!p0 $0x0;
	v7 =	vunpack.c.0.s8.s32 v7;
	v4 =	vand.u32 $0xFF, v4;
	v50 =	vsel vm4, v5, v3  }
0x7b: {  	s29 =	sshrl.u32 s28, $0x1;
	[smem:$0x7FF] =	sst s2;
	s3 =	ssub.s32 s0, s1;
	v3 =	vimm.s32 $0xFE;
	v5 =	vimm.s32 $0x103;
	v51 =	vsel vm4, v4, v6  }
0x7c: {  	s1 =	rddreg [dreg:$0x3];
	s6 =	sshrl.u32 s3, $0x3;
	s10 =	sshll.u32 s3, $0xC;
	v3 =	vsel vm2, $0xFA, v3;
	v4 =	vand.u32 $0xFF, v7;
	v6 =	vimm.s32 $0x112  }
0x7d: {  	s3 =	sshll.u32 s3, $0x7;
	s10 =	ssub.s32 s7, s10;
	s11 =	smul.u32 $0x28000, s6;
	v7 =	vimm.s32 $0x117;
	v52 =	vsel vm4, v4, v3;
	v3 =	vsel vm2, $0xFF, v5  }
0x7e: {  	s13 =	sand.u32 $0x380, s3;
	s6 =	sshll.u32 s6, $0xF;
	s12 =	smul.u32 $0x28, s10;
	v4 =	vimm.s32 $0x108;
	v5 =	vimm.s32 $0x10D;
	v6 =	vsel vm2, $0x10E, v6  }
0x7f: {  	s3 =	simm.s32 $0x1;
	s7 =	sshll.u32 s7, $0x6;
	s10 =	sshll.u32 s10, $0x3;
	v7 =	vsel vm2, $0x113, v7;
	v4 =	vsel vm2, $0x104, v4;
	v5 =	vsel vm2, $0x109, v5  }
0x80: {  	s7 =	sadd.s32 s9, s7;
	s6 =	sadd.s32 s6, s10;
	s11 =	sadd.s32 s11, s12;
	v3 =	vsel vm3, $0x100, v3;
	v6 =	vsel vm3, $0x10F, v6;
	v7 =	vsel vm3, $0x114, v7  }
0x81: {  	s8 =	sadd.s32 $0x800, s7;
	s6 =	sor.u32 s13, s6;
	s11 =	sor.u32 s13, s11;
	v4 =	vsel vm3, $0x105, v4;
	v5 =	vsel vm3, $0x10A, v5;
	v3 =	vsel vm1, $0x101, v3  }
0x82: {  	s12 =	simm.s32 $0x400;
	s6 =	sshrl.u32 s6, $0x3;
	s26 =	sshrl.u32 s11, $0x3;
	v6 =	vsel vm1, $0x110, v6;
	v7 =	vsel vm1, $0x115, v7;
	v4 =	vsel vm1, $0x106, v4  }
0x83: {  	s13 =	simm.s32 $0x3;
	s10 =	sadd.s32 s26, s4;
	_ =	strace $0x80000047;
	v5 =	vsel vm1, $0x10B, v5;
	v53 =	vsel vm0, $0x102, v3;
	v56 =	vsel vm0, $0x111, v6  }
0x84: {  	s5 =	sadd.s32 s5, s6;
	s6 =	sadd.s32 $0x400, s10;
	s10 =	sadd.s32 s30, s9;
	v10 =	vld [tilespmem:$0x1FFD0];
	v57 =	vsel vm0, $0x116, v7;
	v3 =	vsel vm0, $0x139, v11;
	v6 =	vimm.f32 $1.000000000e+00  }
0x85: {  	s11 =	ssub.s32 s28, s29;
	s4 =	sadd.s32 $0xA400, s4;
	s10 =	sadd.s32 s31, s10;
	v11 =	vld [tilespmem:$0x1FFE0];
	v54 =	vsel vm0, $0x107, v4;
	v55 =	vsel vm0, $0x10C, v5;
	v5 =	vlaneseq.u32  }
0x86: {  	s9 =	smax.u32 s11, $0x1;
	s11 =	simm.s32 $0x80;
	s10 =	sadd.s32 $0x1000, s10;
	v4 =	vsel vm0, $0x13E, v12;
	v12 =	vld [tilespmem:$0x1FFF0];
	vm0 =	vcmask $0x172C;
	v7 =	vor.u32 $0x10, v5  }
.LBB2_1:
0x87: {  	[tilespmem:s2], [sflag:$0x3] =	stream.strided.gather [hbm4b:s5+s11], $0x800, s12, s11, $0x38;
	[tilespmem:$0xB000] =	vst v63  }
0x88: {  	_ =	swait.ge [sflag:s13], $0x800  }
0x89: {  	[sflag:s13] =	ssyncset.done $0x0  }
0x8a: {  	[sflag:s13] =	ssyncadd.s32 $0xFFFFF800  }
0x8b: {  	[tilespmem:s14], [sflag:$0x3] =	stream.strided.gather [hbm4b:s6+s11], $0x2800, s12, s11, $0x38;
	[tilespmem:$0xB000] =	vst v63  }
0x8c: {  	_ =	swait.ge [sflag:s13], $0x2800  }
0x8d: {  	[sflag:s13] =	ssyncset.done $0x0  }
0x8e: {  	[sflag:s13] =	ssyncadd.s32 $0xFFFFD800  }
0x8f: {  	[tilespmem:s15], [sflag:$0x3] =	stream.linear.gather [hbm4b:s4+s2], $0x4000, $0x38;
	[tilespmem:$0xB000] =	vst v63  }
0x90: {  	_ =	swait.ge [sflag:s13], $0x4000  }
0x91: {  	[sflag:s13] =	ssyncset.done $0x0  }
0x92: {  	[sflag:s13] =	ssyncadd.s32 $0xFFFFC000  }
0x93: {  	[tilespmem:s16], [sflag:$0x3] =	stream.linear.gather [hbm4b:s4+s2], $0x4000, $0x38;
	[tilespmem:$0xB000] =	vst v63  }
0x94: {  	_ =	swait.ge [sflag:s13], $0x4000  }
0x95: {  	[sflag:s13] =	ssyncset.done $0x0  }
0x96: {  	[sflag:s13] =	ssyncadd.s32 $0xFFFFC000  }
0x97: {  	v8 =	vld.idx.msk [tilespmem:v0+s14+$0x0], $0xffff;
	_ =	sdelay $0x4  }
0x98: {  	v8 =	vsel vm0, $0x0, v8  }
0x99: {  	[tilespmem:$0x3000] =	vst v8  }
0x9a: {  	v8 =	vld.idx.msk [tilespmem:v10+s14+$0x0], $0xffff;
	_ =	sdelay $0x4  }
0x9b: {  	v8 =	vsel vm0, $0x0, v8  }
0x9c: {  	[tilespmem:$0x3080] =	vst v8  }
0x9d: {  	v8 =	vld.idx.msk [tilespmem:v11+s14+$0x0], $0xffff;
	_ =	sdelay $0x4  }
0x9e: {  	v8 =	vsel vm0, $0x0, v8  }
0x9f: {  	[tilespmem:$0x3100] =	vst v8  }
0xa0: {  	v8 =	vld.idx.msk [tilespmem:v12+s14+$0x0], $0xffff;
	_ =	sdelay $0x4  }
0xa1: {  	v8 =	vsel vm0, $0x0, v8  }
0xa2: {  	[tilespmem:$0x3180] =	vst v8;
	v8 =	vld [tilespmem:$0x1FF60];
	_ =	sdelay $0x7  }
0xa3: {  	v8 =	vld.idx.msk [tilespmem:v8+s14+$0x0], $0xffff;
	_ =	sdelay $0x4  }
0xa4: {  	v8 =	vsel vm0, $0x0, v8  }
0xa5: {  	[tilespmem:$0x3200] =	vst v8;
	v8 =	vld [tilespmem:$0x1FF70];
	_ =	sdelay $0x7  }
0xa6: {  	v8 =	vld.idx.msk [tilespmem:v8+s14+$0x0], $0xffff;
	_ =	sdelay $0x4  }
0xa7: {  	v8 =	vsel vm0, $0x0, v8  }
0xa8: {  	[tilespmem:$0x3280] =	vst v8;
	v8 =	vld [tilespmem:$0x1FF80];
	_ =	sdelay $0x7  }
0xa9: {  	v8 =	vld.idx.msk [tilespmem:v8+s14+$0x0], $0xffff;
	_ =	sdelay $0x4  }
0xaa: {  	v8 =	vsel vm0, $0x0, v8  }
0xab: {  	[tilespmem:$0x3300] =	vst v8;
	v8 =	vld [tilespmem:$0x1FF90];
	_ =	sdelay $0x7  }
0xac: {  	v8 =	vld.idx.msk [tilespmem:v8+s14+$0x0], $0xffff;
	_ =	sdelay $0x4  }
0xad: {  	v8 =	vsel vm0, $0x0, v8  }
0xae: {  	[tilespmem:$0x3380] =	vst v8;
	v8 =	vld [tilespmem:$0x1FFA0];
	_ =	sdelay $0x7  }
0xaf: {  	v8 =	vld.idx.msk [tilespmem:v8+s14+$0x0], $0xffff;
	_ =	sdelay $0x4  }
0xb0: {  	v8 =	vsel vm0, $0x0, v8  }
0xb1: {  	[tilespmem:$0x4000] =	vst v8;
	v8 =	vld [tilespmem:$0x1FFB0];
	_ =	sdelay $0x7  }
0xb2: {  	v8 =	vld.idx.msk [tilespmem:v8+s14+$0x0], $0xffff;
	_ =	sdelay $0x4  }
0xb3: {  	v8 =	vsel vm0, $0x0, v8  }
0xb4: {  	[tilespmem:$0x4080] =	vst v8;
	v8 =	vld [tilespmem:$0x1FFC0];
	_ =	sdelay $0x7  }
0xb5: {  	v8 =	vld.idx.msk [tilespmem:v8+s14+$0x0], $0xffff;
	_ =	sdelay $0x4  }
0xb6: {  	v8 =	vsel vm0, $0x0, v8  }
0xb7: {  	[tilespmem:$0x4100] =	vst v8  }
0xb8: {  	v8 =	vld.idx.msk [tilespmem:v13+s14+$0x0], $0xffff;
	_ =	sdelay $0x4  }
0xb9: {  	v8 =	vsel vm0, $0x0, v8  }
0xba: {  	[tilespmem:$0x4180] =	vst v8  }
0xbb: {  	v8 =	vld.idx.msk [tilespmem:v14+s14+$0x0], $0xffff;
	_ =	sdelay $0x4  }
0xbc: {  	v8 =	vsel vm0, $0x0, v8  }
0xbd: {  	[tilespmem:$0x4200] =	vst v8  }
0xbe: {  	v8 =	vld.idx.msk [tilespmem:v15+s14+$0x0], $0xffff;
	_ =	sdelay $0x4  }
0xbf: {  	v8 =	vsel vm0, $0x0, v8  }
0xc0: {  	[tilespmem:$0x4280] =	vst v8  }
0xc1: {  	v8 =	vld.idx.msk [tilespmem:v16+s14+$0x0], $0xffff;
	_ =	sdelay $0x4  }
0xc2: {  	v8 =	vsel vm0, $0x0, v8  }
0xc3: {  	[tilespmem:$0x4300] =	vst v8  }
0xc4: {  	v8 =	vld.idx.msk [tilespmem:v17+s14+$0x0], $0xffff;
	_ =	sdelay $0x4  }
0xc5: {  	v8 =	vsel vm0, $0x0, v8  }
0xc6: {  	[tilespmem:$0x4380] =	vst v8  }
0xc7: {  	v8 =	vld.idx.msk [tilespmem:v18+s14+$0x0], $0xffff;
	_ =	sdelay $0x4  }
0xc8: {  	v8 =	vsel vm0, $0x0, v8  }
0xc9: {  	[tilespmem:$0x5000] =	vst v8  }
0xca: {  	v8 =	vld.idx.msk [tilespmem:v19+s14+$0x0], $0xffff;
	_ =	sdelay $0x4  }
0xcb: {  	v8 =	vsel vm0, $0x0, v8  }
0xcc: {  	[tilespmem:$0x5080] =	vst v8  }
0xcd: {  	v8 =	vld.idx.msk [tilespmem:v20+s14+$0x0], $0xffff;
	_ =	sdelay $0x4  }
0xce: {  	v8 =	vsel vm0, $0x0, v8  }
0xcf: {  	[tilespmem:$0x5100] =	vst v8  }
0xd0: {  	v8 =	vld.idx.msk [tilespmem:v21+s14+$0x0], $0xffff;
	_ =	sdelay $0x4  }
0xd1: {  	v8 =	vsel vm0, $0x0, v8  }
0xd2: {  	[tilespmem:$0x5180] =	vst v8  }
0xd3: {  	v8 =	vld.idx.msk [tilespmem:v22+s14+$0x0], $0xffff;
	_ =	sdelay $0x4  }
0xd4: {  	v8 =	vsel vm0, $0x0, v8  }
0xd5: {  	[tilespmem:$0x5200] =	vst v8  }
0xd6: {  	v8 =	vld.idx.msk [tilespmem:v23+s14+$0x0], $0xffff;
	_ =	sdelay $0x4  }
0xd7: {  	v8 =	vsel vm0, $0x0, v8  }
0xd8: {  	[tilespmem:$0x5280] =	vst v8  }
0xd9: {  	v8 =	vld.idx.msk [tilespmem:v24+s14+$0x0], $0xffff;
	_ =	sdelay $0x4  }
0xda: {  	v8 =	vsel vm0, $0x0, v8  }
0xdb: {  	[tilespmem:$0x5300] =	vst v8  }
0xdc: {  	v8 =	vld.idx.msk [tilespmem:v25+s14+$0x0], $0xffff;
	_ =	sdelay $0x4  }
0xdd: {  	v8 =	vsel vm0, $0x0, v8  }
0xde: {  	[tilespmem:$0x5380] =	vst v8  }
0xdf: {  	v8 =	vld.idx.msk [tilespmem:v26+s14+$0x0], $0xffff;
	_ =	sdelay $0x4  }
0xe0: {  	v8 =	vsel vm0, $0x0, v8  }
0xe1: {  	[tilespmem:$0x6000] =	vst v8  }
0xe2: {  	v8 =	vld.idx.msk [tilespmem:v27+s14+$0x0], $0xffff;
	_ =	sdelay $0x4  }
0xe3: {  	v8 =	vsel vm0, $0x0, v8  }
0xe4: {  	[tilespmem:$0x6080] =	vst v8  }
0xe5: {  	v8 =	vld.idx.msk [tilespmem:v28+s14+$0x0], $0xffff;
	_ =	sdelay $0x4  }
0xe6: {  	v8 =	vsel vm0, $0x0, v8  }
0xe7: {  	[tilespmem:$0x6100] =	vst v8  }
0xe8: {  	v8 =	vld.idx.msk [tilespmem:v29+s14+$0x0], $0xffff;
	_ =	sdelay $0x4  }
0xe9: {  	v8 =	vsel vm0, $0x0, v8  }
0xea: {  	[tilespmem:$0x6180] =	vst v8  }
0xeb: {  	v8 =	vld.idx.msk [tilespmem:v30+s14+$0x0], $0xffff;
	_ =	sdelay $0x4  }
0xec: {  	v8 =	vsel vm0, $0x0, v8  }
0xed: {  	[tilespmem:$0x6200] =	vst v8  }
0xee: {  	v8 =	vld.idx.msk [tilespmem:v31+s14+$0x0], $0xffff;
	_ =	sdelay $0x4  }
0xef: {  	v8 =	vsel vm0, $0x0, v8  }
0xf0: {  	[tilespmem:$0x6280] =	vst v8  }
0xf1: {  	v8 =	vld.idx.msk [tilespmem:v32+s14+$0x0], $0xffff;
	_ =	sdelay $0x4  }
0xf2: {  	v8 =	vsel vm0, $0x0, v8  }
0xf3: {  	[tilespmem:$0x6300] =	vst v8  }
0xf4: {  	v8 =	vld.idx.msk [tilespmem:v33+s14+$0x0], $0xffff;
	_ =	sdelay $0x4  }
0xf5: {  	v8 =	vsel vm0, $0x0, v8  }
0xf6: {  	[tilespmem:$0x6380] =	vst v8  }
0xf7: {  	v8 =	vld.idx.msk [tilespmem:v5+s2+$0x0], $0xffff;
	_ =	sdelay $0x4  }
0xf8: {  	v9 =	vshll.u32 v8, $0x3  }
0xf9: {  	v8 =	vand.u32 $0x7F, v8;
	v9 =	vand.u32 $0xFFFFFC00, v9  }
0xfa: {  	v8 =	vor.u32 v8, v9  }
0xfb: {  	v8 =	vadd.s32 v1, v8;
	_ =	sdelay $0x4  }
0xfc: {  	[tilespmem:v8+s15+$0x0] =	vst.idx.msk $0xffff, v6  }
0xfd: {  	v8 =	vld.idx.msk [tilespmem:v7+s2+$0x0], $0xffff;
	_ =	sdelay $0x4  }
0xfe: {  	v9 =	vshll.u32 v8, $0x3  }
0xff: {  	v8 =	vand.u32 $0x7F, v8;
	v9 =	vand.u32 $0xFFFFFC00, v9  }
0x100: {  	v8 =	vor.u32 v8, v9  }
0x101: {  	v8 =	vadd.s32 v2, v8;
	_ =	sdelay $0x4  }
0x102: {  	[tilespmem:v8+s15+$0x0] =	vst.idx.msk $0xffff, v6  }
0x103: {  	[hbm4b:s7+s2] =	stream.linear.scatter [tilespmem:s15], [sflag:$0x1], $0x4000, $0x38;
	[tilespmem:$0xB000] =	vst v63  }
0x104: {  	v8 =	vld.idx.msk [tilespmem:v34+s14+$0x0], $0xffff;
	_ =	sdelay $0x4  }
0x105: {  	v8 =	vsel vm0, $0x0, v8  }
0x106: {  	[tilespmem:$0x7000] =	vst v8  }
0x107: {  	v8 =	vld.idx.msk [tilespmem:v35+s14+$0x0], $0xffff;
	_ =	sdelay $0x4  }
0x108: {  	v8 =	vsel vm0, $0x0, v8  }
0x109: {  	[tilespmem:$0x7080] =	vst v8  }
0x10a: {  	v8 =	vld.idx.msk [tilespmem:v36+s14+$0x0], $0xffff;
	_ =	sdelay $0x4  }
0x10b: {  	v8 =	vsel vm0, $0x0, v8  }
0x10c: {  	[tilespmem:$0x7100] =	vst v8  }
0x10d: {  	v8 =	vld.idx.msk [tilespmem:v37+s14+$0x0], $0xffff;
	_ =	sdelay $0x4  }
0x10e: {  	v8 =	vsel vm0, $0x0, v8  }
0x10f: {  	[tilespmem:$0x7180] =	vst v8  }
0x110: {  	v8 =	vld.idx.msk [tilespmem:v38+s14+$0x0], $0xffff;
	_ =	sdelay $0x4  }
0x111: {  	v8 =	vsel vm0, $0x0, v8  }
0x112: {  	[tilespmem:$0x7200] =	vst v8  }
0x113: {  	v8 =	vld.idx.msk [tilespmem:v39+s14+$0x0], $0xffff;
	_ =	sdelay $0x4  }
0x114: {  	v8 =	vsel vm0, $0x0, v8  }
0x115: {  	[tilespmem:$0x7280] =	vst v8  }
0x116: {  	v8 =	vld.idx.msk [tilespmem:v40+s14+$0x0], $0xffff;
	_ =	sdelay $0x4  }
0x117: {  	v8 =	vsel vm0, $0x0, v8  }
0x118: {  	[tilespmem:$0x7300] =	vst v8  }
0x119: {  	v8 =	vld.idx.msk [tilespmem:v41+s14+$0x0], $0xffff;
	_ =	sdelay $0x4  }
0x11a: {  	v8 =	vsel vm0, $0x0, v8  }
0x11b: {  	[tilespmem:$0x7380] =	vst v8  }
0x11c: {  	v8 =	vld.idx.msk [tilespmem:v42+s14+$0x0], $0xffff;
	_ =	sdelay $0x4  }
0x11d: {  	v8 =	vsel vm0, $0x0, v8  }
0x11e: {  	[tilespmem:$0x8000] =	vst v8  }
0x11f: {  	v8 =	vld.idx.msk [tilespmem:v43+s14+$0x0], $0xffff;
	_ =	sdelay $0x4  }
0x120: {  	v8 =	vsel vm0, $0x0, v8  }
0x121: {  	[tilespmem:$0x8080] =	vst v8  }
0x122: {  	v8 =	vld.idx.msk [tilespmem:v44+s14+$0x0], $0xffff;
	_ =	sdelay $0x4  }
0x123: {  	v8 =	vsel vm0, $0x0, v8  }
0x124: {  	[tilespmem:$0x8100] =	vst v8  }
0x125: {  	v8 =	vld.idx.msk [tilespmem:v45+s14+$0x0], $0xffff;
	_ =	sdelay $0x4  }
0x126: {  	v8 =	vsel vm0, $0x0, v8  }
0x127: {  	[tilespmem:$0x8180] =	vst v8  }
0x128: {  	v8 =	vld.idx.msk [tilespmem:v46+s14+$0x0], $0xffff;
	_ =	sdelay $0x4  }
0x129: {  	v8 =	vsel vm0, $0x0, v8  }
0x12a: {  	[tilespmem:$0x8200] =	vst v8  }
0x12b: {  	v8 =	vld.idx.msk [tilespmem:v47+s14+$0x0], $0xffff;
	_ =	sdelay $0x4  }
0x12c: {  	v8 =	vsel vm0, $0x0, v8  }
0x12d: {  	[tilespmem:$0x8280] =	vst v8  }
0x12e: {  	v8 =	vld.idx.msk [tilespmem:v48+s14+$0x0], $0xffff;
	_ =	sdelay $0x4  }
0x12f: {  	v8 =	vsel vm0, $0x0, v8  }
0x130: {  	[tilespmem:$0x8300] =	vst v8  }
0x131: {  	v8 =	vld.idx.msk [tilespmem:v49+s14+$0x0], $0xffff;
	_ =	sdelay $0x4  }
0x132: {  	v8 =	vsel vm0, $0x0, v8  }
0x133: {  	[tilespmem:$0x8380] =	vst v8  }
0x134: {  	v8 =	vld.idx.msk [tilespmem:v50+s14+$0x0], $0xffff;
	_ =	sdelay $0x4  }
0x135: {  	v8 =	vsel vm0, $0x0, v8  }
0x136: {  	[tilespmem:$0x9000] =	vst v8  }
0x137: {  	v8 =	vld.idx.msk [tilespmem:v51+s14+$0x0], $0xffff;
	_ =	sdelay $0x4  }
0x138: {  	v8 =	vsel vm0, $0x0, v8  }
0x139: {  	[tilespmem:$0x9080] =	vst v8  }
0x13a: {  	v8 =	vld.idx.msk [tilespmem:v52+s14+$0x0], $0xffff;
	_ =	sdelay $0x4  }
0x13b: {  	v8 =	vsel vm0, $0x0, v8  }
0x13c: {  	[tilespmem:$0x9100] =	vst v8  }
0x13d: {  	v8 =	vld.idx.msk [tilespmem:v53+s14+$0x0], $0xffff;
	_ =	sdelay $0x4  }
0x13e: {  	v8 =	vsel vm0, $0x0, v8  }
0x13f: {  	[tilespmem:$0x9180] =	vst v8  }
0x140: {  	v8 =	vld.idx.msk [tilespmem:v54+s14+$0x0], $0xffff;
	_ =	sdelay $0x4  }
0x141: {  	v8 =	vsel vm0, $0x0, v8  }
0x142: {  	[tilespmem:$0x9200] =	vst v8  }
0x143: {  	v8 =	vld.idx.msk [tilespmem:v55+s14+$0x0], $0xffff;
	_ =	sdelay $0x4  }
0x144: {  	v8 =	vsel vm0, $0x0, v8  }
0x145: {  	[tilespmem:$0x9280] =	vst v8  }
0x146: {  	v8 =	vld.idx.msk [tilespmem:v56+s14+$0x0], $0xffff;
	_ =	sdelay $0x4  }
0x147: {  	v8 =	vsel vm0, $0x0, v8  }
0x148: {  	[tilespmem:$0x9300] =	vst v8  }
0x149: {  	v8 =	vld.idx.msk [tilespmem:v57+s14+$0x0], $0xffff;
	_ =	sdelay $0x4  }
0x14a: {  	v8 =	vsel vm0, $0x0, v8  }
0x14b: {  	[tilespmem:$0x9380] =	vst v8  }
0x14c: {  	v8 =	vld.idx.msk [tilespmem:v58+s14+$0x0], $0xffff;
	_ =	sdelay $0x4  }
0x14d: {  	v8 =	vsel vm0, $0x0, v8  }
0x14e: {  	[tilespmem:$0xA000] =	vst v8  }
0x14f: {  	v8 =	vld.idx.msk [tilespmem:v59+s14+$0x0], $0xffff;
	_ =	sdelay $0x4  }
0x150: {  	v8 =	vsel vm0, $0x0, v8  }
0x151: {  	[tilespmem:$0xA080] =	vst v8  }
0x152: {  	v8 =	vld.idx.msk [tilespmem:v60+s14+$0x0], $0xffff;
	_ =	sdelay $0x4  }
0x153: {  	v8 =	vsel vm0, $0x0, v8  }
0x154: {  	[tilespmem:$0xA100] =	vst v8  }
0x155: {  	v8 =	vld.idx.msk [tilespmem:v61+s14+$0x0], $0xffff;
	_ =	sdelay $0x4  }
0x156: {  	v8 =	vsel vm0, $0x0, v8  }
0x157: {  	[tilespmem:$0xA180] =	vst v8  }
0x158: {  	v8 =	vld.idx.msk [tilespmem:v62+s14+$0x0], $0xffff;
	_ =	sdelay $0x4  }
0x159: {  	v8 =	vsel vm0, $0x0, v8  }
0x15a: {  	[tilespmem:$0xA200] =	vst v8  }
0x15b: {  	v8 =	vld.idx.msk [tilespmem:v63+s14+$0x0], $0xffff;
	_ =	sdelay $0x4  }
0x15c: {  	v8 =	vsel vm0, $0x0, v8  }
0x15d: {  	[tilespmem:$0xA280] =	vst v8  }
0x15e: {  	v8 =	vld.idx.msk [tilespmem:v3+s14+$0x0], $0xffff;
	_ =	sdelay $0x4  }
0x15f: {  	v8 =	vsel vm0, $0x0, v8  }
0x160: {  	[tilespmem:$0xA300] =	vst v8  }
0x161: {  	v8 =	vld.idx.msk [tilespmem:v4+s14+$0x0], $0xffff;
	_ =	sdelay $0x1  }
0x162: {  	v9 =	vor.u32 $0x20, v5;
	_ =	sdelay $0x2  }
0x163: {  	v8 =	vsel vm0, $0x0, v8  }
0x164: {  	[tilespmem:$0xA380] =	vst v8  }
0x165: {  	v8 =	vld.idx.msk [tilespmem:v9+s2+$0x0], $0xffff;
	_ =	sdelay $0x4  }
0x166: {  	v9 =	vshll.u32 v8, $0x3  }
0x167: {  	v8 =	vand.u32 $0x7F, v8;
	v9 =	vand.u32 $0xFFFFFC00, v9  }
0x168: {  	v8 =	vor.u32 v8, v9  }
0x169: {  	v8 =	vadd.s32 v1, v8  }
0x16a: {  	v9 =	vor.u32 $0x30, v5;
	_ =	sdelay $0x3  }
0x16b: {  	[tilespmem:v8+s16+$0x0] =	vst.idx.msk $0xffff, v6  }
0x16c: {  	v8 =	vld.idx.msk [tilespmem:v9+s2+$0x0], $0xffff;
	_ =	sdelay $0x4  }
0x16d: {  	v9 =	vshll.u32 v8, $0x3  }
0x16e: {  	v8 =	vand.u32 $0x7F, v8;
	v9 =	vand.u32 $0xFFFFFC00, v9  }
0x16f: {  	v8 =	vor.u32 v8, v9  }
0x170: {  	v8 =	vadd.s32 v2, v8;
	_ =	sdelay $0x4  }
0x171: {  	s19 =	simm.s32 $0x27B;
	s20 =	simm.s32 $0x70;
	s21 =	smov.u32 s10;
	[tilespmem:v8+s16+$0x0] =	vst.idx.msk $0xffff, v6  }
0x172: {  	[hbm4b:s8+s2] =	stream.linear.scatter [tilespmem:s16], [sflag:$0x2], $0x4000, $0x38;
	[tilespmem:$0xB000] =	vst v63  }
.LBB2_2:
0x173: {  	s22 =	sadd.s32 $0xFFFFFEC5, s19  }
0x174: {  	v8 =	vor.u32 s22, v0;
	_ =	sdelay $0x1  }
0x175: {  	_ =	swait.ge [sflag:s3], $0x4000  }
0x176: {  	[sflag:s3] =	ssyncset.done $0x0  }
0x177: {  	[sflag:s3] =	ssyncadd.s32 $0xFFFFC000  }
0x178: {  	v8 =	vld.idx.msk [tilespmem:v8+s14+$0x0], $0xffff  }
0x179: {  	s30 =	sadd.s32 $0xFFFFFECA, s19  }
0x17a: {  	v9 =	vadd.s32 s30, v0;
	_ =	sdelay $0x2  }
0x17b: {  	v8 =	vsel vm0, $0x0, v8  }
0x17c: {  	[tilespmem:$0x3000] =	vst v8  }
0x17d: {  	v8 =	vld.idx.msk [tilespmem:v9+s14+$0x0], $0xffff  }
0x17e: {  	s31 =	sadd.s32 $0xFFFFFECF, s19  }
0x17f: {  	v9 =	vadd.s32 s31, v0;
	_ =	sdelay $0x2  }
0x180: {  	v8 =	vsel vm0, $0x0, v8  }
0x181: {  	[tilespmem:$0x3080] =	vst v8  }
0x182: {  	v8 =	vld.idx.msk [tilespmem:v9+s14+$0x0], $0xffff  }
0x183: {  	s23 =	sadd.s32 $0xFFFFFED4, s19  }
0x184: {  	v9 =	vadd.s32 s23, v0;
	_ =	sdelay $0x2  }
0x185: {  	v8 =	vsel vm0, $0x0, v8  }
0x186: {  	[tilespmem:$0x3100] =	vst v8  }
0x187: {  	v8 =	vld.idx.msk [tilespmem:v9+s14+$0x0], $0xffff  }
0x188: {  	s24 =	sadd.s32 $0xFFFFFED9, s19  }
0x189: {  	v9 =	vadd.s32 s24, v0;
	_ =	sdelay $0x2  }
0x18a: {  	v8 =	vsel vm0, $0x0, v8  }
0x18b: {  	[tilespmem:$0x3180] =	vst v8  }
0x18c: {  	v8 =	vld.idx.msk [tilespmem:v9+s14+$0x0], $0xffff  }
0x18d: {  	s25 =	sadd.s32 $0xFFFFFEDE, s19  }
0x18e: {  	v9 =	vadd.s32 s25, v0;
	_ =	sdelay $0x2  }
0x18f: {  	v8 =	vsel vm0, $0x0, v8  }
0x190: {  	[tilespmem:$0x3200] =	vst v8  }
0x191: {  	v8 =	vld.idx.msk [tilespmem:v9+s14+$0x0], $0xffff  }
0x192: {  	s26 =	sadd.s32 $0xFFFFFEE3, s19  }
0x193: {  	v9 =	vadd.s32 s26, v0;
	_ =	sdelay $0x2  }
0x194: {  	v8 =	vsel vm0, $0x0, v8  }
0x195: {  	[tilespmem:$0x3280] =	vst v8  }
0x196: {  	v8 =	vld.idx.msk [tilespmem:v9+s14+$0x0], $0xffff  }
0x197: {  	s28 =	sadd.s32 $0xFFFFFEE8, s19  }
0x198: {  	v9 =	vadd.s32 s28, v0;
	_ =	sdelay $0x2  }
0x199: {  	v8 =	vsel vm0, $0x0, v8  }
0x19a: {  	[tilespmem:$0x3300] =	vst v8  }
0x19b: {  	v8 =	vld.idx.msk [tilespmem:v9+s14+$0x0], $0xffff  }
0x19c: {  	s29 =	sadd.s32 $0xFFFFFEED, s19  }
0x19d: {  	v9 =	vor.u32 s29, v0;
	_ =	sdelay $0x2  }
0x19e: {  	v8 =	vsel vm0, $0x0, v8  }
0x19f: {  	[tilespmem:$0x3380] =	vst v8  }
0x1a0: {  	v8 =	vld.idx.msk [tilespmem:v9+s14+$0x0], $0xffff  }
0x1a1: {  	s30 =	sadd.s32 $0xFFFFFEF2, s19  }
0x1a2: {  	v9 =	vadd.s32 s30, v0;
	_ =	sdelay $0x2  }
0x1a3: {  	v8 =	vsel vm0, $0x0, v8  }
0x1a4: {  	[tilespmem:$0x4000] =	vst v8  }
0x1a5: {  	v8 =	vld.idx.msk [tilespmem:v9+s14+$0x0], $0xffff  }
0x1a6: {  	s31 =	sadd.s32 $0xFFFFFEF7, s19  }
0x1a7: {  	v9 =	vadd.s32 s31, v0;
	_ =	sdelay $0x2  }
0x1a8: {  	v8 =	vsel vm0, $0x0, v8  }
0x1a9: {  	[tilespmem:$0x4080] =	vst v8  }
0x1aa: {  	v8 =	vld.idx.msk [tilespmem:v9+s14+$0x0], $0xffff  }
0x1ab: {  	s23 =	sadd.s32 $0xFFFFFEFC, s19  }
0x1ac: {  	v9 =	vadd.s32 s23, v0;
	_ =	sdelay $0x2  }
0x1ad: {  	v8 =	vsel vm0, $0x0, v8  }
0x1ae: {  	[tilespmem:$0x4100] =	vst v8  }
0x1af: {  	v8 =	vld.idx.msk [tilespmem:v9+s14+$0x0], $0xffff  }
0x1b0: {  	s24 =	sadd.s32 $0xFFFFFF01, s19  }
0x1b1: {  	v9 =	vadd.s32 s24, v0;
	_ =	sdelay $0x2  }
0x1b2: {  	v8 =	vsel vm0, $0x0, v8  }
0x1b3: {  	[tilespmem:$0x4180] =	vst v8  }
0x1b4: {  	v8 =	vld.idx.msk [tilespmem:v9+s14+$0x0], $0xffff  }
0x1b5: {  	s25 =	sadd.s32 $0xFFFFFF06, s19  }
0x1b6: {  	v9 =	vadd.s32 s25, v0;
	_ =	sdelay $0x2  }
0x1b7: {  	v8 =	vsel vm0, $0x0, v8  }
0x1b8: {  	[tilespmem:$0x4200] =	vst v8  }
0x1b9: {  	v8 =	vld.idx.msk [tilespmem:v9+s14+$0x0], $0xffff  }
0x1ba: {  	s26 =	sadd.s32 $0xFFFFFF0B, s19  }
0x1bb: {  	v9 =	vadd.s32 s26, v0;
	_ =	sdelay $0x2  }
0x1bc: {  	v8 =	vsel vm0, $0x0, v8  }
0x1bd: {  	[tilespmem:$0x4280] =	vst v8  }
0x1be: {  	v8 =	vld.idx.msk [tilespmem:v9+s14+$0x0], $0xffff  }
0x1bf: {  	s28 =	sadd.s32 $0xFFFFFF10, s19  }
0x1c0: {  	v9 =	vadd.s32 s28, v0;
	_ =	sdelay $0x2  }
0x1c1: {  	v8 =	vsel vm0, $0x0, v8  }
0x1c2: {  	[tilespmem:$0x4300] =	vst v8  }
0x1c3: {  	v8 =	vld.idx.msk [tilespmem:v9+s14+$0x0], $0xffff  }
0x1c4: {  	s29 =	sadd.s32 $0xFFFFFF15, s19  }
0x1c5: {  	v9 =	vor.u32 s29, v0;
	_ =	sdelay $0x2  }
0x1c6: {  	v8 =	vsel vm0, $0x0, v8  }
0x1c7: {  	[tilespmem:$0x4380] =	vst v8  }
0x1c8: {  	v8 =	vld.idx.msk [tilespmem:v9+s14+$0x0], $0xffff  }
0x1c9: {  	s30 =	sadd.s32 $0xFFFFFF1A, s19  }
0x1ca: {  	v9 =	vadd.s32 s30, v0;
	_ =	sdelay $0x2  }
0x1cb: {  	v8 =	vsel vm0, $0x0, v8  }
0x1cc: {  	[tilespmem:$0x5000] =	vst v8  }
0x1cd: {  	v8 =	vld.idx.msk [tilespmem:v9+s14+$0x0], $0xffff  }
0x1ce: {  	s31 =	sadd.s32 $0xFFFFFF1F, s19  }
0x1cf: {  	v9 =	vadd.s32 s31, v0;
	_ =	sdelay $0x2  }
0x1d0: {  	v8 =	vsel vm0, $0x0, v8  }
0x1d1: {  	[tilespmem:$0x5080] =	vst v8  }
0x1d2: {  	v8 =	vld.idx.msk [tilespmem:v9+s14+$0x0], $0xffff  }
0x1d3: {  	s23 =	sadd.s32 $0xFFFFFF24, s19  }
0x1d4: {  	v9 =	vadd.s32 s23, v0;
	_ =	sdelay $0x2  }
0x1d5: {  	v8 =	vsel vm0, $0x0, v8  }
0x1d6: {  	[tilespmem:$0x5100] =	vst v8  }
0x1d7: {  	v8 =	vld.idx.msk [tilespmem:v9+s14+$0x0], $0xffff  }
0x1d8: {  	s24 =	sadd.s32 $0xFFFFFF29, s19  }
0x1d9: {  	v9 =	vadd.s32 s24, v0;
	_ =	sdelay $0x2  }
0x1da: {  	v8 =	vsel vm0, $0x0, v8  }
0x1db: {  	[tilespmem:$0x5180] =	vst v8  }
0x1dc: {  	v8 =	vld.idx.msk [tilespmem:v9+s14+$0x0], $0xffff  }
0x1dd: {  	s25 =	sadd.s32 $0xFFFFFF2E, s19  }
0x1de: {  	v9 =	vadd.s32 s25, v0;
	_ =	sdelay $0x2  }
0x1df: {  	v8 =	vsel vm0, $0x0, v8  }
0x1e0: {  	[tilespmem:$0x5200] =	vst v8  }
0x1e1: {  	v8 =	vld.idx.msk [tilespmem:v9+s14+$0x0], $0xffff  }
0x1e2: {  	s26 =	sadd.s32 $0xFFFFFF33, s19  }
0x1e3: {  	v9 =	vadd.s32 s26, v0;
	_ =	sdelay $0x2  }
0x1e4: {  	v8 =	vsel vm0, $0x0, v8  }
0x1e5: {  	[tilespmem:$0x5280] =	vst v8  }
0x1e6: {  	v8 =	vld.idx.msk [tilespmem:v9+s14+$0x0], $0xffff  }
0x1e7: {  	s28 =	sadd.s32 $0xFFFFFF38, s19  }
0x1e8: {  	v9 =	vadd.s32 s28, v0;
	_ =	sdelay $0x2  }
0x1e9: {  	v8 =	vsel vm0, $0x0, v8  }
0x1ea: {  	[tilespmem:$0x5300] =	vst v8  }
0x1eb: {  	v8 =	vld.idx.msk [tilespmem:v9+s14+$0x0], $0xffff  }
0x1ec: {  	s29 =	sadd.s32 $0xFFFFFF3D, s19  }
0x1ed: {  	v9 =	vor.u32 s29, v0;
	_ =	sdelay $0x2  }
0x1ee: {  	v8 =	vsel vm0, $0x0, v8  }
0x1ef: {  	[tilespmem:$0x5380] =	vst v8  }
0x1f0: {  	v8 =	vld.idx.msk [tilespmem:v9+s14+$0x0], $0xffff  }
0x1f1: {  	s30 =	sadd.s32 $0xFFFFFF42, s19  }
0x1f2: {  	v9 =	vadd.s32 s30, v0;
	_ =	sdelay $0x2  }
0x1f3: {  	v8 =	vsel vm0, $0x0, v8  }
0x1f4: {  	[tilespmem:$0x6000] =	vst v8  }
0x1f5: {  	v8 =	vld.idx.msk [tilespmem:v9+s14+$0x0], $0xffff  }
0x1f6: {  	s31 =	sadd.s32 $0xFFFFFF47, s19  }
0x1f7: {  	v9 =	vadd.s32 s31, v0;
	_ =	sdelay $0x2  }
0x1f8: {  	v8 =	vsel vm0, $0x0, v8  }
0x1f9: {  	[tilespmem:$0x6080] =	vst v8  }
0x1fa: {  	v8 =	vld.idx.msk [tilespmem:v9+s14+$0x0], $0xffff  }
0x1fb: {  	s23 =	sadd.s32 $0xFFFFFF4C, s19  }
0x1fc: {  	v9 =	vadd.s32 s23, v0;
	_ =	sdelay $0x2  }
0x1fd: {  	v8 =	vsel vm0, $0x0, v8  }
0x1fe: {  	[tilespmem:$0x6100] =	vst v8  }
0x1ff: {  	v8 =	vld.idx.msk [tilespmem:v9+s14+$0x0], $0xffff  }
0x200: {  	s24 =	sadd.s32 $0xFFFFFF51, s19  }
0x201: {  	v9 =	vadd.s32 s24, v0;
	_ =	sdelay $0x2  }
0x202: {  	v8 =	vsel vm0, $0x0, v8  }
0x203: {  	[tilespmem:$0x6180] =	vst v8  }
0x204: {  	v8 =	vld.idx.msk [tilespmem:v9+s14+$0x0], $0xffff  }
0x205: {  	s25 =	sadd.s32 $0xFFFFFF56, s19  }
0x206: {  	v9 =	vadd.s32 s25, v0;
	_ =	sdelay $0x2  }
0x207: {  	v8 =	vsel vm0, $0x0, v8  }
0x208: {  	[tilespmem:$0x6200] =	vst v8  }
0x209: {  	v8 =	vld.idx.msk [tilespmem:v9+s14+$0x0], $0xffff  }
0x20a: {  	s26 =	sadd.s32 $0xFFFFFF5B, s19  }
0x20b: {  	v9 =	vadd.s32 s26, v0;
	_ =	sdelay $0x2  }
0x20c: {  	v8 =	vsel vm0, $0x0, v8  }
0x20d: {  	[tilespmem:$0x6280] =	vst v8  }
0x20e: {  	v8 =	vld.idx.msk [tilespmem:v9+s14+$0x0], $0xffff  }
0x20f: {  	s28 =	sadd.s32 $0xFFFFFF60, s19  }
0x210: {  	v9 =	vadd.s32 s28, v0;
	_ =	sdelay $0x2  }
0x211: {  	v8 =	vsel vm0, $0x0, v8  }
0x212: {  	[tilespmem:$0x6300] =	vst v8  }
0x213: {  	v8 =	vld.idx.msk [tilespmem:v9+s14+$0x0], $0xffff  }
0x214: {  	s29 =	sadd.s32 $0xFFFFFFD0, s20  }
0x215: {  	v9 =	vor.u32 s29, v5;
	_ =	sdelay $0x2  }
0x216: {  	v8 =	vsel vm0, $0x0, v8  }
0x217: {  	[tilespmem:$0x6380] =	vst v8  }
0x218: {  	v8 =	vld.idx.msk [tilespmem:v9+s2+$0x0], $0xffff;
	_ =	sdelay $0x4  }
0x219: {  	v9 =	vshll.u32 v8, $0x3  }
0x21a: {  	v8 =	vand.u32 $0x7F, v8;
	v9 =	vand.u32 $0xFFFFFC00, v9  }
0x21b: {  	v8 =	vor.u32 v8, v9  }
0x21c: {  	s30 =	sadd.s32 $0xFFFFFFE0, s20;
	v8 =	vadd.s32 v1, v8  }
0x21d: {  	v9 =	vor.u32 s30, v5;
	_ =	sdelay $0x3  }
0x21e: {  	[tilespmem:v8+s15+$0x0] =	vst.idx.msk $0xffff, v6  }
0x21f: {  	v8 =	vld.idx.msk [tilespmem:v9+s2+$0x0], $0xffff;
	_ =	sdelay $0x4  }
0x220: {  	v9 =	vshll.u32 v8, $0x3  }
0x221: {  	v8 =	vand.u32 $0x7F, v8;
	v9 =	vand.u32 $0xFFFFFC00, v9  }
0x222: {  	v8 =	vor.u32 v8, v9  }
0x223: {  	v8 =	vadd.s32 v2, v8;
	_ =	sdelay $0x3  }
0x224: {  	s31 =	sadd.s32 $0xFFFFFF65, s19  }
0x225: {  	[tilespmem:v8+s15+$0x0] =	vst.idx.msk $0xffff, v6;
	v8 =	vor.u32 s31, v0  }
0x226: {  	[hbm4b:s21+s2] =	stream.linear.scatter [tilespmem:s15], [sflag:$0x1], $0x4000, $0x38;
	[tilespmem:$0xB000] =	vst v63  }
0x227: {  	_ =	swait.ge [sflag:s17], $0x4000  }
0x228: {  	[sflag:s17] =	ssyncset.done $0x0  }
0x229: {  	[sflag:s17] =	ssyncadd.s32 $0xFFFFC000  }
0x22a: {  	v8 =	vld.idx.msk [tilespmem:v8+s14+$0x0], $0xffff  }
0x22b: {  	s23 =	sadd.s32 $0xFFFFFF6A, s19  }
0x22c: {  	v9 =	vadd.s32 s23, v0;
	_ =	sdelay $0x2  }
0x22d: {  	v8 =	vsel vm0, $0x0, v8  }
0x22e: {  	[tilespmem:$0x7000] =	vst v8  }
0x22f: {  	v8 =	vld.idx.msk [tilespmem:v9+s14+$0x0], $0xffff  }
0x230: {  	s24 =	sadd.s32 $0xFFFFFF6F, s19  }
0x231: {  	v9 =	vadd.s32 s24, v0;
	_ =	sdelay $0x2  }
0x232: {  	v8 =	vsel vm0, $0x0, v8  }
0x233: {  	[tilespmem:$0x7080] =	vst v8  }
0x234: {  	v8 =	vld.idx.msk [tilespmem:v9+s14+$0x0], $0xffff  }
0x235: {  	s25 =	sadd.s32 $0xFFFFFF74, s19  }
0x236: {  	v9 =	vadd.s32 s25, v0;
	_ =	sdelay $0x2  }
0x237: {  	v8 =	vsel vm0, $0x0, v8  }
0x238: {  	[tilespmem:$0x7100] =	vst v8  }
0x239: {  	v8 =	vld.idx.msk [tilespmem:v9+s14+$0x0], $0xffff  }
0x23a: {  	s26 =	sadd.s32 $0xFFFFFF79, s19  }
0x23b: {  	v9 =	vadd.s32 s26, v0;
	_ =	sdelay $0x2  }
0x23c: {  	v8 =	vsel vm0, $0x0, v8  }
0x23d: {  	[tilespmem:$0x7180] =	vst v8  }
0x23e: {  	v8 =	vld.idx.msk [tilespmem:v9+s14+$0x0], $0xffff  }
0x23f: {  	s28 =	sadd.s32 $0xFFFFFF7E, s19  }
0x240: {  	v9 =	vadd.s32 s28, v0;
	_ =	sdelay $0x2  }
0x241: {  	v8 =	vsel vm0, $0x0, v8  }
0x242: {  	[tilespmem:$0x7200] =	vst v8  }
0x243: {  	v8 =	vld.idx.msk [tilespmem:v9+s14+$0x0], $0xffff  }
0x244: {  	s29 =	sadd.s32 $0xFFFFFF83, s19  }
0x245: {  	v9 =	vadd.s32 s29, v0;
	_ =	sdelay $0x2  }
0x246: {  	v8 =	vsel vm0, $0x0, v8  }
0x247: {  	[tilespmem:$0x7280] =	vst v8  }
0x248: {  	v8 =	vld.idx.msk [tilespmem:v9+s14+$0x0], $0xffff  }
0x249: {  	s30 =	sadd.s32 $0xFFFFFF88, s19  }
0x24a: {  	v9 =	vadd.s32 s30, v0;
	_ =	sdelay $0x2  }
0x24b: {  	v8 =	vsel vm0, $0x0, v8  }
0x24c: {  	[tilespmem:$0x7300] =	vst v8  }
0x24d: {  	v8 =	vld.idx.msk [tilespmem:v9+s14+$0x0], $0xffff  }
0x24e: {  	s31 =	sadd.s32 $0xFFFFFF8D, s19  }
0x24f: {  	v9 =	vor.u32 s31, v0;
	_ =	sdelay $0x2  }
0x250: {  	v8 =	vsel vm0, $0x0, v8  }
0x251: {  	[tilespmem:$0x7380] =	vst v8  }
0x252: {  	v8 =	vld.idx.msk [tilespmem:v9+s14+$0x0], $0xffff  }
0x253: {  	s23 =	sadd.s32 $0xFFFFFF92, s19  }
0x254: {  	v9 =	vadd.s32 s23, v0;
	_ =	sdelay $0x2  }
0x255: {  	v8 =	vsel vm0, $0x0, v8  }
0x256: {  	[tilespmem:$0x8000] =	vst v8  }
0x257: {  	v8 =	vld.idx.msk [tilespmem:v9+s14+$0x0], $0xffff  }
0x258: {  	s24 =	sadd.s32 $0xFFFFFF97, s19  }
0x259: {  	v9 =	vadd.s32 s24, v0;
	_ =	sdelay $0x2  }
0x25a: {  	v8 =	vsel vm0, $0x0, v8  }
0x25b: {  	[tilespmem:$0x8080] =	vst v8  }
0x25c: {  	v8 =	vld.idx.msk [tilespmem:v9+s14+$0x0], $0xffff  }
0x25d: {  	s25 =	sadd.s32 $0xFFFFFF9C, s19  }
0x25e: {  	v9 =	vadd.s32 s25, v0;
	_ =	sdelay $0x2  }
0x25f: {  	v8 =	vsel vm0, $0x0, v8  }
0x260: {  	[tilespmem:$0x8100] =	vst v8  }
0x261: {  	v8 =	vld.idx.msk [tilespmem:v9+s14+$0x0], $0xffff  }
0x262: {  	s26 =	sadd.s32 $0xFFFFFFA1, s19  }
0x263: {  	v9 =	vadd.s32 s26, v0;
	_ =	sdelay $0x2  }
0x264: {  	v8 =	vsel vm0, $0x0, v8  }
0x265: {  	[tilespmem:$0x8180] =	vst v8  }
0x266: {  	v8 =	vld.idx.msk [tilespmem:v9+s14+$0x0], $0xffff  }
0x267: {  	s28 =	sadd.s32 $0xFFFFFFA6, s19  }
0x268: {  	v9 =	vadd.s32 s28, v0;
	_ =	sdelay $0x2  }
0x269: {  	v8 =	vsel vm0, $0x0, v8  }
0x26a: {  	[tilespmem:$0x8200] =	vst v8  }
0x26b: {  	v8 =	vld.idx.msk [tilespmem:v9+s14+$0x0], $0xffff  }
0x26c: {  	s29 =	sadd.s32 $0xFFFFFFAB, s19  }
0x26d: {  	v9 =	vadd.s32 s29, v0;
	_ =	sdelay $0x2  }
0x26e: {  	v8 =	vsel vm0, $0x0, v8  }
0x26f: {  	[tilespmem:$0x8280] =	vst v8  }
0x270: {  	v8 =	vld.idx.msk [tilespmem:v9+s14+$0x0], $0xffff  }
0x271: {  	s30 =	sadd.s32 $0xFFFFFFB0, s19  }
0x272: {  	v9 =	vadd.s32 s30, v0;
	_ =	sdelay $0x2  }
0x273: {  	v8 =	vsel vm0, $0x0, v8  }
0x274: {  	[tilespmem:$0x8300] =	vst v8  }
0x275: {  	v8 =	vld.idx.msk [tilespmem:v9+s14+$0x0], $0xffff  }
0x276: {  	s31 =	sadd.s32 $0xFFFFFFB5, s19  }
0x277: {  	v9 =	vor.u32 s31, v0;
	_ =	sdelay $0x2  }
0x278: {  	v8 =	vsel vm0, $0x0, v8  }
0x279: {  	[tilespmem:$0x8380] =	vst v8  }
0x27a: {  	v8 =	vld.idx.msk [tilespmem:v9+s14+$0x0], $0xffff  }
0x27b: {  	s23 =	sadd.s32 $0xFFFFFFBA, s19  }
0x27c: {  	v9 =	vadd.s32 s23, v0;
	_ =	sdelay $0x2  }
0x27d: {  	v8 =	vsel vm0, $0x0, v8  }
0x27e: {  	[tilespmem:$0x9000] =	vst v8  }
0x27f: {  	v8 =	vld.idx.msk [tilespmem:v9+s14+$0x0], $0xffff  }
0x280: {  	s24 =	sadd.s32 $0xFFFFFFBF, s19  }
0x281: {  	v9 =	vadd.s32 s24, v0;
	_ =	sdelay $0x2  }
0x282: {  	v8 =	vsel vm0, $0x0, v8  }
0x283: {  	[tilespmem:$0x9080] =	vst v8  }
0x284: {  	v8 =	vld.idx.msk [tilespmem:v9+s14+$0x0], $0xffff  }
0x285: {  	s25 =	sadd.s32 $0xFFFFFFC4, s19  }
0x286: {  	v9 =	vadd.s32 s25, v0;
	_ =	sdelay $0x2  }
0x287: {  	v8 =	vsel vm0, $0x0, v8  }
0x288: {  	[tilespmem:$0x9100] =	vst v8  }
0x289: {  	v8 =	vld.idx.msk [tilespmem:v9+s14+$0x0], $0xffff  }
0x28a: {  	s26 =	sadd.s32 $0xFFFFFFC9, s19  }
0x28b: {  	v9 =	vadd.s32 s26, v0;
	_ =	sdelay $0x2  }
0x28c: {  	v8 =	vsel vm0, $0x0, v8  }
0x28d: {  	[tilespmem:$0x9180] =	vst v8  }
0x28e: {  	v8 =	vld.idx.msk [tilespmem:v9+s14+$0x0], $0xffff  }
0x28f: {  	s28 =	sadd.s32 $0xFFFFFFCE, s19  }
0x290: {  	v9 =	vadd.s32 s28, v0;
	_ =	sdelay $0x2  }
0x291: {  	v8 =	vsel vm0, $0x0, v8  }
0x292: {  	[tilespmem:$0x9200] =	vst v8  }
0x293: {  	v8 =	vld.idx.msk [tilespmem:v9+s14+$0x0], $0xffff  }
0x294: {  	s29 =	sadd.s32 $0xFFFFFFD3, s19  }
0x295: {  	v9 =	vadd.s32 s29, v0;
	_ =	sdelay $0x2  }
0x296: {  	v8 =	vsel vm0, $0x0, v8  }
0x297: {  	[tilespmem:$0x9280] =	vst v8  }
0x298: {  	v8 =	vld.idx.msk [tilespmem:v9+s14+$0x0], $0xffff  }
0x299: {  	s30 =	sadd.s32 $0xFFFFFFD8, s19  }
0x29a: {  	v9 =	vadd.s32 s30, v0;
	_ =	sdelay $0x2  }
0x29b: {  	v8 =	vsel vm0, $0x0, v8  }
0x29c: {  	[tilespmem:$0x9300] =	vst v8  }
0x29d: {  	v8 =	vld.idx.msk [tilespmem:v9+s14+$0x0], $0xffff  }
0x29e: {  	s31 =	sadd.s32 $0xFFFFFFDD, s19  }
0x29f: {  	v9 =	vor.u32 s31, v0;
	_ =	sdelay $0x2  }
0x2a0: {  	v8 =	vsel vm0, $0x0, v8  }
0x2a1: {  	[tilespmem:$0x9380] =	vst v8  }
0x2a2: {  	v8 =	vld.idx.msk [tilespmem:v9+s14+$0x0], $0xffff  }
0x2a3: {  	s23 =	sadd.s32 $0xFFFFFFE2, s19  }
0x2a4: {  	v9 =	vadd.s32 s23, v0;
	_ =	sdelay $0x2  }
0x2a5: {  	v8 =	vsel vm0, $0x0, v8  }
0x2a6: {  	[tilespmem:$0xA000] =	vst v8  }
0x2a7: {  	v8 =	vld.idx.msk [tilespmem:v9+s14+$0x0], $0xffff  }
0x2a8: {  	s24 =	sadd.s32 $0xFFFFFFE7, s19  }
0x2a9: {  	v9 =	vadd.s32 s24, v0;
	_ =	sdelay $0x2  }
0x2aa: {  	v8 =	vsel vm0, $0x0, v8  }
0x2ab: {  	[tilespmem:$0xA080] =	vst v8  }
0x2ac: {  	v8 =	vld.idx.msk [tilespmem:v9+s14+$0x0], $0xffff  }
0x2ad: {  	s25 =	sadd.s32 $0xFFFFFFEC, s19  }
0x2ae: {  	v9 =	vadd.s32 s25, v0;
	_ =	sdelay $0x2  }
0x2af: {  	v8 =	vsel vm0, $0x0, v8  }
0x2b0: {  	[tilespmem:$0xA100] =	vst v8  }
0x2b1: {  	v8 =	vld.idx.msk [tilespmem:v9+s14+$0x0], $0xffff  }
0x2b2: {  	s26 =	sadd.s32 $0xFFFFFFF1, s19  }
0x2b3: {  	v9 =	vadd.s32 s26, v0;
	_ =	sdelay $0x2  }
0x2b4: {  	v8 =	vsel vm0, $0x0, v8  }
0x2b5: {  	[tilespmem:$0xA180] =	vst v8  }
0x2b6: {  	v8 =	vld.idx.msk [tilespmem:v9+s14+$0x0], $0xffff  }
0x2b7: {  	s28 =	sadd.s32 $0xFFFFFFF6, s19  }
0x2b8: {  	v9 =	vadd.s32 s28, v0;
	_ =	sdelay $0x2  }
0x2b9: {  	v8 =	vsel vm0, $0x0, v8  }
0x2ba: {  	[tilespmem:$0xA200] =	vst v8  }
0x2bb: {  	v8 =	vld.idx.msk [tilespmem:v9+s14+$0x0], $0xffff  }
0x2bc: {  	s29 =	sadd.s32 $0xFFFFFFFB, s19  }
0x2bd: {  	v9 =	vadd.s32 s29, v0;
	_ =	sdelay $0x2  }
0x2be: {  	v8 =	vsel vm0, $0x0, v8  }
0x2bf: {  	[tilespmem:$0xA280] =	vst v8  }
0x2c0: {  	v8 =	vld.idx.msk [tilespmem:v9+s14+$0x0], $0xffff;
	_ =	sdelay $0x1  }
0x2c1: {  	v9 =	vadd.s32 s19, v0;
	_ =	sdelay $0x2  }
0x2c2: {  	v8 =	vsel vm0, $0x0, v8  }
0x2c3: {  	[tilespmem:$0xA300] =	vst v8  }
0x2c4: {  	v8 =	vld.idx.msk [tilespmem:v9+s14+$0x0], $0xffff  }
0x2c5: {  	s30 =	sadd.s32 $0xFFFFFFF0, s20  }
0x2c6: {  	v9 =	vor.u32 s30, v5;
	_ =	sdelay $0x2  }
0x2c7: {  	v8 =	vsel vm0, $0x0, v8  }
0x2c8: {  	[tilespmem:$0xA380] =	vst v8  }
0x2c9: {  	v8 =	vld.idx.msk [tilespmem:v9+s2+$0x0], $0xffff;
	_ =	sdelay $0x4  }
0x2ca: {  	v9 =	vshll.u32 v8, $0x3  }
0x2cb: {  	v8 =	vand.u32 $0x7F, v8;
	v9 =	vand.u32 $0xFFFFFC00, v9  }
0x2cc: {  	v8 =	vor.u32 v8, v9  }
0x2cd: {  	v8 =	vadd.s32 v1, v8  }
0x2ce: {  	v9 =	vor.u32 s20, v5;
	_ =	sdelay $0x3  }
0x2cf: {  	[tilespmem:v8+s16+$0x0] =	vst.idx.msk $0xffff, v6  }
0x2d0: {  	v8 =	vld.idx.msk [tilespmem:v9+s2+$0x0], $0xffff;
	_ =	sdelay $0x4  }
0x2d1: {  	v9 =	vshll.u32 v8, $0x3  }
0x2d2: {  	v8 =	vand.u32 $0x7F, v8;
	v9 =	vand.u32 $0xFFFFFC00, v9  }
0x2d3: {  	v8 =	vor.u32 v8, v9  }
0x2d4: {  	v8 =	vadd.s32 v2, v8  }
0x2d5: {  	p0 =	sne.s32 s19, $0x27FB  }
.Ltmp0:
0x2d6: {  	_ = 	snop;
	(pc) =	sbr.rel @p0 .LBB2_2-.Ltmp0, $4  }
0x2d7: {  	_ = 	snop  }
0x2d8: {  	s31 =	sadd.s32 $0x800, s21  }
0x2d9: {  	s21 =	sadd.s32 $0x1000, s21;
	s19 =	sadd.s32 $0x140, s19;
	s20 =	sadd.s32 $0x40, s20;
	[tilespmem:v8+s16+$0x0] =	vst.idx.msk $0xffff, v6  }
0x2da: {  	[hbm4b:s31+s2] =	stream.linear.scatter [tilespmem:s16], [sflag:$0x2], $0x4000, $0x38;
	[tilespmem:$0xB000] =	vst v63  }
0x2db: {  	s18 =	sadd.s32 $0x1, s18  }
0x2dc: {  	_ =	swait.ge [sflag:s3], $0x4000;
	p0 =	sne.s32 s18, s9  }
.Ltmp1:
0x2dd: {  	[sflag:s3] =	ssyncset.done $0x0;
	(pc) =	sbr.rel @p0 .LBB2_1-.Ltmp1, $4  }
0x2de: {  	[sflag:s3] =	ssyncadd.s32 $0xFFFFC000  }
0x2df: {  	_ =	swait.ge [sflag:s17], $0x4000  }
0x2e0: {  	[sflag:s17] =	ssyncset.done $0x0  }
0x2e1: {  	[sflag:s17] =	ssyncadd.s32 $0xFFFFC000  }
0x2e2: {  	_ =	sfence.sel $0x180000  }
0x2e3: {  	[bflag:$0x0] =	sbarrier.arrive $0xFFFF  }
0x2e4: {  	p0 =	sne.s32 s0, $0x0;
	_ =	strace $0x90000047  }
0x2e5: {  	s0 =	sadd.s32 @!p0 $0x100000, s1;
	[bflag:$0x2] =	sbarrier.arrive $0xFFFF  }
0x2e6: {  	[sflag:s0] =	ssyncadd.tile.s32 @!p0 $0x1;
	_ =	shalt  }
.Lfunc_end2:
_tile_overlayer_lowered:
.L_overlay_start_2:
0x2e7: {  	(tag) =	ssettag $0x2  }
0x2e8: {  	s0 =	rddreg [dreg:$0x0];
	s2 =	stileid.u32  }
0x2e9: {  	s1 =	rddreg [dreg:$0x1];
	p0 =	sne.s32 s2, $0x0  }
0x2ea: {  	s3 =	rddreg [dreg:$0x2];
	[bflag:$0x3] =	sbarrier.arrive $0xFFFF;
	s2 =	simm.s32 @!p0 $0x1C03  }
0x2eb: {  	[timem:s3], [sflag:s2] =	dma.local @!p0 [hbm:s0], s1  }
0x2ec: {  	s0 =	simm.s32 @!p0 $0x3  }
0x2ed: {  	_ =	swait.ge @!p0 [sflag:s0], s1  }
0x2ee: {  	s1 =	ssub.s32 @!p0 $0x0, s1;
	[sflag:s0] =	ssyncset.done @!p0 $0x0  }
0x2ef: {  	[sflag:s0] =	ssyncadd.s32 @!p0 s1  }
0x2f0: {  	[bflag:$0x3] =	sbarrier.arrive $0xFFFF  }
0x2f1: {  	_ =	shalt  }

</sc_bundles>
